<compile_context>
chip_gen: v7x
topology: tpu7x:2x2x1
jax: 0.10.2.dev20260603
libtpu: 0.0.44.dev20260713+nightly
codegen_flags: <defaults>
</compile_context>

<pallas_src>
import functools

import jax
import jax.numpy as jnp
from jax import lax
from jax.experimental import pallas as pl
from jax.experimental.pallas import tpu as pltpu
from jax.experimental.pallas import tpu_sc as plsc

_B = 1024
_N = 200
_HALF = 64
_ROWS = 1000
_NC = 2
_NS = 16
_NW = _NC * _NS
_E = (_B * _N) // _NW
_RPI = 320
_G = 2
_NBUF = 2
_GROUP_ROWS = _G * _RPI
_CPG = _GROUP_ROWS // 2
_NGRP = (2 * _E) // _GROUP_ROWS


def _make_kernel():
  mesh = plsc.VectorSubcoreMesh(core_axis_name="c", subcore_axis_name="s")

  @functools.partial(
      pl.kernel,
      mesh=mesh,
      compiler_params=pltpu.CompilerParams(
          needs_layout_passes=False, use_tc_tiling_on_sc=False),
      out_type=jax.ShapeDtypeStruct((_B * _N * 2, _HALF), jnp.float32),
      scratch_types=[
          pltpu.VMEM((_E,), jnp.int32),
          pltpu.VMEM((_E,), jnp.int32),
          pltpu.VMEM((2 * _E,), jnp.int32),
          pltpu.VMEM((_NBUF, _GROUP_ROWS, _HALF), jnp.float32),
          pltpu.VMEM_SHARED((2 * _ROWS, _HALF), jnp.float32),
          pltpu.SemaphoreType.DMA,
          pltpu.SemaphoreType.DMA,
      ],
  )
  def body(h_hbm, w_hbm, peh_hbm, pew_hbm, out_hbm, hbuf, wbuf, ibuf, gbuf,
           tab_sp, gsem, wsem):
    sid = lax.axis_index("s")
    wid = sid * _NC + lax.axis_index("c")
    ebase = wid * _E

    @pl.when(sid == 0)
    def _stage_table():
      pltpu.sync_copy(peh_hbm, tab_sp.at[pl.ds(0, _ROWS)])
      pltpu.sync_copy(pew_hbm, tab_sp.at[pl.ds(_ROWS, _ROWS)])

    pltpu.sync_copy(h_hbm.at[pl.ds(ebase, _E)], hbuf)
    pltpu.sync_copy(w_hbm.at[pl.ds(ebase, _E)], wbuf)

    def interleave_chunk(g):
      i0 = g * (_CPG // 16)

      def step(i, carry):
        hv = hbuf[pl.ds(i * 16, 16)]
        wv = wbuf[pl.ds(i * 16, 16)] + _ROWS
        flat = 32 * i + 2 * lax.iota(jnp.int32, 16)
        plsc.store_scatter(ibuf, [flat], hv)
        plsc.store_scatter(ibuf, [flat + 1], wv)
        return carry

      lax.fori_loop(i0, i0 + _CPG // 16, step, 0)

    interleave_chunk(0)
    plsc.subcore_barrier()

    rbase = wid * 2 * _E
    write_handles = [None] * _NBUF
    for g in range(_NGRP):
      p = g % _NBUF
      if write_handles[p] is not None:
        write_handles[p].wait()
      gather_handles = []
      for t in range(_G):
        j = g * _G + t
        gather_handles.append(
            pltpu.async_copy(
                tab_sp.at[ibuf.at[pl.ds(j * _RPI, _RPI)]],
                gbuf.at[p, pl.ds(t * _RPI, _RPI)],
                gsem,
            )
        )
      if g + 1 < _NGRP:
        interleave_chunk(g + 1)
      for h in gather_handles:
        h.wait()
      write_handles[p] = pltpu.async_copy(
          gbuf.at[p],
          out_hbm.at[pl.ds(rbase + g * _GROUP_ROWS, _GROUP_ROWS)],
          wsem,
      )
    for h in write_handles:
      if h is not None:
        h.wait()

  return body


_gather_kernel = _make_kernel()


@jax.jit
def kernel(height_positions, width_positions, pe_h, pe_w):
  h = height_positions.reshape(-1)
  w = width_positions.reshape(-1)
  out = _gather_kernel(h, w, pe_h, pe_w)
  return out.reshape(_B, _N, 2 * _HALF)

# --- scband reference (transcript-rebuilt; emitter-appended) ---
"""Pipeline reference for scband-positional-encoding2-d-41102837023205 (READ-ONLY COPY).

The authoritative reference and input builder live on the scoring server;
editing this copy changes nothing except your own understanding.
"""

import jax, jax.numpy as jnp
import numpy as np
import math

EMBED_DIM = 128
MAX_H = 1000
MAX_W = 1000
B = 1024
N = 200

def _build_pe(max_len, embed_dim):
    half = embed_dim // 2
    pe = np.zeros((max_len, half), dtype=np.float32)
    position = np.arange(0, max_len, dtype=np.float32)[:, None]
    div_term = np.exp(np.arange(0, half, 2, dtype=np.float32) * -(math.log(10000.0) / half))
    pe[:, 0::2] = np.sin(position * div_term)
    pe[:, 1::2] = np.cos(position * div_term)
    return jnp.asarray(pe)

def setup_inputs(seed: int = 0) -> dict:
    key = jax.random.key(seed)
    kh, kw = jax.random.split(key)
    height_positions = jax.random.randint(kh, (B, N), 0, MAX_H, dtype=jnp.int64 if jax.config.jax_enable_x64 else jnp.int32).astype(jnp.int32)
    width_positions = jax.random.randint(kw, (B, N), 0, MAX_W, dtype=jnp.int64 if jax.config.jax_enable_x64 else jnp.int32).astype(jnp.int32)
    pe_h = _build_pe(MAX_H, EMBED_DIM)
    pe_w = _build_pe(MAX_W, EMBED_DIM)
    return {"height_positions": height_positions, "width_positions": width_positions, "pe_h": pe_h, "pe_w": pe_w}

def reference(height_positions, width_positions, pe_h, pe_w):
    # Gather rows from each positional table, then concat along feature dim.
    h_enc = jnp.take(pe_h, height_positions, axis=0)   # [B, N, D/2]
    w_enc = jnp.take(pe_w, width_positions, axis=0)    # [B, N, D/2]
    pos_enc = jnp.concatenate([h_enc, w_enc], axis=-1) # [B, N, D]
    return pos_enc

if __name__ == "__main__":
    import jax
    _d = setup_inputs()
    print(jax.jit(kernel)(*tuple(_d.values())))

</pallas_src>

<mosaic_0001>
#map = affine_map<(d0, d1) -> (0)>
#map1 = affine_map<(d0, d1) -> (0, 0)>
module attributes {stable_mosaic.version = 14 : i64} {
  func.func @body(%arg0: i32, %arg1: i32, %arg2: memref<204800xi32, #tpu.memory_space<hbm>>, %arg3: memref<204800xi32, #tpu.memory_space<hbm>>, %arg4: memref<1000x64xf32, #tpu.memory_space<hbm>>, %arg5: memref<1000x64xf32, #tpu.memory_space<hbm>>, %arg6: memref<409600x64xf32, #tpu.memory_space<hbm>>, %arg7: memref<6400xi32, #tpu.memory_space<vmem>>, %arg8: memref<6400xi32, #tpu.memory_space<vmem>>, %arg9: memref<12800xi32, #tpu.memory_space<vmem>>, %arg10: memref<2x640x64xf32, #tpu.memory_space<vmem>>, %arg11: memref<2000x64xf32, #tpu.memory_space<vmem_shared>>, %arg12: memref<!tpu.dma_semaphore, #tpu.memory_space<semaphore_mem>>, %arg13: memref<!tpu.dma_semaphore, #tpu.memory_space<semaphore_mem>>) attributes {dimension_semantics = [#tpu.dimension_semantics<core_parallel>, #tpu.dimension_semantics<subcore_parallel>], iteration_bounds = array<i64: 2, 16>, scalar_prefetch = 0 : i64, scratch_operands = 7 : i64, tpu.core_type = #tpu.core_type<sc_vector_subcore>, window_params = [{transform_indices = #map}, {transform_indices = #map}, {transform_indices = #map1}, {transform_indices = #map1}, {transform_indices = #map1}]} {
    %mul3A = arith.constant 2 : i32
    %mul3A_0 = arith.muli %arg1, %mul3A : i32
    %add3A = arith.addi %mul3A_0, %arg0 : i32
    %mul3A_1 = arith.constant 6400 : i32
    %mul3A_2 = arith.muli %add3A, %mul3A_1 : i32
    %eq3A = arith.constant 0 : i32
    %eq3A_3 = arith.cmpi eq, %arg1, %eq3A : i32
    %convert_element_type3A = arith.extui %eq3A_3 : i1 to i32
    %cond3A = arith.constant 0 : i32
    %cond3A_4 = arith.cmpi ne, %convert_element_type3A, %cond3A : i32
    scf.if %cond3A_4 {
      "tpu.region"() ({
        %run_scoped3A = tpu.sem_alloc : memref<!tpu.dma_semaphore, #tpu.memory_space<semaphore_mem>>
        %dma_start3A_1486 = arith.constant 0 : i32
        %dma_start3A_1487 = arith.constant 0 : i32
        %dma_start3A_1488 = tpu.memref_slice %arg11[%dma_start3A_1486, %dma_start3A_1487] : memref<2000x64xf32, #tpu.memory_space<vmem_shared>> -> memref<1000x64xf32, #tpu.memory_space<vmem_shared>>
        tpu.enqueue_dma source(%arg4 : memref<1000x64xf32, #tpu.memory_space<hbm>>) target(%dma_start3A_1488 : memref<1000x64xf32, #tpu.memory_space<vmem_shared>>) target_semaphore(%run_scoped3A : memref<!tpu.dma_semaphore, #tpu.memory_space<semaphore_mem>>)
        %dma_wait3A_1489 = arith.constant 0 : i32
        %dma_wait3A_1490 = arith.constant 0 : i32
        %dma_wait3A_1491 = tpu.memref_slice %arg11[%dma_wait3A_1489, %dma_wait3A_1490] : memref<2000x64xf32, #tpu.memory_space<vmem_shared>> -> memref<1000x64xf32, #tpu.memory_space<vmem_shared>>
        tpu.wait_dma2 semaphore(%run_scoped3A : memref<!tpu.dma_semaphore, #tpu.memory_space<semaphore_mem>>) src(%arg4 : memref<1000x64xf32, #tpu.memory_space<hbm>>) dst(%dma_wait3A_1491 : memref<1000x64xf32, #tpu.memory_space<vmem_shared>>)
        tpu.yield
      }) : () -> ()
      "tpu.region"() ({
        %run_scoped3A = tpu.sem_alloc : memref<!tpu.dma_semaphore, #tpu.memory_space<semaphore_mem>>
        %dma_start3A_1486 = arith.constant 1000 : i32
        %dma_start3A_1487 = arith.constant 0 : i32
        %dma_start3A_1488 = tpu.memref_slice %arg11[%dma_start3A_1486, %dma_start3A_1487] : memref<2000x64xf32, #tpu.memory_space<vmem_shared>> -> memref<1000x64xf32, #tpu.memory_space<vmem_shared>>
        tpu.enqueue_dma source(%arg5 : memref<1000x64xf32, #tpu.memory_space<hbm>>) target(%dma_start3A_1488 : memref<1000x64xf32, #tpu.memory_space<vmem_shared>>) target_semaphore(%run_scoped3A : memref<!tpu.dma_semaphore, #tpu.memory_space<semaphore_mem>>)
        %dma_wait3A_1489 = arith.constant 1000 : i32
        %dma_wait3A_1490 = arith.constant 0 : i32
        %dma_wait3A_1491 = tpu.memref_slice %arg11[%dma_wait3A_1489, %dma_wait3A_1490] : memref<2000x64xf32, #tpu.memory_space<vmem_shared>> -> memref<1000x64xf32, #tpu.memory_space<vmem_shared>>
        tpu.wait_dma2 semaphore(%run_scoped3A : memref<!tpu.dma_semaphore, #tpu.memory_space<semaphore_mem>>) src(%arg5 : memref<1000x64xf32, #tpu.memory_space<hbm>>) dst(%dma_wait3A_1491 : memref<1000x64xf32, #tpu.memory_space<vmem_shared>>)
        tpu.yield
      }) : () -> ()
    } else {
    }
    "tpu.region"() ({
      %run_scoped3A = tpu.sem_alloc : memref<!tpu.dma_semaphore, #tpu.memory_space<semaphore_mem>>
      %dma_start3A_1486 = tpu.memref_slice %arg2[%mul3A_2] : memref<204800xi32, #tpu.memory_space<hbm>> -> memref<6400xi32, #tpu.memory_space<hbm>>
      %dma_start3A_1487 = tpu.memref_slice %arg2[%mul3A_2] : memref<204800xi32, #tpu.memory_space<hbm>> -> memref<6400xi32, #tpu.memory_space<hbm>>
      tpu.enqueue_dma source(%dma_start3A_1487 : memref<6400xi32, #tpu.memory_space<hbm>>) target(%arg7 : memref<6400xi32, #tpu.memory_space<vmem>>) target_semaphore(%run_scoped3A : memref<!tpu.dma_semaphore, #tpu.memory_space<semaphore_mem>>)
      %dma_wait3A_1488 = tpu.memref_slice %arg2[%mul3A_2] : memref<204800xi32, #tpu.memory_space<hbm>> -> memref<6400xi32, #tpu.memory_space<hbm>>
      %dma_wait3A_1489 = tpu.memref_slice %arg2[%mul3A_2] : memref<204800xi32, #tpu.memory_space<hbm>> -> memref<6400xi32, #tpu.memory_space<hbm>>
      tpu.wait_dma2 semaphore(%run_scoped3A : memref<!tpu.dma_semaphore, #tpu.memory_space<semaphore_mem>>) src(%dma_wait3A_1489 : memref<6400xi32, #tpu.memory_space<hbm>>) dst(%arg7 : memref<6400xi32, #tpu.memory_space<vmem>>)
      tpu.yield
    }) : () -> ()
    "tpu.region"() ({
      %run_scoped3A = tpu.sem_alloc : memref<!tpu.dma_semaphore, #tpu.memory_space<semaphore_mem>>
      %dma_start3A_1486 = tpu.memref_slice %arg3[%mul3A_2] : memref<204800xi32, #tpu.memory_space<hbm>> -> memref<6400xi32, #tpu.memory_space<hbm>>
      %dma_start3A_1487 = tpu.memref_slice %arg3[%mul3A_2] : memref<204800xi32, #tpu.memory_space<hbm>> -> memref<6400xi32, #tpu.memory_space<hbm>>
      tpu.enqueue_dma source(%dma_start3A_1487 : memref<6400xi32, #tpu.memory_space<hbm>>) target(%arg8 : memref<6400xi32, #tpu.memory_space<vmem>>) target_semaphore(%run_scoped3A : memref<!tpu.dma_semaphore, #tpu.memory_space<semaphore_mem>>)
      %dma_wait3A_1488 = tpu.memref_slice %arg3[%mul3A_2] : memref<204800xi32, #tpu.memory_space<hbm>> -> memref<6400xi32, #tpu.memory_space<hbm>>
      %dma_wait3A_1489 = tpu.memref_slice %arg3[%mul3A_2] : memref<204800xi32, #tpu.memory_space<hbm>> -> memref<6400xi32, #tpu.memory_space<hbm>>
      tpu.wait_dma2 semaphore(%run_scoped3A : memref<!tpu.dma_semaphore, #tpu.memory_space<semaphore_mem>>) src(%dma_wait3A_1489 : memref<6400xi32, #tpu.memory_space<hbm>>) dst(%arg8 : memref<6400xi32, #tpu.memory_space<vmem>>)
      tpu.yield
    }) : () -> ()
    %scan3A = arith.constant 0 : i32
    %scan3A_5 = arith.constant 0 : i32
    %scan3A_6 = arith.constant 20 : i32
    %scan3A_7 = arith.addi %scan3A_5, %scan3A_6 : i32
    %scan3A_8 = arith.constant 1 : i32
    scf.for %scan3A_1486 = %scan3A_5 to %scan3A_7 step %scan3A_8  : i32 {
      %mul3A_1487 = arith.constant 16 : i32
      %mul3A_1488 = arith.muli %scan3A_1486, %mul3A_1487 : i32
      %get3A = arith.index_cast %mul3A_1488 : i32 to index
      %get3A_1489 = tpu.vector_load %arg7[%get3A] {strides = array<i32>} : memref<6400xi32, #tpu.memory_space<vmem>>, vector<16xi32>,
      %mul3A_1490 = arith.constant 16 : i32
      %mul3A_1491 = arith.muli %scan3A_1486, %mul3A_1490 : i32
      %get3A_1492 = arith.index_cast %mul3A_1491 : i32 to index
      %get3A_1493 = tpu.vector_load %arg8[%get3A_1492] {strides = array<i32>} : memref<6400xi32, #tpu.memory_space<vmem>>, vector<16xi32>,
      %add3A_1494 = arith.constant 1000 : i32
      %add3A_1495 = vector.broadcast %add3A_1494 : i32 to vector<16xi32>
      %add3A_1496 = arith.addi %get3A_1493, %add3A_1495 : vector<16xi32>
      %mul3A_1497 = arith.constant 32 : i32
      %mul3A_1498 = arith.muli %mul3A_1497, %scan3A_1486 : i32
      %iota3A = tpu.iota {dimensions = array<i32: 0>} : vector<16xi32>
      %mul3A_1499 = arith.constant 2 : i32
      %mul3A_1500 = vector.broadcast %mul3A_1499 : i32 to vector<16xi32>
      %mul3A_1501 = arith.muli %mul3A_1500, %iota3A : vector<16xi32>
      %add3A_1502 = vector.broadcast %mul3A_1498 : i32 to vector<16xi32>
      %add3A_1503 = arith.addi %add3A_1502, %mul3A_1501 : vector<16xi32>
      tpu.vector_store_idx %arg9[%add3A_1503], %get3A_1489 : memref<12800xi32, #tpu.memory_space<vmem>>[vector<16xi32>], vector<16xi32>,
      %add3A_1504 = arith.constant 1 : i32
      %add3A_1505 = vector.broadcast %add3A_1504 : i32 to vector<16xi32>
      %add3A_1506 = arith.addi %add3A_1503, %add3A_1505 : vector<16xi32>
      tpu.vector_store_idx %arg9[%add3A_1506], %add3A_1496 : memref<12800xi32, #tpu.memory_space<vmem>>[vector<16xi32>], vector<16xi32>,
    }
    %scan3A_9 = arith.constant 20 : i32
    %barrier3A = arith.constant 0 : index
    tpu.barrier barrier_id(%barrier3A)
    %mul3A_10 = arith.constant 2 : i32
    %mul3A_11 = arith.muli %add3A, %mul3A_10 : i32
    %mul3A_12 = arith.constant 6400 : i32
    %mul3A_13 = arith.muli %mul3A_11, %mul3A_12 : i32
    %dma_start3A = arith.constant 0 : i32
    %dma_start3A_14 = arith.constant 0 : i32
    %dma_start3A_15 = arith.constant 0 : i32
    %dma_start3A_16 = tpu.memref_slice %arg10[%dma_start3A, %dma_start3A_14, %dma_start3A_15] : memref<2x640x64xf32, #tpu.memory_space<vmem>> -> memref<1x320x64xf32, #tpu.memory_space<vmem>>
    %dma_start3A_17 = tpu.memref_squeeze %dma_start3A_16 : memref<1x320x64xf32, #tpu.memory_space<vmem>> -> memref<320x64xf32, #tpu.memory_space<vmem>>
    %dma_start3A_18 = arith.constant 0 : i32
    %dma_start3A_19 = tpu.memref_slice %arg9[%dma_start3A_18] : memref<12800xi32, #tpu.memory_space<vmem>> -> memref<320xi32, #tpu.memory_space<vmem>>
    %dma_start3A_20 = arith.constant 0 : i32
    %dma_start3A_21 = arith.constant 0 : i32
    %dma_start3A_22 = tpu.memref_slice %arg11[%dma_start3A_20, %dma_start3A_21] : memref<2000x64xf32, #tpu.memory_space<vmem_shared>> -> memref<2000x64xf32, #tpu.memory_space<vmem_shared>>
    tpu.enqueue_indirect_dma source(%dma_start3A_22 : memref<2000x64xf32, #tpu.memory_space<vmem_shared>>) target(%dma_start3A_17 : memref<320x64xf32, #tpu.memory_space<vmem>>) offsets(%dma_start3A_19 : memref<320xi32, #tpu.memory_space<vmem>>) semaphore(%arg12 : memref<!tpu.dma_semaphore, #tpu.memory_space<semaphore_mem>>)
    %dma_start3A_23 = arith.constant 0 : i32
    %dma_start3A_24 = arith.constant 320 : i32
    %dma_start3A_25 = arith.constant 0 : i32
    %dma_start3A_26 = tpu.memref_slice %arg10[%dma_start3A_23, %dma_start3A_24, %dma_start3A_25] : memref<2x640x64xf32, #tpu.memory_space<vmem>> -> memref<1x320x64xf32, #tpu.memory_space<vmem>>
    %dma_start3A_27 = tpu.memref_squeeze %dma_start3A_26 : memref<1x320x64xf32, #tpu.memory_space<vmem>> -> memref<320x64xf32, #tpu.memory_space<vmem>>
    %dma_start3A_28 = arith.constant 320 : i32
    %dma_start3A_29 = tpu.memref_slice %arg9[%dma_start3A_28] : memref<12800xi32, #tpu.memory_space<vmem>> -> memref<320xi32, #tpu.memory_space<vmem>>
    %dma_start3A_30 = arith.constant 0 : i32
    %dma_start3A_31 = arith.constant 0 : i32
    %dma_start3A_32 = tpu.memref_slice %arg11[%dma_start3A_30, %dma_start3A_31] : memref<2000x64xf32, #tpu.memory_space<vmem_shared>> -> memref<2000x64xf32, #tpu.memory_space<vmem_shared>>
    tpu.enqueue_indirect_dma source(%dma_start3A_32 : memref<2000x64xf32, #tpu.memory_space<vmem_shared>>) target(%dma_start3A_27 : memref<320x64xf32, #tpu.memory_space<vmem>>) offsets(%dma_start3A_29 : memref<320xi32, #tpu.memory_space<vmem>>) semaphore(%arg12 : memref<!tpu.dma_semaphore, #tpu.memory_space<semaphore_mem>>)
    %scan3A_33 = arith.constant 0 : i32
    %scan3A_34 = arith.constant 20 : i32
    %scan3A_35 = arith.constant 20 : i32
    %scan3A_36 = arith.addi %scan3A_34, %scan3A_35 : i32
    %scan3A_37 = arith.constant 1 : i32
    scf.for %scan3A_1486 = %scan3A_34 to %scan3A_36 step %scan3A_37  : i32 {
      %mul3A_1487 = arith.constant 16 : i32
      %mul3A_1488 = arith.muli %scan3A_1486, %mul3A_1487 : i32
      %get3A = arith.index_cast %mul3A_1488 : i32 to index
      %get3A_1489 = tpu.vector_load %arg7[%get3A] {strides = array<i32>} : memref<6400xi32, #tpu.memory_space<vmem>>, vector<16xi32>,
      %mul3A_1490 = arith.constant 16 : i32
      %mul3A_1491 = arith.muli %scan3A_1486, %mul3A_1490 : i32
      %get3A_1492 = arith.index_cast %mul3A_1491 : i32 to index
      %get3A_1493 = tpu.vector_load %arg8[%get3A_1492] {strides = array<i32>} : memref<6400xi32, #tpu.memory_space<vmem>>, vector<16xi32>,
      %add3A_1494 = arith.constant 1000 : i32
      %add3A_1495 = vector.broadcast %add3A_1494 : i32 to vector<16xi32>
      %add3A_1496 = arith.addi %get3A_1493, %add3A_1495 : vector<16xi32>
      %mul3A_1497 = arith.constant 32 : i32
      %mul3A_1498 = arith.muli %mul3A_1497, %scan3A_1486 : i32
      %iota3A = tpu.iota {dimensions = array<i32: 0>} : vector<16xi32>
      %mul3A_1499 = arith.constant 2 : i32
      %mul3A_1500 = vector.broadcast %mul3A_1499 : i32 to vector<16xi32>
      %mul3A_1501 = arith.muli %mul3A_1500, %iota3A : vector<16xi32>
      %add3A_1502 = vector.broadcast %mul3A_1498 : i32 to vector<16xi32>
      %add3A_1503 = arith.addi %add3A_1502, %mul3A_1501 : vector<16xi32>
      tpu.vector_store_idx %arg9[%add3A_1503], %get3A_1489 : memref<12800xi32, #tpu.memory_space<vmem>>[vector<16xi32>], vector<16xi32>,
      %add3A_1504 = arith.constant 1 : i32
      %add3A_1505 = vector.broadcast %add3A_1504 : i32 to vector<16xi32>
      %add3A_1506 = arith.addi %add3A_1503, %add3A_1505 : vector<16xi32>
      tpu.vector_store_idx %arg9[%add3A_1506], %add3A_1496 : memref<12800xi32, #tpu.memory_space<vmem>>[vector<16xi32>], vector<16xi32>,
    }
    %scan3A_38 = arith.constant 20 : i32
    %dma_wait3A = arith.constant 0 : i32
    %dma_wait3A_39 = arith.constant 0 : i32
    %dma_wait3A_40 = arith.constant 0 : i32
    %dma_wait3A_41 = tpu.memref_slice %arg10[%dma_wait3A, %dma_wait3A_39, %dma_wait3A_40] : memref<2x640x64xf32, #tpu.memory_space<vmem>> -> memref<1x320x64xf32, #tpu.memory_space<vmem>>
    %dma_wait3A_42 = tpu.memref_squeeze %dma_wait3A_41 : memref<1x320x64xf32, #tpu.memory_space<vmem>> -> memref<320x64xf32, #tpu.memory_space<vmem>>
    %dma_wait3A_43 = arith.constant 0 : i32
    %dma_wait3A_44 = tpu.memref_slice %arg9[%dma_wait3A_43] : memref<12800xi32, #tpu.memory_space<vmem>> -> memref<320xi32, #tpu.memory_space<vmem>>
    %dma_wait3A_45 = arith.constant 0 : i32
    %dma_wait3A_46 = arith.constant 0 : i32
    %dma_wait3A_47 = tpu.memref_slice %arg11[%dma_wait3A_45, %dma_wait3A_46] : memref<2000x64xf32, #tpu.memory_space<vmem_shared>> -> memref<2000x64xf32, #tpu.memory_space<vmem_shared>>
    tpu.wait_indirect_dma semaphore(%arg12 : memref<!tpu.dma_semaphore, #tpu.memory_space<semaphore_mem>>) src(%dma_wait3A_47 : memref<2000x64xf32, #tpu.memory_space<vmem_shared>>) dst(%dma_wait3A_42 : memref<320x64xf32, #tpu.memory_space<vmem>>)
    %dma_wait3A_48 = arith.constant 0 : i32
    %dma_wait3A_49 = arith.constant 320 : i32
    %dma_wait3A_50 = arith.constant 0 : i32
    %dma_wait3A_51 = tpu.memref_slice %arg10[%dma_wait3A_48, %dma_wait3A_49, %dma_wait3A_50] : memref<2x640x64xf32, #tpu.memory_space<vmem>> -> memref<1x320x64xf32, #tpu.memory_space<vmem>>
    %dma_wait3A_52 = tpu.memref_squeeze %dma_wait3A_51 : memref<1x320x64xf32, #tpu.memory_space<vmem>> -> memref<320x64xf32, #tpu.memory_space<vmem>>
    %dma_wait3A_53 = arith.constant 320 : i32
    %dma_wait3A_54 = tpu.memref_slice %arg9[%dma_wait3A_53] : memref<12800xi32, #tpu.memory_space<vmem>> -> memref<320xi32, #tpu.memory_space<vmem>>
    %dma_wait3A_55 = arith.constant 0 : i32
    %dma_wait3A_56 = arith.constant 0 : i32
    %dma_wait3A_57 = tpu.memref_slice %arg11[%dma_wait3A_55, %dma_wait3A_56] : memref<2000x64xf32, #tpu.memory_space<vmem_shared>> -> memref<2000x64xf32, #tpu.memory_space<vmem_shared>>
    tpu.wait_indirect_dma semaphore(%arg12 : memref<!tpu.dma_semaphore, #tpu.memory_space<semaphore_mem>>) src(%dma_wait3A_57 : memref<2000x64xf32, #tpu.memory_space<vmem_shared>>) dst(%dma_wait3A_52 : memref<320x64xf32, #tpu.memory_space<vmem>>)
    %add3A_58 = arith.constant 0 : i32
    %add3A_59 = arith.addi %mul3A_13, %add3A_58 : i32
    %dma_start3A_60 = arith.constant 0 : i32
    %dma_start3A_61 = arith.constant 0 : i32
    %dma_start3A_62 = arith.constant 0 : i32
    %dma_start3A_63 = tpu.memref_slice %arg10[%dma_start3A_60, %dma_start3A_61, %dma_start3A_62] : memref<2x640x64xf32, #tpu.memory_space<vmem>> -> memref<1x640x64xf32, #tpu.memory_space<vmem>>
    %dma_start3A_64 = tpu.memref_squeeze %dma_start3A_63 : memref<1x640x64xf32, #tpu.memory_space<vmem>> -> memref<640x64xf32, #tpu.memory_space<vmem>>
    %dma_start3A_65 = arith.constant 0 : i32
    %dma_start3A_66 = tpu.memref_slice %arg6[%add3A_59, %dma_start3A_65] : memref<409600x64xf32, #tpu.memory_space<hbm>> -> memref<640x64xf32, #tpu.memory_space<hbm>>
    %dma_start3A_67 = arith.constant 0 : i32
    %dma_start3A_68 = tpu.memref_slice %arg6[%add3A_59, %dma_start3A_67] : memref<409600x64xf32, #tpu.memory_space<hbm>> -> memref<640x64xf32, #tpu.memory_space<hbm>>
    %dma_start3A_69 = arith.constant 0 : i32
    %dma_start3A_70 = arith.constant 0 : i32
    %dma_start3A_71 = tpu.memref_slice %arg10[%dma_start3A_60, %dma_start3A_69, %dma_start3A_70] : memref<2x640x64xf32, #tpu.memory_space<vmem>> -> memref<1x640x64xf32, #tpu.memory_space<vmem>>
    %dma_start3A_72 = tpu.memref_squeeze %dma_start3A_71 : memref<1x640x64xf32, #tpu.memory_space<vmem>> -> memref<640x64xf32, #tpu.memory_space<vmem>>
    tpu.enqueue_dma source(%dma_start3A_72 : memref<640x64xf32, #tpu.memory_space<vmem>>) target(%dma_start3A_68 : memref<640x64xf32, #tpu.memory_space<hbm>>) target_semaphore(%arg13 : memref<!tpu.dma_semaphore, #tpu.memory_space<semaphore_mem>>)
    %dma_start3A_73 = arith.constant 1 : i32
    %dma_start3A_74 = arith.constant 0 : i32
    %dma_start3A_75 = arith.constant 0 : i32
    %dma_start3A_76 = tpu.memref_slice %arg10[%dma_start3A_73, %dma_start3A_74, %dma_start3A_75] : memref<2x640x64xf32, #tpu.memory_space<vmem>> -> memref<1x320x64xf32, #tpu.memory_space<vmem>>
    %dma_start3A_77 = tpu.memref_squeeze %dma_start3A_76 : memref<1x320x64xf32, #tpu.memory_space<vmem>> -> memref<320x64xf32, #tpu.memory_space<vmem>>
    %dma_start3A_78 = arith.constant 640 : i32
    %dma_start3A_79 = tpu.memref_slice %arg9[%dma_start3A_78] : memref<12800xi32, #tpu.memory_space<vmem>> -> memref<320xi32, #tpu.memory_space<vmem>>
    %dma_start3A_80 = arith.constant 0 : i32
    %dma_start3A_81 = arith.constant 0 : i32
    %dma_start3A_82 = tpu.memref_slice %arg11[%dma_start3A_80, %dma_start3A_81] : memref<2000x64xf32, #tpu.memory_space<vmem_shared>> -> memref<2000x64xf32, #tpu.memory_space<vmem_shared>>
    tpu.enqueue_indirect_dma source(%dma_start3A_82 : memref<2000x64xf32, #tpu.memory_space<vmem_shared>>) target(%dma_start3A_77 : memref<320x64xf32, #tpu.memory_space<vmem>>) offsets(%dma_start3A_79 : memref<320xi32, #tpu.memory_space<vmem>>) semaphore(%arg12 : memref<!tpu.dma_semaphore, #tpu.memory_space<semaphore_mem>>)
    %dma_start3A_83 = arith.constant 1 : i32
    %dma_start3A_84 = arith.constant 320 : i32
    %dma_start3A_85 = arith.constant 0 : i32
    %dma_start3A_86 = tpu.memref_slice %arg10[%dma_start3A_83, %dma_start3A_84, %dma_start3A_85] : memref<2x640x64xf32, #tpu.memory_space<vmem>> -> memref<1x320x64xf32, #tpu.memory_space<vmem>>
    %dma_start3A_87 = tpu.memref_squeeze %dma_start3A_86 : memref<1x320x64xf32, #tpu.memory_space<vmem>> -> memref<320x64xf32, #tpu.memory_space<vmem>>
    %dma_start3A_88 = arith.constant 960 : i32
    %dma_start3A_89 = tpu.memref_slice %arg9[%dma_start3A_88] : memref<12800xi32, #tpu.memory_space<vmem>> -> memref<320xi32, #tpu.memory_space<vmem>>
    %dma_start3A_90 = arith.constant 0 : i32
    %dma_start3A_91 = arith.constant 0 : i32
    %dma_start3A_92 = tpu.memref_slice %arg11[%dma_start3A_90, %dma_start3A_91] : memref<2000x64xf32, #tpu.memory_space<vmem_shared>> -> memref<2000x64xf32, #tpu.memory_space<vmem_shared>>
    tpu.enqueue_indirect_dma source(%dma_start3A_92 : memref<2000x64xf32, #tpu.memory_space<vmem_shared>>) target(%dma_start3A_87 : memref<320x64xf32, #tpu.memory_space<vmem>>) offsets(%dma_start3A_89 : memref<320xi32, #tpu.memory_space<vmem>>) semaphore(%arg12 : memref<!tpu.dma_semaphore, #tpu.memory_space<semaphore_mem>>)
    %scan3A_93 = arith.constant 0 : i32
    %scan3A_94 = arith.constant 40 : i32
    %scan3A_95 = arith.constant 20 : i32
    %scan3A_96 = arith.addi %scan3A_94, %scan3A_95 : i32
    %scan3A_97 = arith.constant 1 : i32
    scf.for %scan3A_1486 = %scan3A_94 to %scan3A_96 step %scan3A_97  : i32 {
      %mul3A_1487 = arith.constant 16 : i32
      %mul3A_1488 = arith.muli %scan3A_1486, %mul3A_1487 : i32
      %get3A = arith.index_cast %mul3A_1488 : i32 to index
      %get3A_1489 = tpu.vector_load %arg7[%get3A] {strides = array<i32>} : memref<6400xi32, #tpu.memory_space<vmem>>, vector<16xi32>,
      %mul3A_1490 = arith.constant 16 : i32
      %mul3A_1491 = arith.muli %scan3A_1486, %mul3A_1490 : i32
      %get3A_1492 = arith.index_cast %mul3A_1491 : i32 to index
      %get3A_1493 = tpu.vector_load %arg8[%get3A_1492] {strides = array<i32>} : memref<6400xi32, #tpu.memory_space<vmem>>, vector<16xi32>,
      %add3A_1494 = arith.constant 1000 : i32
      %add3A_1495 = vector.broadcast %add3A_1494 : i32 to vector<16xi32>
      %add3A_1496 = arith.addi %get3A_1493, %add3A_1495 : vector<16xi32>
      %mul3A_1497 = arith.constant 32 : i32
      %mul3A_1498 = arith.muli %mul3A_1497, %scan3A_1486 : i32
      %iota3A = tpu.iota {dimensions = array<i32: 0>} : vector<16xi32>
      %mul3A_1499 = arith.constant 2 : i32
      %mul3A_1500 = vector.broadcast %mul3A_1499 : i32 to vector<16xi32>
      %mul3A_1501 = arith.muli %mul3A_1500, %iota3A : vector<16xi32>
      %add3A_1502 = vector.broadcast %mul3A_1498 : i32 to vector<16xi32>
      %add3A_1503 = arith.addi %add3A_1502, %mul3A_1501 : vector<16xi32>
      tpu.vector_store_idx %arg9[%add3A_1503], %get3A_1489 : memref<12800xi32, #tpu.memory_space<vmem>>[vector<16xi32>], vector<16xi32>,
      %add3A_1504 = arith.constant 1 : i32
      %add3A_1505 = vector.broadcast %add3A_1504 : i32 to vector<16xi32>
      %add3A_1506 = arith.addi %add3A_1503, %add3A_1505 : vector<16xi32>
      tpu.vector_store_idx %arg9[%add3A_1506], %add3A_1496 : memref<12800xi32, #tpu.memory_space<vmem>>[vector<16xi32>], vector<16xi32>,
    }
    %scan3A_98 = arith.constant 20 : i32
    %dma_wait3A_99 = arith.constant 1 : i32
    %dma_wait3A_100 = arith.constant 0 : i32
    %dma_wait3A_101 = arith.constant 0 : i32
    %dma_wait3A_102 = tpu.memref_slice %arg10[%dma_wait3A_99, %dma_wait3A_100, %dma_wait3A_101] : memref<2x640x64xf32, #tpu.memory_space<vmem>> -> memref<1x320x64xf32, #tpu.memory_space<vmem>>
    %dma_wait3A_103 = tpu.memref_squeeze %dma_wait3A_102 : memref<1x320x64xf32, #tpu.memory_space<vmem>> -> memref<320x64xf32, #tpu.memory_space<vmem>>
    %dma_wait3A_104 = arith.constant 640 : i32
    %dma_wait3A_105 = tpu.memref_slice %arg9[%dma_wait3A_104] : memref<12800xi32, #tpu.memory_space<vmem>> -> memref<320xi32, #tpu.memory_space<vmem>>
    %dma_wait3A_106 = arith.constant 0 : i32
    %dma_wait3A_107 = arith.constant 0 : i32
    %dma_wait3A_108 = tpu.memref_slice %arg11[%dma_wait3A_106, %dma_wait3A_107] : memref<2000x64xf32, #tpu.memory_space<vmem_shared>> -> memref<2000x64xf32, #tpu.memory_space<vmem_shared>>
    tpu.wait_indirect_dma semaphore(%arg12 : memref<!tpu.dma_semaphore, #tpu.memory_space<semaphore_mem>>) src(%dma_wait3A_108 : memref<2000x64xf32, #tpu.memory_space<vmem_shared>>) dst(%dma_wait3A_103 : memref<320x64xf32, #tpu.memory_space<vmem>>)
    %dma_wait3A_109 = arith.constant 1 : i32
    %dma_wait3A_110 = arith.constant 320 : i32
    %dma_wait3A_111 = arith.constant 0 : i32
    %dma_wait3A_112 = tpu.memref_slice %arg10[%dma_wait3A_109, %dma_wait3A_110, %dma_wait3A_111] : memref<2x640x64xf32, #tpu.memory_space<vmem>> -> memref<1x320x64xf32, #tpu.memory_space<vmem>>
    %dma_wait3A_113 = tpu.memref_squeeze %dma_wait3A_112 : memref<1x320x64xf32, #tpu.memory_space<vmem>> -> memref<320x64xf32, #tpu.memory_space<vmem>>
    %dma_wait3A_114 = arith.constant 960 : i32
    %dma_wait3A_115 = tpu.memref_slice %arg9[%dma_wait3A_114] : memref<12800xi32, #tpu.memory_space<vmem>> -> memref<320xi32, #tpu.memory_space<vmem>>
    %dma_wait3A_116 = arith.constant 0 : i32
    %dma_wait3A_117 = arith.constant 0 : i32
    %dma_wait3A_118 = tpu.memref_slice %arg11[%dma_wait3A_116, %dma_wait3A_117] : memref<2000x64xf32, #tpu.memory_space<vmem_shared>> -> memref<2000x64xf32, #tpu.memory_space<vmem_shared>>
    tpu.wait_indirect_dma semaphore(%arg12 : memref<!tpu.dma_semaphore, #tpu.memory_space<semaphore_mem>>) src(%dma_wait3A_118 : memref<2000x64xf32, #tpu.memory_space<vmem_shared>>) dst(%dma_wait3A_113 : memref<320x64xf32, #tpu.memory_space<vmem>>)
    %add3A_119 = arith.constant 640 : i32
    %add3A_120 = arith.addi %mul3A_13, %add3A_119 : i32
    %dma_start3A_121 = arith.constant 1 : i32
    %dma_start3A_122 = arith.constant 0 : i32
    %dma_start3A_123 = arith.constant 0 : i32
    %dma_start3A_124 = tpu.memref_slice %arg10[%dma_start3A_121, %dma_start3A_122, %dma_start3A_123] : memref<2x640x64xf32, #tpu.memory_space<vmem>> -> memref<1x640x64xf32, #tpu.memory_space<vmem>>
    %dma_start3A_125 = tpu.memref_squeeze %dma_start3A_124 : memref<1x640x64xf32, #tpu.memory_space<vmem>> -> memref<640x64xf32, #tpu.memory_space<vmem>>
    %dma_start3A_126 = arith.constant 0 : i32
    %dma_start3A_127 = tpu.memref_slice %arg6[%add3A_120, %dma_start3A_126] : memref<409600x64xf32, #tpu.memory_space<hbm>> -> memref<640x64xf32, #tpu.memory_space<hbm>>
    %dma_start3A_128 = arith.constant 0 : i32
    %dma_start3A_129 = tpu.memref_slice %arg6[%add3A_120, %dma_start3A_128] : memref<409600x64xf32, #tpu.memory_space<hbm>> -> memref<640x64xf32, #tpu.memory_space<hbm>>
    %dma_start3A_130 = arith.constant 0 : i32
    %dma_start3A_131 = arith.constant 0 : i32
    %dma_start3A_132 = tpu.memref_slice %arg10[%dma_start3A_121, %dma_start3A_130, %dma_start3A_131] : memref<2x640x64xf32, #tpu.memory_space<vmem>> -> memref<1x640x64xf32, #tpu.memory_space<vmem>>
    %dma_start3A_133 = tpu.memref_squeeze %dma_start3A_132 : memref<1x640x64xf32, #tpu.memory_space<vmem>> -> memref<640x64xf32, #tpu.memory_space<vmem>>
    tpu.enqueue_dma source(%dma_start3A_133 : memref<640x64xf32, #tpu.memory_space<vmem>>) target(%dma_start3A_129 : memref<640x64xf32, #tpu.memory_space<hbm>>) target_semaphore(%arg13 : memref<!tpu.dma_semaphore, #tpu.memory_space<semaphore_mem>>)
    %dma_wait3A_134 = arith.constant 0 : i32
    %dma_wait3A_135 = arith.constant 0 : i32
    %dma_wait3A_136 = arith.constant 0 : i32
    %dma_wait3A_137 = tpu.memref_slice %arg10[%dma_wait3A_134, %dma_wait3A_135, %dma_wait3A_136] : memref<2x640x64xf32, #tpu.memory_space<vmem>> -> memref<1x640x64xf32, #tpu.memory_space<vmem>>
    %dma_wait3A_138 = tpu.memref_squeeze %dma_wait3A_137 : memref<1x640x64xf32, #tpu.memory_space<vmem>> -> memref<640x64xf32, #tpu.memory_space<vmem>>
    %dma_wait3A_139 = arith.constant 0 : i32
    %dma_wait3A_140 = tpu.memref_slice %arg6[%add3A_59, %dma_wait3A_139] : memref<409600x64xf32, #tpu.memory_space<hbm>> -> memref<640x64xf32, #tpu.memory_space<hbm>>
    %dma_wait3A_141 = arith.constant 0 : i32
    %dma_wait3A_142 = tpu.memref_slice %arg6[%add3A_59, %dma_wait3A_141] : memref<409600x64xf32, #tpu.memory_space<hbm>> -> memref<640x64xf32, #tpu.memory_space<hbm>>
    %dma_wait3A_143 = arith.constant 0 : i32
    %dma_wait3A_144 = arith.constant 0 : i32
    %dma_wait3A_145 = tpu.memref_slice %arg10[%dma_wait3A_134, %dma_wait3A_143, %dma_wait3A_144] : memref<2x640x64xf32, #tpu.memory_space<vmem>> -> memref<1x640x64xf32, #tpu.memory_space<vmem>>
    %dma_wait3A_146 = tpu.memref_squeeze %dma_wait3A_145 : memref<1x640x64xf32, #tpu.memory_space<vmem>> -> memref<640x64xf32, #tpu.memory_space<vmem>>
    tpu.wait_dma2 semaphore(%arg13 : memref<!tpu.dma_semaphore, #tpu.memory_space<semaphore_mem>>) src(%dma_wait3A_146 : memref<640x64xf32, #tpu.memory_space<vmem>>) dst(%dma_wait3A_142 : memref<640x64xf32, #tpu.memory_space<hbm>>)
    %dma_start3A_147 = arith.constant 0 : i32
    %dma_start3A_148 = arith.constant 0 : i32
    %dma_start3A_149 = arith.constant 0 : i32
    %dma_start3A_150 = tpu.memref_slice %arg10[%dma_start3A_147, %dma_start3A_148, %dma_start3A_149] : memref<2x640x64xf32, #tpu.memory_space<vmem>> -> memref<1x320x64xf32, #tpu.memory_space<vmem>>
    %dma_start3A_151 = tpu.memref_squeeze %dma_start3A_150 : memref<1x320x64xf32, #tpu.memory_space<vmem>> -> memref<320x64xf32, #tpu.memory_space<vmem>>
    %dma_start3A_152 = arith.constant 1280 : i32
    %dma_start3A_153 = tpu.memref_slice %arg9[%dma_start3A_152] : memref<12800xi32, #tpu.memory_space<vmem>> -> memref<320xi32, #tpu.memory_space<vmem>>
    %dma_start3A_154 = arith.constant 0 : i32
    %dma_start3A_155 = arith.constant 0 : i32
    %dma_start3A_156 = tpu.memref_slice %arg11[%dma_start3A_154, %dma_start3A_155] : memref<2000x64xf32, #tpu.memory_space<vmem_shared>> -> memref<2000x64xf32, #tpu.memory_space<vmem_shared>>
    tpu.enqueue_indirect_dma source(%dma_start3A_156 : memref<2000x64xf32, #tpu.memory_space<vmem_shared>>) target(%dma_start3A_151 : memref<320x64xf32, #tpu.memory_space<vmem>>) offsets(%dma_start3A_153 : memref<320xi32, #tpu.memory_space<vmem>>) semaphore(%arg12 : memref<!tpu.dma_semaphore, #tpu.memory_space<semaphore_mem>>)
    %dma_start3A_157 = arith.constant 0 : i32
    %dma_start3A_158 = arith.constant 320 : i32
    %dma_start3A_159 = arith.constant 0 : i32
    %dma_start3A_160 = tpu.memref_slice %arg10[%dma_start3A_157, %dma_start3A_158, %dma_start3A_159] : memref<2x640x64xf32, #tpu.memory_space<vmem>> -> memref<1x320x64xf32, #tpu.memory_space<vmem>>
    %dma_start3A_161 = tpu.memref_squeeze %dma_start3A_160 : memref<1x320x64xf32, #tpu.memory_space<vmem>> -> memref<320x64xf32, #tpu.memory_space<vmem>>
    %dma_start3A_162 = arith.constant 1600 : i32
    %dma_start3A_163 = tpu.memref_slice %arg9[%dma_start3A_162] : memref<12800xi32, #tpu.memory_space<vmem>> -> memref<320xi32, #tpu.memory_space<vmem>>
    %dma_start3A_164 = arith.constant 0 : i32
    %dma_start3A_165 = arith.constant 0 : i32
    %dma_start3A_166 = tpu.memref_slice %arg11[%dma_start3A_164, %dma_start3A_165] : memref<2000x64xf32, #tpu.memory_space<vmem_shared>> -> memref<2000x64xf32, #tpu.memory_space<vmem_shared>>
    tpu.enqueue_indirect_dma source(%dma_start3A_166 : memref<2000x64xf32, #tpu.memory_space<vmem_shared>>) target(%dma_start3A_161 : memref<320x64xf32, #tpu.memory_space<vmem>>) offsets(%dma_start3A_163 : memref<320xi32, #tpu.memory_space<vmem>>) semaphore(%arg12 : memref<!tpu.dma_semaphore, #tpu.memory_space<semaphore_mem>>)
    %scan3A_167 = arith.constant 0 : i32
    %scan3A_168 = arith.constant 60 : i32
    %scan3A_169 = arith.constant 20 : i32
    %scan3A_170 = arith.addi %scan3A_168, %scan3A_169 : i32
    %scan3A_171 = arith.constant 1 : i32
    scf.for %scan3A_1486 = %scan3A_168 to %scan3A_170 step %scan3A_171  : i32 {
      %mul3A_1487 = arith.constant 16 : i32
      %mul3A_1488 = arith.muli %scan3A_1486, %mul3A_1487 : i32
      %get3A = arith.index_cast %mul3A_1488 : i32 to index
      %get3A_1489 = tpu.vector_load %arg7[%get3A] {strides = array<i32>} : memref<6400xi32, #tpu.memory_space<vmem>>, vector<16xi32>,
      %mul3A_1490 = arith.constant 16 : i32
      %mul3A_1491 = arith.muli %scan3A_1486, %mul3A_1490 : i32
      %get3A_1492 = arith.index_cast %mul3A_1491 : i32 to index
      %get3A_1493 = tpu.vector_load %arg8[%get3A_1492] {strides = array<i32>} : memref<6400xi32, #tpu.memory_space<vmem>>, vector<16xi32>,
      %add3A_1494 = arith.constant 1000 : i32
      %add3A_1495 = vector.broadcast %add3A_1494 : i32 to vector<16xi32>
      %add3A_1496 = arith.addi %get3A_1493, %add3A_1495 : vector<16xi32>
      %mul3A_1497 = arith.constant 32 : i32
      %mul3A_1498 = arith.muli %mul3A_1497, %scan3A_1486 : i32
      %iota3A = tpu.iota {dimensions = array<i32: 0>} : vector<16xi32>
      %mul3A_1499 = arith.constant 2 : i32
      %mul3A_1500 = vector.broadcast %mul3A_1499 : i32 to vector<16xi32>
      %mul3A_1501 = arith.muli %mul3A_1500, %iota3A : vector<16xi32>
      %add3A_1502 = vector.broadcast %mul3A_1498 : i32 to vector<16xi32>
      %add3A_1503 = arith.addi %add3A_1502, %mul3A_1501 : vector<16xi32>
      tpu.vector_store_idx %arg9[%add3A_1503], %get3A_1489 : memref<12800xi32, #tpu.memory_space<vmem>>[vector<16xi32>], vector<16xi32>,
      %add3A_1504 = arith.constant 1 : i32
      %add3A_1505 = vector.broadcast %add3A_1504 : i32 to vector<16xi32>
      %add3A_1506 = arith.addi %add3A_1503, %add3A_1505 : vector<16xi32>
      tpu.vector_store_idx %arg9[%add3A_1506], %add3A_1496 : memref<12800xi32, #tpu.memory_space<vmem>>[vector<16xi32>], vector<16xi32>,
    }
    %scan3A_172 = arith.constant 20 : i32
    %dma_wait3A_173 = arith.constant 0 : i32
    %dma_wait3A_174 = arith.constant 0 : i32
    %dma_wait3A_175 = arith.constant 0 : i32
    %dma_wait3A_176 = tpu.memref_slice %arg10[%dma_wait3A_173, %dma_wait3A_174, %dma_wait3A_175] : memref<2x640x64xf32, #tpu.memory_space<vmem>> -> memref<1x320x64xf32, #tpu.memory_space<vmem>>
    %dma_wait3A_177 = tpu.memref_squeeze %dma_wait3A_176 : memref<1x320x64xf32, #tpu.memory_space<vmem>> -> memref<320x64xf32, #tpu.memory_space<vmem>>
    %dma_wait3A_178 = arith.constant 1280 : i32
    %dma_wait3A_179 = tpu.memref_slice %arg9[%dma_wait3A_178] : memref<12800xi32, #tpu.memory_space<vmem>> -> memref<320xi32, #tpu.memory_space<vmem>>
    %dma_wait3A_180 = arith.constant 0 : i32
    %dma_wait3A_181 = arith.constant 0 : i32
    %dma_wait3A_182 = tpu.memref_slice %arg11[%dma_wait3A_180, %dma_wait3A_181] : memref<2000x64xf32, #tpu.memory_space<vmem_shared>> -> memref<2000x64xf32, #tpu.memory_space<vmem_shared>>
    tpu.wait_indirect_dma semaphore(%arg12 : memref<!tpu.dma_semaphore, #tpu.memory_space<semaphore_mem>>) src(%dma_wait3A_182 : memref<2000x64xf32, #tpu.memory_space<vmem_shared>>) dst(%dma_wait3A_177 : memref<320x64xf32, #tpu.memory_space<vmem>>)
    %dma_wait3A_183 = arith.constant 0 : i32
    %dma_wait3A_184 = arith.constant 320 : i32
    %dma_wait3A_185 = arith.constant 0 : i32
    %dma_wait3A_186 = tpu.memref_slice %arg10[%dma_wait3A_183, %dma_wait3A_184, %dma_wait3A_185] : memref<2x640x64xf32, #tpu.memory_space<vmem>> -> memref<1x320x64xf32, #tpu.memory_space<vmem>>
    %dma_wait3A_187 = tpu.memref_squeeze %dma_wait3A_186 : memref<1x320x64xf32, #tpu.memory_space<vmem>> -> memref<320x64xf32, #tpu.memory_space<vmem>>
    %dma_wait3A_188 = arith.constant 1600 : i32
    %dma_wait3A_189 = tpu.memref_slice %arg9[%dma_wait3A_188] : memref<12800xi32, #tpu.memory_space<vmem>> -> memref<320xi32, #tpu.memory_space<vmem>>
    %dma_wait3A_190 = arith.constant 0 : i32
    %dma_wait3A_191 = arith.constant 0 : i32
    %dma_wait3A_192 = tpu.memref_slice %arg11[%dma_wait3A_190, %dma_wait3A_191] : memref<2000x64xf32, #tpu.memory_space<vmem_shared>> -> memref<2000x64xf32, #tpu.memory_space<vmem_shared>>
    tpu.wait_indirect_dma semaphore(%arg12 : memref<!tpu.dma_semaphore, #tpu.memory_space<semaphore_mem>>) src(%dma_wait3A_192 : memref<2000x64xf32, #tpu.memory_space<vmem_shared>>) dst(%dma_wait3A_187 : memref<320x64xf32, #tpu.memory_space<vmem>>)
    %add3A_193 = arith.constant 1280 : i32
    %add3A_194 = arith.addi %mul3A_13, %add3A_193 : i32
    %dma_start3A_195 = arith.constant 0 : i32
    %dma_start3A_196 = arith.constant 0 : i32
    %dma_start3A_197 = arith.constant 0 : i32
    %dma_start3A_198 = tpu.memref_slice %arg10[%dma_start3A_195, %dma_start3A_196, %dma_start3A_197] : memref<2x640x64xf32, #tpu.memory_space<vmem>> -> memref<1x640x64xf32, #tpu.memory_space<vmem>>
    %dma_start3A_199 = tpu.memref_squeeze %dma_start3A_198 : memref<1x640x64xf32, #tpu.memory_space<vmem>> -> memref<640x64xf32, #tpu.memory_space<vmem>>
    %dma_start3A_200 = arith.constant 0 : i32
    %dma_start3A_201 = tpu.memref_slice %arg6[%add3A_194, %dma_start3A_200] : memref<409600x64xf32, #tpu.memory_space<hbm>> -> memref<640x64xf32, #tpu.memory_space<hbm>>
    %dma_start3A_202 = arith.constant 0 : i32
    %dma_start3A_203 = tpu.memref_slice %arg6[%add3A_194, %dma_start3A_202] : memref<409600x64xf32, #tpu.memory_space<hbm>> -> memref<640x64xf32, #tpu.memory_space<hbm>>
    %dma_start3A_204 = arith.constant 0 : i32
    %dma_start3A_205 = arith.constant 0 : i32
    %dma_start3A_206 = tpu.memref_slice %arg10[%dma_start3A_195, %dma_start3A_204, %dma_start3A_205] : memref<2x640x64xf32, #tpu.memory_space<vmem>> -> memref<1x640x64xf32, #tpu.memory_space<vmem>>
    %dma_start3A_207 = tpu.memref_squeeze %dma_start3A_206 : memref<1x640x64xf32, #tpu.memory_space<vmem>> -> memref<640x64xf32, #tpu.memory_space<vmem>>
    tpu.enqueue_dma source(%dma_start3A_207 : memref<640x64xf32, #tpu.memory_space<vmem>>) target(%dma_start3A_203 : memref<640x64xf32, #tpu.memory_space<hbm>>) target_semaphore(%arg13 : memref<!tpu.dma_semaphore, #tpu.memory_space<semaphore_mem>>)
    %dma_wait3A_208 = arith.constant 1 : i32
    %dma_wait3A_209 = arith.constant 0 : i32
    %dma_wait3A_210 = arith.constant 0 : i32
    %dma_wait3A_211 = tpu.memref_slice %arg10[%dma_wait3A_208, %dma_wait3A_209, %dma_wait3A_210] : memref<2x640x64xf32, #tpu.memory_space<vmem>> -> memref<1x640x64xf32, #tpu.memory_space<vmem>>
    %dma_wait3A_212 = tpu.memref_squeeze %dma_wait3A_211 : memref<1x640x64xf32, #tpu.memory_space<vmem>> -> memref<640x64xf32, #tpu.memory_space<vmem>>
    %dma_wait3A_213 = arith.constant 0 : i32
    %dma_wait3A_214 = tpu.memref_slice %arg6[%add3A_120, %dma_wait3A_213] : memref<409600x64xf32, #tpu.memory_space<hbm>> -> memref<640x64xf32, #tpu.memory_space<hbm>>
    %dma_wait3A_215 = arith.constant 0 : i32
    %dma_wait3A_216 = tpu.memref_slice %arg6[%add3A_120, %dma_wait3A_215] : memref<409600x64xf32, #tpu.memory_space<hbm>> -> memref<640x64xf32, #tpu.memory_space<hbm>>
    %dma_wait3A_217 = arith.constant 0 : i32
    %dma_wait3A_218 = arith.constant 0 : i32
    %dma_wait3A_219 = tpu.memref_slice %arg10[%dma_wait3A_208, %dma_wait3A_217, %dma_wait3A_218] : memref<2x640x64xf32, #tpu.memory_space<vmem>> -> memref<1x640x64xf32, #tpu.memory_space<vmem>>
    %dma_wait3A_220 = tpu.memref_squeeze %dma_wait3A_219 : memref<1x640x64xf32, #tpu.memory_space<vmem>> -> memref<640x64xf32, #tpu.memory_space<vmem>>
    tpu.wait_dma2 semaphore(%arg13 : memref<!tpu.dma_semaphore, #tpu.memory_space<semaphore_mem>>) src(%dma_wait3A_220 : memref<640x64xf32, #tpu.memory_space<vmem>>) dst(%dma_wait3A_216 : memref<640x64xf32, #tpu.memory_space<hbm>>)
    %dma_start3A_221 = arith.constant 1 : i32
    %dma_start3A_222 = arith.constant 0 : i32
    %dma_start3A_223 = arith.constant 0 : i32
    %dma_start3A_224 = tpu.memref_slice %arg10[%dma_start3A_221, %dma_start3A_222, %dma_start3A_223] : memref<2x640x64xf32, #tpu.memory_space<vmem>> -> memref<1x320x64xf32, #tpu.memory_space<vmem>>
    %dma_start3A_225 = tpu.memref_squeeze %dma_start3A_224 : memref<1x320x64xf32, #tpu.memory_space<vmem>> -> memref<320x64xf32, #tpu.memory_space<vmem>>
    %dma_start3A_226 = arith.constant 1920 : i32
    %dma_start3A_227 = tpu.memref_slice %arg9[%dma_start3A_226] : memref<12800xi32, #tpu.memory_space<vmem>> -> memref<320xi32, #tpu.memory_space<vmem>>
    %dma_start3A_228 = arith.constant 0 : i32
    %dma_start3A_229 = arith.constant 0 : i32
    %dma_start3A_230 = tpu.memref_slice %arg11[%dma_start3A_228, %dma_start3A_229] : memref<2000x64xf32, #tpu.memory_space<vmem_shared>> -> memref<2000x64xf32, #tpu.memory_space<vmem_shared>>
    tpu.enqueue_indirect_dma source(%dma_start3A_230 : memref<2000x64xf32, #tpu.memory_space<vmem_shared>>) target(%dma_start3A_225 : memref<320x64xf32, #tpu.memory_space<vmem>>) offsets(%dma_start3A_227 : memref<320xi32, #tpu.memory_space<vmem>>) semaphore(%arg12 : memref<!tpu.dma_semaphore, #tpu.memory_space<semaphore_mem>>)
    %dma_start3A_231 = arith.constant 1 : i32
    %dma_start3A_232 = arith.constant 320 : i32
    %dma_start3A_233 = arith.constant 0 : i32
    %dma_start3A_234 = tpu.memref_slice %arg10[%dma_start3A_231, %dma_start3A_232, %dma_start3A_233] : memref<2x640x64xf32, #tpu.memory_space<vmem>> -> memref<1x320x64xf32, #tpu.memory_space<vmem>>
    %dma_start3A_235 = tpu.memref_squeeze %dma_start3A_234 : memref<1x320x64xf32, #tpu.memory_space<vmem>> -> memref<320x64xf32, #tpu.memory_space<vmem>>
    %dma_start3A_236 = arith.constant 2240 : i32
    %dma_start3A_237 = tpu.memref_slice %arg9[%dma_start3A_236] : memref<12800xi32, #tpu.memory_space<vmem>> -> memref<320xi32, #tpu.memory_space<vmem>>
    %dma_start3A_238 = arith.constant 0 : i32
    %dma_start3A_239 = arith.constant 0 : i32
    %dma_start3A_240 = tpu.memref_slice %arg11[%dma_start3A_238, %dma_start3A_239] : memref<2000x64xf32, #tpu.memory_space<vmem_shared>> -> memref<2000x64xf32, #tpu.memory_space<vmem_shared>>
    tpu.enqueue_indirect_dma source(%dma_start3A_240 : memref<2000x64xf32, #tpu.memory_space<vmem_shared>>) target(%dma_start3A_235 : memref<320x64xf32, #tpu.memory_space<vmem>>) offsets(%dma_start3A_237 : memref<320xi32, #tpu.memory_space<vmem>>) semaphore(%arg12 : memref<!tpu.dma_semaphore, #tpu.memory_space<semaphore_mem>>)
    %scan3A_241 = arith.constant 0 : i32
    %scan3A_242 = arith.constant 80 : i32
    %scan3A_243 = arith.constant 20 : i32
    %scan3A_244 = arith.addi %scan3A_242, %scan3A_243 : i32
    %scan3A_245 = arith.constant 1 : i32
    scf.for %scan3A_1486 = %scan3A_242 to %scan3A_244 step %scan3A_245  : i32 {
      %mul3A_1487 = arith.constant 16 : i32
      %mul3A_1488 = arith.muli %scan3A_1486, %mul3A_1487 : i32
      %get3A = arith.index_cast %mul3A_1488 : i32 to index
      %get3A_1489 = tpu.vector_load %arg7[%get3A] {strides = array<i32>} : memref<6400xi32, #tpu.memory_space<vmem>>, vector<16xi32>,
      %mul3A_1490 = arith.constant 16 : i32
      %mul3A_1491 = arith.muli %scan3A_1486, %mul3A_1490 : i32
      %get3A_1492 = arith.index_cast %mul3A_1491 : i32 to index
      %get3A_1493 = tpu.vector_load %arg8[%get3A_1492] {strides = array<i32>} : memref<6400xi32, #tpu.memory_space<vmem>>, vector<16xi32>,
      %add3A_1494 = arith.constant 1000 : i32
      %add3A_1495 = vector.broadcast %add3A_1494 : i32 to vector<16xi32>
      %add3A_1496 = arith.addi %get3A_1493, %add3A_1495 : vector<16xi32>
      %mul3A_1497 = arith.constant 32 : i32
      %mul3A_1498 = arith.muli %mul3A_1497, %scan3A_1486 : i32
      %iota3A = tpu.iota {dimensions = array<i32: 0>} : vector<16xi32>
      %mul3A_1499 = arith.constant 2 : i32
      %mul3A_1500 = vector.broadcast %mul3A_1499 : i32 to vector<16xi32>
      %mul3A_1501 = arith.muli %mul3A_1500, %iota3A : vector<16xi32>
      %add3A_1502 = vector.broadcast %mul3A_1498 : i32 to vector<16xi32>
      %add3A_1503 = arith.addi %add3A_1502, %mul3A_1501 : vector<16xi32>
      tpu.vector_store_idx %arg9[%add3A_1503], %get3A_1489 : memref<12800xi32, #tpu.memory_space<vmem>>[vector<16xi32>], vector<16xi32>,
      %add3A_1504 = arith.constant 1 : i32
      %add3A_1505 = vector.broadcast %add3A_1504 : i32 to vector<16xi32>
      %add3A_1506 = arith.addi %add3A_1503, %add3A_1505 : vector<16xi32>
      tpu.vector_store_idx %arg9[%add3A_1506], %add3A_1496 : memref<12800xi32, #tpu.memory_space<vmem>>[vector<16xi32>], vector<16xi32>,
    }
    %scan3A_246 = arith.constant 20 : i32
    %dma_wait3A_247 = arith.constant 1 : i32
    %dma_wait3A_248 = arith.constant 0 : i32
    %dma_wait3A_249 = arith.constant 0 : i32
    %dma_wait3A_250 = tpu.memref_slice %arg10[%dma_wait3A_247, %dma_wait3A_248, %dma_wait3A_249] : memref<2x640x64xf32, #tpu.memory_space<vmem>> -> memref<1x320x64xf32, #tpu.memory_space<vmem>>
    %dma_wait3A_251 = tpu.memref_squeeze %dma_wait3A_250 : memref<1x320x64xf32, #tpu.memory_space<vmem>> -> memref<320x64xf32, #tpu.memory_space<vmem>>
    %dma_wait3A_252 = arith.constant 1920 : i32
    %dma_wait3A_253 = tpu.memref_slice %arg9[%dma_wait3A_252] : memref<12800xi32, #tpu.memory_space<vmem>> -> memref<320xi32, #tpu.memory_space<vmem>>
    %dma_wait3A_254 = arith.constant 0 : i32
    %dma_wait3A_255 = arith.constant 0 : i32
    %dma_wait3A_256 = tpu.memref_slice %arg11[%dma_wait3A_254, %dma_wait3A_255] : memref<2000x64xf32, #tpu.memory_space<vmem_shared>> -> memref<2000x64xf32, #tpu.memory_space<vmem_shared>>
    tpu.wait_indirect_dma semaphore(%arg12 : memref<!tpu.dma_semaphore, #tpu.memory_space<semaphore_mem>>) src(%dma_wait3A_256 : memref<2000x64xf32, #tpu.memory_space<vmem_shared>>) dst(%dma_wait3A_251 : memref<320x64xf32, #tpu.memory_space<vmem>>)
    %dma_wait3A_257 = arith.constant 1 : i32
    %dma_wait3A_258 = arith.constant 320 : i32
    %dma_wait3A_259 = arith.constant 0 : i32
    %dma_wait3A_260 = tpu.memref_slice %arg10[%dma_wait3A_257, %dma_wait3A_258, %dma_wait3A_259] : memref<2x640x64xf32, #tpu.memory_space<vmem>> -> memref<1x320x64xf32, #tpu.memory_space<vmem>>
    %dma_wait3A_261 = tpu.memref_squeeze %dma_wait3A_260 : memref<1x320x64xf32, #tpu.memory_space<vmem>> -> memref<320x64xf32, #tpu.memory_space<vmem>>
    %dma_wait3A_262 = arith.constant 2240 : i32
    %dma_wait3A_263 = tpu.memref_slice %arg9[%dma_wait3A_262] : memref<12800xi32, #tpu.memory_space<vmem>> -> memref<320xi32, #tpu.memory_space<vmem>>
    %dma_wait3A_264 = arith.constant 0 : i32
    %dma_wait3A_265 = arith.constant 0 : i32
    %dma_wait3A_266 = tpu.memref_slice %arg11[%dma_wait3A_264, %dma_wait3A_265] : memref<2000x64xf32, #tpu.memory_space<vmem_shared>> -> memref<2000x64xf32, #tpu.memory_space<vmem_shared>>
    tpu.wait_indirect_dma semaphore(%arg12 : memref<!tpu.dma_semaphore, #tpu.memory_space<semaphore_mem>>) src(%dma_wait3A_266 : memref<2000x64xf32, #tpu.memory_space<vmem_shared>>) dst(%dma_wait3A_261 : memref<320x64xf32, #tpu.memory_space<vmem>>)
    %add3A_267 = arith.constant 1920 : i32
    %add3A_268 = arith.addi %mul3A_13, %add3A_267 : i32
    %dma_start3A_269 = arith.constant 1 : i32
    %dma_start3A_270 = arith.constant 0 : i32
    %dma_start3A_271 = arith.constant 0 : i32
    %dma_start3A_272 = tpu.memref_slice %arg10[%dma_start3A_269, %dma_start3A_270, %dma_start3A_271] : memref<2x640x64xf32, #tpu.memory_space<vmem>> -> memref<1x640x64xf32, #tpu.memory_space<vmem>>
    %dma_start3A_273 = tpu.memref_squeeze %dma_start3A_272 : memref<1x640x64xf32, #tpu.memory_space<vmem>> -> memref<640x64xf32, #tpu.memory_space<vmem>>
    %dma_start3A_274 = arith.constant 0 : i32
    %dma_start3A_275 = tpu.memref_slice %arg6[%add3A_268, %dma_start3A_274] : memref<409600x64xf32, #tpu.memory_space<hbm>> -> memref<640x64xf32, #tpu.memory_space<hbm>>
    %dma_start3A_276 = arith.constant 0 : i32
    %dma_start3A_277 = tpu.memref_slice %arg6[%add3A_268, %dma_start3A_276] : memref<409600x64xf32, #tpu.memory_space<hbm>> -> memref<640x64xf32, #tpu.memory_space<hbm>>
    %dma_start3A_278 = arith.constant 0 : i32
    %dma_start3A_279 = arith.constant 0 : i32
    %dma_start3A_280 = tpu.memref_slice %arg10[%dma_start3A_269, %dma_start3A_278, %dma_start3A_279] : memref<2x640x64xf32, #tpu.memory_space<vmem>> -> memref<1x640x64xf32, #tpu.memory_space<vmem>>
    %dma_start3A_281 = tpu.memref_squeeze %dma_start3A_280 : memref<1x640x64xf32, #tpu.memory_space<vmem>> -> memref<640x64xf32, #tpu.memory_space<vmem>>
    tpu.enqueue_dma source(%dma_start3A_281 : memref<640x64xf32, #tpu.memory_space<vmem>>) target(%dma_start3A_277 : memref<640x64xf32, #tpu.memory_space<hbm>>) target_semaphore(%arg13 : memref<!tpu.dma_semaphore, #tpu.memory_space<semaphore_mem>>)
    %dma_wait3A_282 = arith.constant 0 : i32
    %dma_wait3A_283 = arith.constant 0 : i32
    %dma_wait3A_284 = arith.constant 0 : i32
    %dma_wait3A_285 = tpu.memref_slice %arg10[%dma_wait3A_282, %dma_wait3A_283, %dma_wait3A_284] : memref<2x640x64xf32, #tpu.memory_space<vmem>> -> memref<1x640x64xf32, #tpu.memory_space<vmem>>
    %dma_wait3A_286 = tpu.memref_squeeze %dma_wait3A_285 : memref<1x640x64xf32, #tpu.memory_space<vmem>> -> memref<640x64xf32, #tpu.memory_space<vmem>>
    %dma_wait3A_287 = arith.constant 0 : i32
    %dma_wait3A_288 = tpu.memref_slice %arg6[%add3A_194, %dma_wait3A_287] : memref<409600x64xf32, #tpu.memory_space<hbm>> -> memref<640x64xf32, #tpu.memory_space<hbm>>
    %dma_wait3A_289 = arith.constant 0 : i32
    %dma_wait3A_290 = tpu.memref_slice %arg6[%add3A_194, %dma_wait3A_289] : memref<409600x64xf32, #tpu.memory_space<hbm>> -> memref<640x64xf32, #tpu.memory_space<hbm>>
    %dma_wait3A_291 = arith.constant 0 : i32
    %dma_wait3A_292 = arith.constant 0 : i32
    %dma_wait3A_293 = tpu.memref_slice %arg10[%dma_wait3A_282, %dma_wait3A_291, %dma_wait3A_292] : memref<2x640x64xf32, #tpu.memory_space<vmem>> -> memref<1x640x64xf32, #tpu.memory_space<vmem>>
    %dma_wait3A_294 = tpu.memref_squeeze %dma_wait3A_293 : memref<1x640x64xf32, #tpu.memory_space<vmem>> -> memref<640x64xf32, #tpu.memory_space<vmem>>
    tpu.wait_dma2 semaphore(%arg13 : memref<!tpu.dma_semaphore, #tpu.memory_space<semaphore_mem>>) src(%dma_wait3A_294 : memref<640x64xf32, #tpu.memory_space<vmem>>) dst(%dma_wait3A_290 : memref<640x64xf32, #tpu.memory_space<hbm>>)
    %dma_start3A_295 = arith.constant 0 : i32
    %dma_start3A_296 = arith.constant 0 : i32
    %dma_start3A_297 = arith.constant 0 : i32
    %dma_start3A_298 = tpu.memref_slice %arg10[%dma_start3A_295, %dma_start3A_296, %dma_start3A_297] : memref<2x640x64xf32, #tpu.memory_space<vmem>> -> memref<1x320x64xf32, #tpu.memory_space<vmem>>
    %dma_start3A_299 = tpu.memref_squeeze %dma_start3A_298 : memref<1x320x64xf32, #tpu.memory_space<vmem>> -> memref<320x64xf32, #tpu.memory_space<vmem>>
    %dma_start3A_300 = arith.constant 2560 : i32
    %dma_start3A_301 = tpu.memref_slice %arg9[%dma_start3A_300] : memref<12800xi32, #tpu.memory_space<vmem>> -> memref<320xi32, #tpu.memory_space<vmem>>
    %dma_start3A_302 = arith.constant 0 : i32
    %dma_start3A_303 = arith.constant 0 : i32
    %dma_start3A_304 = tpu.memref_slice %arg11[%dma_start3A_302, %dma_start3A_303] : memref<2000x64xf32, #tpu.memory_space<vmem_shared>> -> memref<2000x64xf32, #tpu.memory_space<vmem_shared>>
    tpu.enqueue_indirect_dma source(%dma_start3A_304 : memref<2000x64xf32, #tpu.memory_space<vmem_shared>>) target(%dma_start3A_299 : memref<320x64xf32, #tpu.memory_space<vmem>>) offsets(%dma_start3A_301 : memref<320xi32, #tpu.memory_space<vmem>>) semaphore(%arg12 : memref<!tpu.dma_semaphore, #tpu.memory_space<semaphore_mem>>)
    %dma_start3A_305 = arith.constant 0 : i32
    %dma_start3A_306 = arith.constant 320 : i32
    %dma_start3A_307 = arith.constant 0 : i32
    %dma_start3A_308 = tpu.memref_slice %arg10[%dma_start3A_305, %dma_start3A_306, %dma_start3A_307] : memref<2x640x64xf32, #tpu.memory_space<vmem>> -> memref<1x320x64xf32, #tpu.memory_space<vmem>>
    %dma_start3A_309 = tpu.memref_squeeze %dma_start3A_308 : memref<1x320x64xf32, #tpu.memory_space<vmem>> -> memref<320x64xf32, #tpu.memory_space<vmem>>
    %dma_start3A_310 = arith.constant 2880 : i32
    %dma_start3A_311 = tpu.memref_slice %arg9[%dma_start3A_310] : memref<12800xi32, #tpu.memory_space<vmem>> -> memref<320xi32, #tpu.memory_space<vmem>>
    %dma_start3A_312 = arith.constant 0 : i32
    %dma_start3A_313 = arith.constant 0 : i32
    %dma_start3A_314 = tpu.memref_slice %arg11[%dma_start3A_312, %dma_start3A_313] : memref<2000x64xf32, #tpu.memory_space<vmem_shared>> -> memref<2000x64xf32, #tpu.memory_space<vmem_shared>>
    tpu.enqueue_indirect_dma source(%dma_start3A_314 : memref<2000x64xf32, #tpu.memory_space<vmem_shared>>) target(%dma_start3A_309 : memref<320x64xf32, #tpu.memory_space<vmem>>) offsets(%dma_start3A_311 : memref<320xi32, #tpu.memory_space<vmem>>) semaphore(%arg12 : memref<!tpu.dma_semaphore, #tpu.memory_space<semaphore_mem>>)
    %scan3A_315 = arith.constant 0 : i32
    %scan3A_316 = arith.constant 100 : i32
    %scan3A_317 = arith.constant 20 : i32
    %scan3A_318 = arith.addi %scan3A_316, %scan3A_317 : i32
    %scan3A_319 = arith.constant 1 : i32
    scf.for %scan3A_1486 = %scan3A_316 to %scan3A_318 step %scan3A_319  : i32 {
      %mul3A_1487 = arith.constant 16 : i32
      %mul3A_1488 = arith.muli %scan3A_1486, %mul3A_1487 : i32
      %get3A = arith.index_cast %mul3A_1488 : i32 to index
      %get3A_1489 = tpu.vector_load %arg7[%get3A] {strides = array<i32>} : memref<6400xi32, #tpu.memory_space<vmem>>, vector<16xi32>,
      %mul3A_1490 = arith.constant 16 : i32
      %mul3A_1491 = arith.muli %scan3A_1486, %mul3A_1490 : i32
      %get3A_1492 = arith.index_cast %mul3A_1491 : i32 to index
      %get3A_1493 = tpu.vector_load %arg8[%get3A_1492] {strides = array<i32>} : memref<6400xi32, #tpu.memory_space<vmem>>, vector<16xi32>,
      %add3A_1494 = arith.constant 1000 : i32
      %add3A_1495 = vector.broadcast %add3A_1494 : i32 to vector<16xi32>
      %add3A_1496 = arith.addi %get3A_1493, %add3A_1495 : vector<16xi32>
      %mul3A_1497 = arith.constant 32 : i32
      %mul3A_1498 = arith.muli %mul3A_1497, %scan3A_1486 : i32
      %iota3A = tpu.iota {dimensions = array<i32: 0>} : vector<16xi32>
      %mul3A_1499 = arith.constant 2 : i32
      %mul3A_1500 = vector.broadcast %mul3A_1499 : i32 to vector<16xi32>
      %mul3A_1501 = arith.muli %mul3A_1500, %iota3A : vector<16xi32>
      %add3A_1502 = vector.broadcast %mul3A_1498 : i32 to vector<16xi32>
      %add3A_1503 = arith.addi %add3A_1502, %mul3A_1501 : vector<16xi32>
      tpu.vector_store_idx %arg9[%add3A_1503], %get3A_1489 : memref<12800xi32, #tpu.memory_space<vmem>>[vector<16xi32>], vector<16xi32>,
      %add3A_1504 = arith.constant 1 : i32
      %add3A_1505 = vector.broadcast %add3A_1504 : i32 to vector<16xi32>
      %add3A_1506 = arith.addi %add3A_1503, %add3A_1505 : vector<16xi32>
      tpu.vector_store_idx %arg9[%add3A_1506], %add3A_1496 : memref<12800xi32, #tpu.memory_space<vmem>>[vector<16xi32>], vector<16xi32>,
    }
    %scan3A_320 = arith.constant 20 : i32
    %dma_wait3A_321 = arith.constant 0 : i32
    %dma_wait3A_322 = arith.constant 0 : i32
    %dma_wait3A_323 = arith.constant 0 : i32
    %dma_wait3A_324 = tpu.memref_slice %arg10[%dma_wait3A_321, %dma_wait3A_322, %dma_wait3A_323] : memref<2x640x64xf32, #tpu.memory_space<vmem>> -> memref<1x320x64xf32, #tpu.memory_space<vmem>>
    %dma_wait3A_325 = tpu.memref_squeeze %dma_wait3A_324 : memref<1x320x64xf32, #tpu.memory_space<vmem>> -> memref<320x64xf32, #tpu.memory_space<vmem>>
    %dma_wait3A_326 = arith.constant 2560 : i32
    %dma_wait3A_327 = tpu.memref_slice %arg9[%dma_wait3A_326] : memref<12800xi32, #tpu.memory_space<vmem>> -> memref<320xi32, #tpu.memory_space<vmem>>
    %dma_wait3A_328 = arith.constant 0 : i32
    %dma_wait3A_329 = arith.constant 0 : i32
    %dma_wait3A_330 = tpu.memref_slice %arg11[%dma_wait3A_328, %dma_wait3A_329] : memref<2000x64xf32, #tpu.memory_space<vmem_shared>> -> memref<2000x64xf32, #tpu.memory_space<vmem_shared>>
    tpu.wait_indirect_dma semaphore(%arg12 : memref<!tpu.dma_semaphore, #tpu.memory_space<semaphore_mem>>) src(%dma_wait3A_330 : memref<2000x64xf32, #tpu.memory_space<vmem_shared>>) dst(%dma_wait3A_325 : memref<320x64xf32, #tpu.memory_space<vmem>>)
    %dma_wait3A_331 = arith.constant 0 : i32
    %dma_wait3A_332 = arith.constant 320 : i32
    %dma_wait3A_333 = arith.constant 0 : i32
    %dma_wait3A_334 = tpu.memref_slice %arg10[%dma_wait3A_331, %dma_wait3A_332, %dma_wait3A_333] : memref<2x640x64xf32, #tpu.memory_space<vmem>> -> memref<1x320x64xf32, #tpu.memory_space<vmem>>
    %dma_wait3A_335 = tpu.memref_squeeze %dma_wait3A_334 : memref<1x320x64xf32, #tpu.memory_space<vmem>> -> memref<320x64xf32, #tpu.memory_space<vmem>>
    %dma_wait3A_336 = arith.constant 2880 : i32
    %dma_wait3A_337 = tpu.memref_slice %arg9[%dma_wait3A_336] : memref<12800xi32, #tpu.memory_space<vmem>> -> memref<320xi32, #tpu.memory_space<vmem>>
    %dma_wait3A_338 = arith.constant 0 : i32
    %dma_wait3A_339 = arith.constant 0 : i32
    %dma_wait3A_340 = tpu.memref_slice %arg11[%dma_wait3A_338, %dma_wait3A_339] : memref<2000x64xf32, #tpu.memory_space<vmem_shared>> -> memref<2000x64xf32, #tpu.memory_space<vmem_shared>>
    tpu.wait_indirect_dma semaphore(%arg12 : memref<!tpu.dma_semaphore, #tpu.memory_space<semaphore_mem>>) src(%dma_wait3A_340 : memref<2000x64xf32, #tpu.memory_space<vmem_shared>>) dst(%dma_wait3A_335 : memref<320x64xf32, #tpu.memory_space<vmem>>)
    %add3A_341 = arith.constant 2560 : i32
    %add3A_342 = arith.addi %mul3A_13, %add3A_341 : i32
    %dma_start3A_343 = arith.constant 0 : i32
    %dma_start3A_344 = arith.constant 0 : i32
    %dma_start3A_345 = arith.constant 0 : i32
    %dma_start3A_346 = tpu.memref_slice %arg10[%dma_start3A_343, %dma_start3A_344, %dma_start3A_345] : memref<2x640x64xf32, #tpu.memory_space<vmem>> -> memref<1x640x64xf32, #tpu.memory_space<vmem>>
    %dma_start3A_347 = tpu.memref_squeeze %dma_start3A_346 : memref<1x640x64xf32, #tpu.memory_space<vmem>> -> memref<640x64xf32, #tpu.memory_space<vmem>>
    %dma_start3A_348 = arith.constant 0 : i32
    %dma_start3A_349 = tpu.memref_slice %arg6[%add3A_342, %dma_start3A_348] : memref<409600x64xf32, #tpu.memory_space<hbm>> -> memref<640x64xf32, #tpu.memory_space<hbm>>
    %dma_start3A_350 = arith.constant 0 : i32
    %dma_start3A_351 = tpu.memref_slice %arg6[%add3A_342, %dma_start3A_350] : memref<409600x64xf32, #tpu.memory_space<hbm>> -> memref<640x64xf32, #tpu.memory_space<hbm>>
    %dma_start3A_352 = arith.constant 0 : i32
    %dma_start3A_353 = arith.constant 0 : i32
    %dma_start3A_354 = tpu.memref_slice %arg10[%dma_start3A_343, %dma_start3A_352, %dma_start3A_353] : memref<2x640x64xf32, #tpu.memory_space<vmem>> -> memref<1x640x64xf32, #tpu.memory_space<vmem>>
    %dma_start3A_355 = tpu.memref_squeeze %dma_start3A_354 : memref<1x640x64xf32, #tpu.memory_space<vmem>> -> memref<640x64xf32, #tpu.memory_space<vmem>>
    tpu.enqueue_dma source(%dma_start3A_355 : memref<640x64xf32, #tpu.memory_space<vmem>>) target(%dma_start3A_351 : memref<640x64xf32, #tpu.memory_space<hbm>>) target_semaphore(%arg13 : memref<!tpu.dma_semaphore, #tpu.memory_space<semaphore_mem>>)
    %dma_wait3A_356 = arith.constant 1 : i32
    %dma_wait3A_357 = arith.constant 0 : i32
    %dma_wait3A_358 = arith.constant 0 : i32
    %dma_wait3A_359 = tpu.memref_slice %arg10[%dma_wait3A_356, %dma_wait3A_357, %dma_wait3A_358] : memref<2x640x64xf32, #tpu.memory_space<vmem>> -> memref<1x640x64xf32, #tpu.memory_space<vmem>>
    %dma_wait3A_360 = tpu.memref_squeeze %dma_wait3A_359 : memref<1x640x64xf32, #tpu.memory_space<vmem>> -> memref<640x64xf32, #tpu.memory_space<vmem>>
    %dma_wait3A_361 = arith.constant 0 : i32
    %dma_wait3A_362 = tpu.memref_slice %arg6[%add3A_268, %dma_wait3A_361] : memref<409600x64xf32, #tpu.memory_space<hbm>> -> memref<640x64xf32, #tpu.memory_space<hbm>>
    %dma_wait3A_363 = arith.constant 0 : i32
    %dma_wait3A_364 = tpu.memref_slice %arg6[%add3A_268, %dma_wait3A_363] : memref<409600x64xf32, #tpu.memory_space<hbm>> -> memref<640x64xf32, #tpu.memory_space<hbm>>
    %dma_wait3A_365 = arith.constant 0 : i32
    %dma_wait3A_366 = arith.constant 0 : i32
    %dma_wait3A_367 = tpu.memref_slice %arg10[%dma_wait3A_356, %dma_wait3A_365, %dma_wait3A_366] : memref<2x640x64xf32, #tpu.memory_space<vmem>> -> memref<1x640x64xf32, #tpu.memory_space<vmem>>
    %dma_wait3A_368 = tpu.memref_squeeze %dma_wait3A_367 : memref<1x640x64xf32, #tpu.memory_space<vmem>> -> memref<640x64xf32, #tpu.memory_space<vmem>>
    tpu.wait_dma2 semaphore(%arg13 : memref<!tpu.dma_semaphore, #tpu.memory_space<semaphore_mem>>) src(%dma_wait3A_368 : memref<640x64xf32, #tpu.memory_space<vmem>>) dst(%dma_wait3A_364 : memref<640x64xf32, #tpu.memory_space<hbm>>)
    %dma_start3A_369 = arith.constant 1 : i32
    %dma_start3A_370 = arith.constant 0 : i32
    %dma_start3A_371 = arith.constant 0 : i32
    %dma_start3A_372 = tpu.memref_slice %arg10[%dma_start3A_369, %dma_start3A_370, %dma_start3A_371] : memref<2x640x64xf32, #tpu.memory_space<vmem>> -> memref<1x320x64xf32, #tpu.memory_space<vmem>>
    %dma_start3A_373 = tpu.memref_squeeze %dma_start3A_372 : memref<1x320x64xf32, #tpu.memory_space<vmem>> -> memref<320x64xf32, #tpu.memory_space<vmem>>
    %dma_start3A_374 = arith.constant 3200 : i32
    %dma_start3A_375 = tpu.memref_slice %arg9[%dma_start3A_374] : memref<12800xi32, #tpu.memory_space<vmem>> -> memref<320xi32, #tpu.memory_space<vmem>>
    %dma_start3A_376 = arith.constant 0 : i32
    %dma_start3A_377 = arith.constant 0 : i32
    %dma_start3A_378 = tpu.memref_slice %arg11[%dma_start3A_376, %dma_start3A_377] : memref<2000x64xf32, #tpu.memory_space<vmem_shared>> -> memref<2000x64xf32, #tpu.memory_space<vmem_shared>>
    tpu.enqueue_indirect_dma source(%dma_start3A_378 : memref<2000x64xf32, #tpu.memory_space<vmem_shared>>) target(%dma_start3A_373 : memref<320x64xf32, #tpu.memory_space<vmem>>) offsets(%dma_start3A_375 : memref<320xi32, #tpu.memory_space<vmem>>) semaphore(%arg12 : memref<!tpu.dma_semaphore, #tpu.memory_space<semaphore_mem>>)
    %dma_start3A_379 = arith.constant 1 : i32
    %dma_start3A_380 = arith.constant 320 : i32
    %dma_start3A_381 = arith.constant 0 : i32
    %dma_start3A_382 = tpu.memref_slice %arg10[%dma_start3A_379, %dma_start3A_380, %dma_start3A_381] : memref<2x640x64xf32, #tpu.memory_space<vmem>> -> memref<1x320x64xf32, #tpu.memory_space<vmem>>
    %dma_start3A_383 = tpu.memref_squeeze %dma_start3A_382 : memref<1x320x64xf32, #tpu.memory_space<vmem>> -> memref<320x64xf32, #tpu.memory_space<vmem>>
    %dma_start3A_384 = arith.constant 3520 : i32
    %dma_start3A_385 = tpu.memref_slice %arg9[%dma_start3A_384] : memref<12800xi32, #tpu.memory_space<vmem>> -> memref<320xi32, #tpu.memory_space<vmem>>
    %dma_start3A_386 = arith.constant 0 : i32
    %dma_start3A_387 = arith.constant 0 : i32
    %dma_start3A_388 = tpu.memref_slice %arg11[%dma_start3A_386, %dma_start3A_387] : memref<2000x64xf32, #tpu.memory_space<vmem_shared>> -> memref<2000x64xf32, #tpu.memory_space<vmem_shared>>
    tpu.enqueue_indirect_dma source(%dma_start3A_388 : memref<2000x64xf32, #tpu.memory_space<vmem_shared>>) target(%dma_start3A_383 : memref<320x64xf32, #tpu.memory_space<vmem>>) offsets(%dma_start3A_385 : memref<320xi32, #tpu.memory_space<vmem>>) semaphore(%arg12 : memref<!tpu.dma_semaphore, #tpu.memory_space<semaphore_mem>>)
    %scan3A_389 = arith.constant 0 : i32
    %scan3A_390 = arith.constant 120 : i32
    %scan3A_391 = arith.constant 20 : i32
    %scan3A_392 = arith.addi %scan3A_390, %scan3A_391 : i32
    %scan3A_393 = arith.constant 1 : i32
    scf.for %scan3A_1486 = %scan3A_390 to %scan3A_392 step %scan3A_393  : i32 {
      %mul3A_1487 = arith.constant 16 : i32
      %mul3A_1488 = arith.muli %scan3A_1486, %mul3A_1487 : i32
      %get3A = arith.index_cast %mul3A_1488 : i32 to index
      %get3A_1489 = tpu.vector_load %arg7[%get3A] {strides = array<i32>} : memref<6400xi32, #tpu.memory_space<vmem>>, vector<16xi32>,
      %mul3A_1490 = arith.constant 16 : i32
      %mul3A_1491 = arith.muli %scan3A_1486, %mul3A_1490 : i32
      %get3A_1492 = arith.index_cast %mul3A_1491 : i32 to index
      %get3A_1493 = tpu.vector_load %arg8[%get3A_1492] {strides = array<i32>} : memref<6400xi32, #tpu.memory_space<vmem>>, vector<16xi32>,
      %add3A_1494 = arith.constant 1000 : i32
      %add3A_1495 = vector.broadcast %add3A_1494 : i32 to vector<16xi32>
      %add3A_1496 = arith.addi %get3A_1493, %add3A_1495 : vector<16xi32>
      %mul3A_1497 = arith.constant 32 : i32
      %mul3A_1498 = arith.muli %mul3A_1497, %scan3A_1486 : i32
      %iota3A = tpu.iota {dimensions = array<i32: 0>} : vector<16xi32>
      %mul3A_1499 = arith.constant 2 : i32
      %mul3A_1500 = vector.broadcast %mul3A_1499 : i32 to vector<16xi32>
      %mul3A_1501 = arith.muli %mul3A_1500, %iota3A : vector<16xi32>
      %add3A_1502 = vector.broadcast %mul3A_1498 : i32 to vector<16xi32>
      %add3A_1503 = arith.addi %add3A_1502, %mul3A_1501 : vector<16xi32>
      tpu.vector_store_idx %arg9[%add3A_1503], %get3A_1489 : memref<12800xi32, #tpu.memory_space<vmem>>[vector<16xi32>], vector<16xi32>,
      %add3A_1504 = arith.constant 1 : i32
      %add3A_1505 = vector.broadcast %add3A_1504 : i32 to vector<16xi32>
      %add3A_1506 = arith.addi %add3A_1503, %add3A_1505 : vector<16xi32>
      tpu.vector_store_idx %arg9[%add3A_1506], %add3A_1496 : memref<12800xi32, #tpu.memory_space<vmem>>[vector<16xi32>], vector<16xi32>,
    }
    %scan3A_394 = arith.constant 20 : i32
    %dma_wait3A_395 = arith.constant 1 : i32
    %dma_wait3A_396 = arith.constant 0 : i32
    %dma_wait3A_397 = arith.constant 0 : i32
    %dma_wait3A_398 = tpu.memref_slice %arg10[%dma_wait3A_395, %dma_wait3A_396, %dma_wait3A_397] : memref<2x640x64xf32, #tpu.memory_space<vmem>> -> memref<1x320x64xf32, #tpu.memory_space<vmem>>
    %dma_wait3A_399 = tpu.memref_squeeze %dma_wait3A_398 : memref<1x320x64xf32, #tpu.memory_space<vmem>> -> memref<320x64xf32, #tpu.memory_space<vmem>>
    %dma_wait3A_400 = arith.constant 3200 : i32
    %dma_wait3A_401 = tpu.memref_slice %arg9[%dma_wait3A_400] : memref<12800xi32, #tpu.memory_space<vmem>> -> memref<320xi32, #tpu.memory_space<vmem>>
    %dma_wait3A_402 = arith.constant 0 : i32
    %dma_wait3A_403 = arith.constant 0 : i32
    %dma_wait3A_404 = tpu.memref_slice %arg11[%dma_wait3A_402, %dma_wait3A_403] : memref<2000x64xf32, #tpu.memory_space<vmem_shared>> -> memref<2000x64xf32, #tpu.memory_space<vmem_shared>>
    tpu.wait_indirect_dma semaphore(%arg12 : memref<!tpu.dma_semaphore, #tpu.memory_space<semaphore_mem>>) src(%dma_wait3A_404 : memref<2000x64xf32, #tpu.memory_space<vmem_shared>>) dst(%dma_wait3A_399 : memref<320x64xf32, #tpu.memory_space<vmem>>)
    %dma_wait3A_405 = arith.constant 1 : i32
    %dma_wait3A_406 = arith.constant 320 : i32
    %dma_wait3A_407 = arith.constant 0 : i32
    %dma_wait3A_408 = tpu.memref_slice %arg10[%dma_wait3A_405, %dma_wait3A_406, %dma_wait3A_407] : memref<2x640x64xf32, #tpu.memory_space<vmem>> -> memref<1x320x64xf32, #tpu.memory_space<vmem>>
    %dma_wait3A_409 = tpu.memref_squeeze %dma_wait3A_408 : memref<1x320x64xf32, #tpu.memory_space<vmem>> -> memref<320x64xf32, #tpu.memory_space<vmem>>
    %dma_wait3A_410 = arith.constant 3520 : i32
    %dma_wait3A_411 = tpu.memref_slice %arg9[%dma_wait3A_410] : memref<12800xi32, #tpu.memory_space<vmem>> -> memref<320xi32, #tpu.memory_space<vmem>>
    %dma_wait3A_412 = arith.constant 0 : i32
    %dma_wait3A_413 = arith.constant 0 : i32
    %dma_wait3A_414 = tpu.memref_slice %arg11[%dma_wait3A_412, %dma_wait3A_413] : memref<2000x64xf32, #tpu.memory_space<vmem_shared>> -> memref<2000x64xf32, #tpu.memory_space<vmem_shared>>
    tpu.wait_indirect_dma semaphore(%arg12 : memref<!tpu.dma_semaphore, #tpu.memory_space<semaphore_mem>>) src(%dma_wait3A_414 : memref<2000x64xf32, #tpu.memory_space<vmem_shared>>) dst(%dma_wait3A_409 : memref<320x64xf32, #tpu.memory_space<vmem>>)
    %add3A_415 = arith.constant 3200 : i32
    %add3A_416 = arith.addi %mul3A_13, %add3A_415 : i32
    %dma_start3A_417 = arith.constant 1 : i32
    %dma_start3A_418 = arith.constant 0 : i32
    %dma_start3A_419 = arith.constant 0 : i32
    %dma_start3A_420 = tpu.memref_slice %arg10[%dma_start3A_417, %dma_start3A_418, %dma_start3A_419] : memref<2x640x64xf32, #tpu.memory_space<vmem>> -> memref<1x640x64xf32, #tpu.memory_space<vmem>>
    %dma_start3A_421 = tpu.memref_squeeze %dma_start3A_420 : memref<1x640x64xf32, #tpu.memory_space<vmem>> -> memref<640x64xf32, #tpu.memory_space<vmem>>
    %dma_start3A_422 = arith.constant 0 : i32
    %dma_start3A_423 = tpu.memref_slice %arg6[%add3A_416, %dma_start3A_422] : memref<409600x64xf32, #tpu.memory_space<hbm>> -> memref<640x64xf32, #tpu.memory_space<hbm>>
    %dma_start3A_424 = arith.constant 0 : i32
    %dma_start3A_425 = tpu.memref_slice %arg6[%add3A_416, %dma_start3A_424] : memref<409600x64xf32, #tpu.memory_space<hbm>> -> memref<640x64xf32, #tpu.memory_space<hbm>>
    %dma_start3A_426 = arith.constant 0 : i32
    %dma_start3A_427 = arith.constant 0 : i32
    %dma_start3A_428 = tpu.memref_slice %arg10[%dma_start3A_417, %dma_start3A_426, %dma_start3A_427] : memref<2x640x64xf32, #tpu.memory_space<vmem>> -> memref<1x640x64xf32, #tpu.memory_space<vmem>>
    %dma_start3A_429 = tpu.memref_squeeze %dma_start3A_428 : memref<1x640x64xf32, #tpu.memory_space<vmem>> -> memref<640x64xf32, #tpu.memory_space<vmem>>
    tpu.enqueue_dma source(%dma_start3A_429 : memref<640x64xf32, #tpu.memory_space<vmem>>) target(%dma_start3A_425 : memref<640x64xf32, #tpu.memory_space<hbm>>) target_semaphore(%arg13 : memref<!tpu.dma_semaphore, #tpu.memory_space<semaphore_mem>>)
    %dma_wait3A_430 = arith.constant 0 : i32
    %dma_wait3A_431 = arith.constant 0 : i32
    %dma_wait3A_432 = arith.constant 0 : i32
    %dma_wait3A_433 = tpu.memref_slice %arg10[%dma_wait3A_430, %dma_wait3A_431, %dma_wait3A_432] : memref<2x640x64xf32, #tpu.memory_space<vmem>> -> memref<1x640x64xf32, #tpu.memory_space<vmem>>
    %dma_wait3A_434 = tpu.memref_squeeze %dma_wait3A_433 : memref<1x640x64xf32, #tpu.memory_space<vmem>> -> memref<640x64xf32, #tpu.memory_space<vmem>>
    %dma_wait3A_435 = arith.constant 0 : i32
    %dma_wait3A_436 = tpu.memref_slice %arg6[%add3A_342, %dma_wait3A_435] : memref<409600x64xf32, #tpu.memory_space<hbm>> -> memref<640x64xf32, #tpu.memory_space<hbm>>
    %dma_wait3A_437 = arith.constant 0 : i32
    %dma_wait3A_438 = tpu.memref_slice %arg6[%add3A_342, %dma_wait3A_437] : memref<409600x64xf32, #tpu.memory_space<hbm>> -> memref<640x64xf32, #tpu.memory_space<hbm>>
    %dma_wait3A_439 = arith.constant 0 : i32
    %dma_wait3A_440 = arith.constant 0 : i32
    %dma_wait3A_441 = tpu.memref_slice %arg10[%dma_wait3A_430, %dma_wait3A_439, %dma_wait3A_440] : memref<2x640x64xf32, #tpu.memory_space<vmem>> -> memref<1x640x64xf32, #tpu.memory_space<vmem>>
    %dma_wait3A_442 = tpu.memref_squeeze %dma_wait3A_441 : memref<1x640x64xf32, #tpu.memory_space<vmem>> -> memref<640x64xf32, #tpu.memory_space<vmem>>
    tpu.wait_dma2 semaphore(%arg13 : memref<!tpu.dma_semaphore, #tpu.memory_space<semaphore_mem>>) src(%dma_wait3A_442 : memref<640x64xf32, #tpu.memory_space<vmem>>) dst(%dma_wait3A_438 : memref<640x64xf32, #tpu.memory_space<hbm>>)
    %dma_start3A_443 = arith.constant 0 : i32
    %dma_start3A_444 = arith.constant 0 : i32
    %dma_start3A_445 = arith.constant 0 : i32
    %dma_start3A_446 = tpu.memref_slice %arg10[%dma_start3A_443, %dma_start3A_444, %dma_start3A_445] : memref<2x640x64xf32, #tpu.memory_space<vmem>> -> memref<1x320x64xf32, #tpu.memory_space<vmem>>
    %dma_start3A_447 = tpu.memref_squeeze %dma_start3A_446 : memref<1x320x64xf32, #tpu.memory_space<vmem>> -> memref<320x64xf32, #tpu.memory_space<vmem>>
    %dma_start3A_448 = arith.constant 3840 : i32
    %dma_start3A_449 = tpu.memref_slice %arg9[%dma_start3A_448] : memref<12800xi32, #tpu.memory_space<vmem>> -> memref<320xi32, #tpu.memory_space<vmem>>
    %dma_start3A_450 = arith.constant 0 : i32
    %dma_start3A_451 = arith.constant 0 : i32
    %dma_start3A_452 = tpu.memref_slice %arg11[%dma_start3A_450, %dma_start3A_451] : memref<2000x64xf32, #tpu.memory_space<vmem_shared>> -> memref<2000x64xf32, #tpu.memory_space<vmem_shared>>
    tpu.enqueue_indirect_dma source(%dma_start3A_452 : memref<2000x64xf32, #tpu.memory_space<vmem_shared>>) target(%dma_start3A_447 : memref<320x64xf32, #tpu.memory_space<vmem>>) offsets(%dma_start3A_449 : memref<320xi32, #tpu.memory_space<vmem>>) semaphore(%arg12 : memref<!tpu.dma_semaphore, #tpu.memory_space<semaphore_mem>>)
    %dma_start3A_453 = arith.constant 0 : i32
    %dma_start3A_454 = arith.constant 320 : i32
    %dma_start3A_455 = arith.constant 0 : i32
    %dma_start3A_456 = tpu.memref_slice %arg10[%dma_start3A_453, %dma_start3A_454, %dma_start3A_455] : memref<2x640x64xf32, #tpu.memory_space<vmem>> -> memref<1x320x64xf32, #tpu.memory_space<vmem>>
    %dma_start3A_457 = tpu.memref_squeeze %dma_start3A_456 : memref<1x320x64xf32, #tpu.memory_space<vmem>> -> memref<320x64xf32, #tpu.memory_space<vmem>>
    %dma_start3A_458 = arith.constant 4160 : i32
    %dma_start3A_459 = tpu.memref_slice %arg9[%dma_start3A_458] : memref<12800xi32, #tpu.memory_space<vmem>> -> memref<320xi32, #tpu.memory_space<vmem>>
    %dma_start3A_460 = arith.constant 0 : i32
    %dma_start3A_461 = arith.constant 0 : i32
    %dma_start3A_462 = tpu.memref_slice %arg11[%dma_start3A_460, %dma_start3A_461] : memref<2000x64xf32, #tpu.memory_space<vmem_shared>> -> memref<2000x64xf32, #tpu.memory_space<vmem_shared>>
    tpu.enqueue_indirect_dma source(%dma_start3A_462 : memref<2000x64xf32, #tpu.memory_space<vmem_shared>>) target(%dma_start3A_457 : memref<320x64xf32, #tpu.memory_space<vmem>>) offsets(%dma_start3A_459 : memref<320xi32, #tpu.memory_space<vmem>>) semaphore(%arg12 : memref<!tpu.dma_semaphore, #tpu.memory_space<semaphore_mem>>)
    %scan3A_463 = arith.constant 0 : i32
    %scan3A_464 = arith.constant 140 : i32
    %scan3A_465 = arith.constant 20 : i32
    %scan3A_466 = arith.addi %scan3A_464, %scan3A_465 : i32
    %scan3A_467 = arith.constant 1 : i32
    scf.for %scan3A_1486 = %scan3A_464 to %scan3A_466 step %scan3A_467  : i32 {
      %mul3A_1487 = arith.constant 16 : i32
      %mul3A_1488 = arith.muli %scan3A_1486, %mul3A_1487 : i32
      %get3A = arith.index_cast %mul3A_1488 : i32 to index
      %get3A_1489 = tpu.vector_load %arg7[%get3A] {strides = array<i32>} : memref<6400xi32, #tpu.memory_space<vmem>>, vector<16xi32>,
      %mul3A_1490 = arith.constant 16 : i32
      %mul3A_1491 = arith.muli %scan3A_1486, %mul3A_1490 : i32
      %get3A_1492 = arith.index_cast %mul3A_1491 : i32 to index
      %get3A_1493 = tpu.vector_load %arg8[%get3A_1492] {strides = array<i32>} : memref<6400xi32, #tpu.memory_space<vmem>>, vector<16xi32>,
      %add3A_1494 = arith.constant 1000 : i32
      %add3A_1495 = vector.broadcast %add3A_1494 : i32 to vector<16xi32>
      %add3A_1496 = arith.addi %get3A_1493, %add3A_1495 : vector<16xi32>
      %mul3A_1497 = arith.constant 32 : i32
      %mul3A_1498 = arith.muli %mul3A_1497, %scan3A_1486 : i32
      %iota3A = tpu.iota {dimensions = array<i32: 0>} : vector<16xi32>
      %mul3A_1499 = arith.constant 2 : i32
      %mul3A_1500 = vector.broadcast %mul3A_1499 : i32 to vector<16xi32>
      %mul3A_1501 = arith.muli %mul3A_1500, %iota3A : vector<16xi32>
      %add3A_1502 = vector.broadcast %mul3A_1498 : i32 to vector<16xi32>
      %add3A_1503 = arith.addi %add3A_1502, %mul3A_1501 : vector<16xi32>
      tpu.vector_store_idx %arg9[%add3A_1503], %get3A_1489 : memref<12800xi32, #tpu.memory_space<vmem>>[vector<16xi32>], vector<16xi32>,
      %add3A_1504 = arith.constant 1 : i32
      %add3A_1505 = vector.broadcast %add3A_1504 : i32 to vector<16xi32>
      %add3A_1506 = arith.addi %add3A_1503, %add3A_1505 : vector<16xi32>
      tpu.vector_store_idx %arg9[%add3A_1506], %add3A_1496 : memref<12800xi32, #tpu.memory_space<vmem>>[vector<16xi32>], vector<16xi32>,
    }
    %scan3A_468 = arith.constant 20 : i32
    %dma_wait3A_469 = arith.constant 0 : i32
    %dma_wait3A_470 = arith.constant 0 : i32
    %dma_wait3A_471 = arith.constant 0 : i32
    %dma_wait3A_472 = tpu.memref_slice %arg10[%dma_wait3A_469, %dma_wait3A_470, %dma_wait3A_471] : memref<2x640x64xf32, #tpu.memory_space<vmem>> -> memref<1x320x64xf32, #tpu.memory_space<vmem>>
    %dma_wait3A_473 = tpu.memref_squeeze %dma_wait3A_472 : memref<1x320x64xf32, #tpu.memory_space<vmem>> -> memref<320x64xf32, #tpu.memory_space<vmem>>
    %dma_wait3A_474 = arith.constant 3840 : i32
    %dma_wait3A_475 = tpu.memref_slice %arg9[%dma_wait3A_474] : memref<12800xi32, #tpu.memory_space<vmem>> -> memref<320xi32, #tpu.memory_space<vmem>>
    %dma_wait3A_476 = arith.constant 0 : i32
    %dma_wait3A_477 = arith.constant 0 : i32
    %dma_wait3A_478 = tpu.memref_slice %arg11[%dma_wait3A_476, %dma_wait3A_477] : memref<2000x64xf32, #tpu.memory_space<vmem_shared>> -> memref<2000x64xf32, #tpu.memory_space<vmem_shared>>
    tpu.wait_indirect_dma semaphore(%arg12 : memref<!tpu.dma_semaphore, #tpu.memory_space<semaphore_mem>>) src(%dma_wait3A_478 : memref<2000x64xf32, #tpu.memory_space<vmem_shared>>) dst(%dma_wait3A_473 : memref<320x64xf32, #tpu.memory_space<vmem>>)
    %dma_wait3A_479 = arith.constant 0 : i32
    %dma_wait3A_480 = arith.constant 320 : i32
    %dma_wait3A_481 = arith.constant 0 : i32
    %dma_wait3A_482 = tpu.memref_slice %arg10[%dma_wait3A_479, %dma_wait3A_480, %dma_wait3A_481] : memref<2x640x64xf32, #tpu.memory_space<vmem>> -> memref<1x320x64xf32, #tpu.memory_space<vmem>>
    %dma_wait3A_483 = tpu.memref_squeeze %dma_wait3A_482 : memref<1x320x64xf32, #tpu.memory_space<vmem>> -> memref<320x64xf32, #tpu.memory_space<vmem>>
    %dma_wait3A_484 = arith.constant 4160 : i32
    %dma_wait3A_485 = tpu.memref_slice %arg9[%dma_wait3A_484] : memref<12800xi32, #tpu.memory_space<vmem>> -> memref<320xi32, #tpu.memory_space<vmem>>
    %dma_wait3A_486 = arith.constant 0 : i32
    %dma_wait3A_487 = arith.constant 0 : i32
    %dma_wait3A_488 = tpu.memref_slice %arg11[%dma_wait3A_486, %dma_wait3A_487] : memref<2000x64xf32, #tpu.memory_space<vmem_shared>> -> memref<2000x64xf32, #tpu.memory_space<vmem_shared>>
    tpu.wait_indirect_dma semaphore(%arg12 : memref<!tpu.dma_semaphore, #tpu.memory_space<semaphore_mem>>) src(%dma_wait3A_488 : memref<2000x64xf32, #tpu.memory_space<vmem_shared>>) dst(%dma_wait3A_483 : memref<320x64xf32, #tpu.memory_space<vmem>>)
    %add3A_489 = arith.constant 3840 : i32
    %add3A_490 = arith.addi %mul3A_13, %add3A_489 : i32
    %dma_start3A_491 = arith.constant 0 : i32
    %dma_start3A_492 = arith.constant 0 : i32
    %dma_start3A_493 = arith.constant 0 : i32
    %dma_start3A_494 = tpu.memref_slice %arg10[%dma_start3A_491, %dma_start3A_492, %dma_start3A_493] : memref<2x640x64xf32, #tpu.memory_space<vmem>> -> memref<1x640x64xf32, #tpu.memory_space<vmem>>
    %dma_start3A_495 = tpu.memref_squeeze %dma_start3A_494 : memref<1x640x64xf32, #tpu.memory_space<vmem>> -> memref<640x64xf32, #tpu.memory_space<vmem>>
    %dma_start3A_496 = arith.constant 0 : i32
    %dma_start3A_497 = tpu.memref_slice %arg6[%add3A_490, %dma_start3A_496] : memref<409600x64xf32, #tpu.memory_space<hbm>> -> memref<640x64xf32, #tpu.memory_space<hbm>>
    %dma_start3A_498 = arith.constant 0 : i32
    %dma_start3A_499 = tpu.memref_slice %arg6[%add3A_490, %dma_start3A_498] : memref<409600x64xf32, #tpu.memory_space<hbm>> -> memref<640x64xf32, #tpu.memory_space<hbm>>
    %dma_start3A_500 = arith.constant 0 : i32
    %dma_start3A_501 = arith.constant 0 : i32
    %dma_start3A_502 = tpu.memref_slice %arg10[%dma_start3A_491, %dma_start3A_500, %dma_start3A_501] : memref<2x640x64xf32, #tpu.memory_space<vmem>> -> memref<1x640x64xf32, #tpu.memory_space<vmem>>
    %dma_start3A_503 = tpu.memref_squeeze %dma_start3A_502 : memref<1x640x64xf32, #tpu.memory_space<vmem>> -> memref<640x64xf32, #tpu.memory_space<vmem>>
    tpu.enqueue_dma source(%dma_start3A_503 : memref<640x64xf32, #tpu.memory_space<vmem>>) target(%dma_start3A_499 : memref<640x64xf32, #tpu.memory_space<hbm>>) target_semaphore(%arg13 : memref<!tpu.dma_semaphore, #tpu.memory_space<semaphore_mem>>)
    %dma_wait3A_504 = arith.constant 1 : i32
    %dma_wait3A_505 = arith.constant 0 : i32
    %dma_wait3A_506 = arith.constant 0 : i32
    %dma_wait3A_507 = tpu.memref_slice %arg10[%dma_wait3A_504, %dma_wait3A_505, %dma_wait3A_506] : memref<2x640x64xf32, #tpu.memory_space<vmem>> -> memref<1x640x64xf32, #tpu.memory_space<vmem>>
    %dma_wait3A_508 = tpu.memref_squeeze %dma_wait3A_507 : memref<1x640x64xf32, #tpu.memory_space<vmem>> -> memref<640x64xf32, #tpu.memory_space<vmem>>
    %dma_wait3A_509 = arith.constant 0 : i32
    %dma_wait3A_510 = tpu.memref_slice %arg6[%add3A_416, %dma_wait3A_509] : memref<409600x64xf32, #tpu.memory_space<hbm>> -> memref<640x64xf32, #tpu.memory_space<hbm>>
    %dma_wait3A_511 = arith.constant 0 : i32
    %dma_wait3A_512 = tpu.memref_slice %arg6[%add3A_416, %dma_wait3A_511] : memref<409600x64xf32, #tpu.memory_space<hbm>> -> memref<640x64xf32, #tpu.memory_space<hbm>>
    %dma_wait3A_513 = arith.constant 0 : i32
    %dma_wait3A_514 = arith.constant 0 : i32
    %dma_wait3A_515 = tpu.memref_slice %arg10[%dma_wait3A_504, %dma_wait3A_513, %dma_wait3A_514] : memref<2x640x64xf32, #tpu.memory_space<vmem>> -> memref<1x640x64xf32, #tpu.memory_space<vmem>>
    %dma_wait3A_516 = tpu.memref_squeeze %dma_wait3A_515 : memref<1x640x64xf32, #tpu.memory_space<vmem>> -> memref<640x64xf32, #tpu.memory_space<vmem>>
    tpu.wait_dma2 semaphore(%arg13 : memref<!tpu.dma_semaphore, #tpu.memory_space<semaphore_mem>>) src(%dma_wait3A_516 : memref<640x64xf32, #tpu.memory_space<vmem>>) dst(%dma_wait3A_512 : memref<640x64xf32, #tpu.memory_space<hbm>>)
    %dma_start3A_517 = arith.constant 1 : i32
    %dma_start3A_518 = arith.constant 0 : i32
    %dma_start3A_519 = arith.constant 0 : i32
    %dma_start3A_520 = tpu.memref_slice %arg10[%dma_start3A_517, %dma_start3A_518, %dma_start3A_519] : memref<2x640x64xf32, #tpu.memory_space<vmem>> -> memref<1x320x64xf32, #tpu.memory_space<vmem>>
    %dma_start3A_521 = tpu.memref_squeeze %dma_start3A_520 : memref<1x320x64xf32, #tpu.memory_space<vmem>> -> memref<320x64xf32, #tpu.memory_space<vmem>>
    %dma_start3A_522 = arith.constant 4480 : i32
    %dma_start3A_523 = tpu.memref_slice %arg9[%dma_start3A_522] : memref<12800xi32, #tpu.memory_space<vmem>> -> memref<320xi32, #tpu.memory_space<vmem>>
    %dma_start3A_524 = arith.constant 0 : i32
    %dma_start3A_525 = arith.constant 0 : i32
    %dma_start3A_526 = tpu.memref_slice %arg11[%dma_start3A_524, %dma_start3A_525] : memref<2000x64xf32, #tpu.memory_space<vmem_shared>> -> memref<2000x64xf32, #tpu.memory_space<vmem_shared>>
    tpu.enqueue_indirect_dma source(%dma_start3A_526 : memref<2000x64xf32, #tpu.memory_space<vmem_shared>>) target(%dma_start3A_521 : memref<320x64xf32, #tpu.memory_space<vmem>>) offsets(%dma_start3A_523 : memref<320xi32, #tpu.memory_space<vmem>>) semaphore(%arg12 : memref<!tpu.dma_semaphore, #tpu.memory_space<semaphore_mem>>)
    %dma_start3A_527 = arith.constant 1 : i32
    %dma_start3A_528 = arith.constant 320 : i32
    %dma_start3A_529 = arith.constant 0 : i32
    %dma_start3A_530 = tpu.memref_slice %arg10[%dma_start3A_527, %dma_start3A_528, %dma_start3A_529] : memref<2x640x64xf32, #tpu.memory_space<vmem>> -> memref<1x320x64xf32, #tpu.memory_space<vmem>>
    %dma_start3A_531 = tpu.memref_squeeze %dma_start3A_530 : memref<1x320x64xf32, #tpu.memory_space<vmem>> -> memref<320x64xf32, #tpu.memory_space<vmem>>
    %dma_start3A_532 = arith.constant 4800 : i32
    %dma_start3A_533 = tpu.memref_slice %arg9[%dma_start3A_532] : memref<12800xi32, #tpu.memory_space<vmem>> -> memref<320xi32, #tpu.memory_space<vmem>>
    %dma_start3A_534 = arith.constant 0 : i32
    %dma_start3A_535 = arith.constant 0 : i32
    %dma_start3A_536 = tpu.memref_slice %arg11[%dma_start3A_534, %dma_start3A_535] : memref<2000x64xf32, #tpu.memory_space<vmem_shared>> -> memref<2000x64xf32, #tpu.memory_space<vmem_shared>>
    tpu.enqueue_indirect_dma source(%dma_start3A_536 : memref<2000x64xf32, #tpu.memory_space<vmem_shared>>) target(%dma_start3A_531 : memref<320x64xf32, #tpu.memory_space<vmem>>) offsets(%dma_start3A_533 : memref<320xi32, #tpu.memory_space<vmem>>) semaphore(%arg12 : memref<!tpu.dma_semaphore, #tpu.memory_space<semaphore_mem>>)
    %scan3A_537 = arith.constant 0 : i32
    %scan3A_538 = arith.constant 160 : i32
    %scan3A_539 = arith.constant 20 : i32
    %scan3A_540 = arith.addi %scan3A_538, %scan3A_539 : i32
    %scan3A_541 = arith.constant 1 : i32
    scf.for %scan3A_1486 = %scan3A_538 to %scan3A_540 step %scan3A_541  : i32 {
      %mul3A_1487 = arith.constant 16 : i32
      %mul3A_1488 = arith.muli %scan3A_1486, %mul3A_1487 : i32
      %get3A = arith.index_cast %mul3A_1488 : i32 to index
      %get3A_1489 = tpu.vector_load %arg7[%get3A] {strides = array<i32>} : memref<6400xi32, #tpu.memory_space<vmem>>, vector<16xi32>,
      %mul3A_1490 = arith.constant 16 : i32
      %mul3A_1491 = arith.muli %scan3A_1486, %mul3A_1490 : i32
      %get3A_1492 = arith.index_cast %mul3A_1491 : i32 to index
      %get3A_1493 = tpu.vector_load %arg8[%get3A_1492] {strides = array<i32>} : memref<6400xi32, #tpu.memory_space<vmem>>, vector<16xi32>,
      %add3A_1494 = arith.constant 1000 : i32
      %add3A_1495 = vector.broadcast %add3A_1494 : i32 to vector<16xi32>
      %add3A_1496 = arith.addi %get3A_1493, %add3A_1495 : vector<16xi32>
      %mul3A_1497 = arith.constant 32 : i32
      %mul3A_1498 = arith.muli %mul3A_1497, %scan3A_1486 : i32
      %iota3A = tpu.iota {dimensions = array<i32: 0>} : vector<16xi32>
      %mul3A_1499 = arith.constant 2 : i32
      %mul3A_1500 = vector.broadcast %mul3A_1499 : i32 to vector<16xi32>
      %mul3A_1501 = arith.muli %mul3A_1500, %iota3A : vector<16xi32>
      %add3A_1502 = vector.broadcast %mul3A_1498 : i32 to vector<16xi32>
      %add3A_1503 = arith.addi %add3A_1502, %mul3A_1501 : vector<16xi32>
      tpu.vector_store_idx %arg9[%add3A_1503], %get3A_1489 : memref<12800xi32, #tpu.memory_space<vmem>>[vector<16xi32>], vector<16xi32>,
      %add3A_1504 = arith.constant 1 : i32
      %add3A_1505 = vector.broadcast %add3A_1504 : i32 to vector<16xi32>
      %add3A_1506 = arith.addi %add3A_1503, %add3A_1505 : vector<16xi32>
      tpu.vector_store_idx %arg9[%add3A_1506], %add3A_1496 : memref<12800xi32, #tpu.memory_space<vmem>>[vector<16xi32>], vector<16xi32>,
    }
    %scan3A_542 = arith.constant 20 : i32
    %dma_wait3A_543 = arith.constant 1 : i32
    %dma_wait3A_544 = arith.constant 0 : i32
    %dma_wait3A_545 = arith.constant 0 : i32
    %dma_wait3A_546 = tpu.memref_slice %arg10[%dma_wait3A_543, %dma_wait3A_544, %dma_wait3A_545] : memref<2x640x64xf32, #tpu.memory_space<vmem>> -> memref<1x320x64xf32, #tpu.memory_space<vmem>>
    %dma_wait3A_547 = tpu.memref_squeeze %dma_wait3A_546 : memref<1x320x64xf32, #tpu.memory_space<vmem>> -> memref<320x64xf32, #tpu.memory_space<vmem>>
    %dma_wait3A_548 = arith.constant 4480 : i32
    %dma_wait3A_549 = tpu.memref_slice %arg9[%dma_wait3A_548] : memref<12800xi32, #tpu.memory_space<vmem>> -> memref<320xi32, #tpu.memory_space<vmem>>
    %dma_wait3A_550 = arith.constant 0 : i32
    %dma_wait3A_551 = arith.constant 0 : i32
    %dma_wait3A_552 = tpu.memref_slice %arg11[%dma_wait3A_550, %dma_wait3A_551] : memref<2000x64xf32, #tpu.memory_space<vmem_shared>> -> memref<2000x64xf32, #tpu.memory_space<vmem_shared>>
    tpu.wait_indirect_dma semaphore(%arg12 : memref<!tpu.dma_semaphore, #tpu.memory_space<semaphore_mem>>) src(%dma_wait3A_552 : memref<2000x64xf32, #tpu.memory_space<vmem_shared>>) dst(%dma_wait3A_547 : memref<320x64xf32, #tpu.memory_space<vmem>>)
    %dma_wait3A_553 = arith.constant 1 : i32
    %dma_wait3A_554 = arith.constant 320 : i32
    %dma_wait3A_555 = arith.constant 0 : i32
    %dma_wait3A_556 = tpu.memref_slice %arg10[%dma_wait3A_553, %dma_wait3A_554, %dma_wait3A_555] : memref<2x640x64xf32, #tpu.memory_space<vmem>> -> memref<1x320x64xf32, #tpu.memory_space<vmem>>
    %dma_wait3A_557 = tpu.memref_squeeze %dma_wait3A_556 : memref<1x320x64xf32, #tpu.memory_space<vmem>> -> memref<320x64xf32, #tpu.memory_space<vmem>>
    %dma_wait3A_558 = arith.constant 4800 : i32
    %dma_wait3A_559 = tpu.memref_slice %arg9[%dma_wait3A_558] : memref<12800xi32, #tpu.memory_space<vmem>> -> memref<320xi32, #tpu.memory_space<vmem>>
    %dma_wait3A_560 = arith.constant 0 : i32
    %dma_wait3A_561 = arith.constant 0 : i32
    %dma_wait3A_562 = tpu.memref_slice %arg11[%dma_wait3A_560, %dma_wait3A_561] : memref<2000x64xf32, #tpu.memory_space<vmem_shared>> -> memref<2000x64xf32, #tpu.memory_space<vmem_shared>>
    tpu.wait_indirect_dma semaphore(%arg12 : memref<!tpu.dma_semaphore, #tpu.memory_space<semaphore_mem>>) src(%dma_wait3A_562 : memref<2000x64xf32, #tpu.memory_space<vmem_shared>>) dst(%dma_wait3A_557 : memref<320x64xf32, #tpu.memory_space<vmem>>)
    %add3A_563 = arith.constant 4480 : i32
    %add3A_564 = arith.addi %mul3A_13, %add3A_563 : i32
    %dma_start3A_565 = arith.constant 1 : i32
    %dma_start3A_566 = arith.constant 0 : i32
    %dma_start3A_567 = arith.constant 0 : i32
    %dma_start3A_568 = tpu.memref_slice %arg10[%dma_start3A_565, %dma_start3A_566, %dma_start3A_567] : memref<2x640x64xf32, #tpu.memory_space<vmem>> -> memref<1x640x64xf32, #tpu.memory_space<vmem>>
    %dma_start3A_569 = tpu.memref_squeeze %dma_start3A_568 : memref<1x640x64xf32, #tpu.memory_space<vmem>> -> memref<640x64xf32, #tpu.memory_space<vmem>>
    %dma_start3A_570 = arith.constant 0 : i32
    %dma_start3A_571 = tpu.memref_slice %arg6[%add3A_564, %dma_start3A_570] : memref<409600x64xf32, #tpu.memory_space<hbm>> -> memref<640x64xf32, #tpu.memory_space<hbm>>
    %dma_start3A_572 = arith.constant 0 : i32
    %dma_start3A_573 = tpu.memref_slice %arg6[%add3A_564, %dma_start3A_572] : memref<409600x64xf32, #tpu.memory_space<hbm>> -> memref<640x64xf32, #tpu.memory_space<hbm>>
    %dma_start3A_574 = arith.constant 0 : i32
    %dma_start3A_575 = arith.constant 0 : i32
    %dma_start3A_576 = tpu.memref_slice %arg10[%dma_start3A_565, %dma_start3A_574, %dma_start3A_575] : memref<2x640x64xf32, #tpu.memory_space<vmem>> -> memref<1x640x64xf32, #tpu.memory_space<vmem>>
    %dma_start3A_577 = tpu.memref_squeeze %dma_start3A_576 : memref<1x640x64xf32, #tpu.memory_space<vmem>> -> memref<640x64xf32, #tpu.memory_space<vmem>>
    tpu.enqueue_dma source(%dma_start3A_577 : memref<640x64xf32, #tpu.memory_space<vmem>>) target(%dma_start3A_573 : memref<640x64xf32, #tpu.memory_space<hbm>>) target_semaphore(%arg13 : memref<!tpu.dma_semaphore, #tpu.memory_space<semaphore_mem>>)
    %dma_wait3A_578 = arith.constant 0 : i32
    %dma_wait3A_579 = arith.constant 0 : i32
    %dma_wait3A_580 = arith.constant 0 : i32
    %dma_wait3A_581 = tpu.memref_slice %arg10[%dma_wait3A_578, %dma_wait3A_579, %dma_wait3A_580] : memref<2x640x64xf32, #tpu.memory_space<vmem>> -> memref<1x640x64xf32, #tpu.memory_space<vmem>>
    %dma_wait3A_582 = tpu.memref_squeeze %dma_wait3A_581 : memref<1x640x64xf32, #tpu.memory_space<vmem>> -> memref<640x64xf32, #tpu.memory_space<vmem>>
    %dma_wait3A_583 = arith.constant 0 : i32
    %dma_wait3A_584 = tpu.memref_slice %arg6[%add3A_490, %dma_wait3A_583] : memref<409600x64xf32, #tpu.memory_space<hbm>> -> memref<640x64xf32, #tpu.memory_space<hbm>>
    %dma_wait3A_585 = arith.constant 0 : i32
    %dma_wait3A_586 = tpu.memref_slice %arg6[%add3A_490, %dma_wait3A_585] : memref<409600x64xf32, #tpu.memory_space<hbm>> -> memref<640x64xf32, #tpu.memory_space<hbm>>
    %dma_wait3A_587 = arith.constant 0 : i32
    %dma_wait3A_588 = arith.constant 0 : i32
    %dma_wait3A_589 = tpu.memref_slice %arg10[%dma_wait3A_578, %dma_wait3A_587, %dma_wait3A_588] : memref<2x640x64xf32, #tpu.memory_space<vmem>> -> memref<1x640x64xf32, #tpu.memory_space<vmem>>
    %dma_wait3A_590 = tpu.memref_squeeze %dma_wait3A_589 : memref<1x640x64xf32, #tpu.memory_space<vmem>> -> memref<640x64xf32, #tpu.memory_space<vmem>>
    tpu.wait_dma2 semaphore(%arg13 : memref<!tpu.dma_semaphore, #tpu.memory_space<semaphore_mem>>) src(%dma_wait3A_590 : memref<640x64xf32, #tpu.memory_space<vmem>>) dst(%dma_wait3A_586 : memref<640x64xf32, #tpu.memory_space<hbm>>)
    %dma_start3A_591 = arith.constant 0 : i32
    %dma_start3A_592 = arith.constant 0 : i32
    %dma_start3A_593 = arith.constant 0 : i32
    %dma_start3A_594 = tpu.memref_slice %arg10[%dma_start3A_591, %dma_start3A_592, %dma_start3A_593] : memref<2x640x64xf32, #tpu.memory_space<vmem>> -> memref<1x320x64xf32, #tpu.memory_space<vmem>>
    %dma_start3A_595 = tpu.memref_squeeze %dma_start3A_594 : memref<1x320x64xf32, #tpu.memory_space<vmem>> -> memref<320x64xf32, #tpu.memory_space<vmem>>
    %dma_start3A_596 = arith.constant 5120 : i32
    %dma_start3A_597 = tpu.memref_slice %arg9[%dma_start3A_596] : memref<12800xi32, #tpu.memory_space<vmem>> -> memref<320xi32, #tpu.memory_space<vmem>>
    %dma_start3A_598 = arith.constant 0 : i32
    %dma_start3A_599 = arith.constant 0 : i32
    %dma_start3A_600 = tpu.memref_slice %arg11[%dma_start3A_598, %dma_start3A_599] : memref<2000x64xf32, #tpu.memory_space<vmem_shared>> -> memref<2000x64xf32, #tpu.memory_space<vmem_shared>>
    tpu.enqueue_indirect_dma source(%dma_start3A_600 : memref<2000x64xf32, #tpu.memory_space<vmem_shared>>) target(%dma_start3A_595 : memref<320x64xf32, #tpu.memory_space<vmem>>) offsets(%dma_start3A_597 : memref<320xi32, #tpu.memory_space<vmem>>) semaphore(%arg12 : memref<!tpu.dma_semaphore, #tpu.memory_space<semaphore_mem>>)
    %dma_start3A_601 = arith.constant 0 : i32
    %dma_start3A_602 = arith.constant 320 : i32
    %dma_start3A_603 = arith.constant 0 : i32
    %dma_start3A_604 = tpu.memref_slice %arg10[%dma_start3A_601, %dma_start3A_602, %dma_start3A_603] : memref<2x640x64xf32, #tpu.memory_space<vmem>> -> memref<1x320x64xf32, #tpu.memory_space<vmem>>
    %dma_start3A_605 = tpu.memref_squeeze %dma_start3A_604 : memref<1x320x64xf32, #tpu.memory_space<vmem>> -> memref<320x64xf32, #tpu.memory_space<vmem>>
    %dma_start3A_606 = arith.constant 5440 : i32
    %dma_start3A_607 = tpu.memref_slice %arg9[%dma_start3A_606] : memref<12800xi32, #tpu.memory_space<vmem>> -> memref<320xi32, #tpu.memory_space<vmem>>
    %dma_start3A_608 = arith.constant 0 : i32
    %dma_start3A_609 = arith.constant 0 : i32
    %dma_start3A_610 = tpu.memref_slice %arg11[%dma_start3A_608, %dma_start3A_609] : memref<2000x64xf32, #tpu.memory_space<vmem_shared>> -> memref<2000x64xf32, #tpu.memory_space<vmem_shared>>
    tpu.enqueue_indirect_dma source(%dma_start3A_610 : memref<2000x64xf32, #tpu.memory_space<vmem_shared>>) target(%dma_start3A_605 : memref<320x64xf32, #tpu.memory_space<vmem>>) offsets(%dma_start3A_607 : memref<320xi32, #tpu.memory_space<vmem>>) semaphore(%arg12 : memref<!tpu.dma_semaphore, #tpu.memory_space<semaphore_mem>>)
    %scan3A_611 = arith.constant 0 : i32
    %scan3A_612 = arith.constant 180 : i32
    %scan3A_613 = arith.constant 20 : i32
    %scan3A_614 = arith.addi %scan3A_612, %scan3A_613 : i32
    %scan3A_615 = arith.constant 1 : i32
    scf.for %scan3A_1486 = %scan3A_612 to %scan3A_614 step %scan3A_615  : i32 {
      %mul3A_1487 = arith.constant 16 : i32
      %mul3A_1488 = arith.muli %scan3A_1486, %mul3A_1487 : i32
      %get3A = arith.index_cast %mul3A_1488 : i32 to index
      %get3A_1489 = tpu.vector_load %arg7[%get3A] {strides = array<i32>} : memref<6400xi32, #tpu.memory_space<vmem>>, vector<16xi32>,
      %mul3A_1490 = arith.constant 16 : i32
      %mul3A_1491 = arith.muli %scan3A_1486, %mul3A_1490 : i32
      %get3A_1492 = arith.index_cast %mul3A_1491 : i32 to index
      %get3A_1493 = tpu.vector_load %arg8[%get3A_1492] {strides = array<i32>} : memref<6400xi32, #tpu.memory_space<vmem>>, vector<16xi32>,
      %add3A_1494 = arith.constant 1000 : i32
      %add3A_1495 = vector.broadcast %add3A_1494 : i32 to vector<16xi32>
      %add3A_1496 = arith.addi %get3A_1493, %add3A_1495 : vector<16xi32>
      %mul3A_1497 = arith.constant 32 : i32
      %mul3A_1498 = arith.muli %mul3A_1497, %scan3A_1486 : i32
      %iota3A = tpu.iota {dimensions = array<i32: 0>} : vector<16xi32>
      %mul3A_1499 = arith.constant 2 : i32
      %mul3A_1500 = vector.broadcast %mul3A_1499 : i32 to vector<16xi32>
      %mul3A_1501 = arith.muli %mul3A_1500, %iota3A : vector<16xi32>
      %add3A_1502 = vector.broadcast %mul3A_1498 : i32 to vector<16xi32>
      %add3A_1503 = arith.addi %add3A_1502, %mul3A_1501 : vector<16xi32>
      tpu.vector_store_idx %arg9[%add3A_1503], %get3A_1489 : memref<12800xi32, #tpu.memory_space<vmem>>[vector<16xi32>], vector<16xi32>,
      %add3A_1504 = arith.constant 1 : i32
      %add3A_1505 = vector.broadcast %add3A_1504 : i32 to vector<16xi32>
      %add3A_1506 = arith.addi %add3A_1503, %add3A_1505 : vector<16xi32>
      tpu.vector_store_idx %arg9[%add3A_1506], %add3A_1496 : memref<12800xi32, #tpu.memory_space<vmem>>[vector<16xi32>], vector<16xi32>,
    }
    %scan3A_616 = arith.constant 20 : i32
    %dma_wait3A_617 = arith.constant 0 : i32
    %dma_wait3A_618 = arith.constant 0 : i32
    %dma_wait3A_619 = arith.constant 0 : i32
    %dma_wait3A_620 = tpu.memref_slice %arg10[%dma_wait3A_617, %dma_wait3A_618, %dma_wait3A_619] : memref<2x640x64xf32, #tpu.memory_space<vmem>> -> memref<1x320x64xf32, #tpu.memory_space<vmem>>
    %dma_wait3A_621 = tpu.memref_squeeze %dma_wait3A_620 : memref<1x320x64xf32, #tpu.memory_space<vmem>> -> memref<320x64xf32, #tpu.memory_space<vmem>>
    %dma_wait3A_622 = arith.constant 5120 : i32
    %dma_wait3A_623 = tpu.memref_slice %arg9[%dma_wait3A_622] : memref<12800xi32, #tpu.memory_space<vmem>> -> memref<320xi32, #tpu.memory_space<vmem>>
    %dma_wait3A_624 = arith.constant 0 : i32
    %dma_wait3A_625 = arith.constant 0 : i32
    %dma_wait3A_626 = tpu.memref_slice %arg11[%dma_wait3A_624, %dma_wait3A_625] : memref<2000x64xf32, #tpu.memory_space<vmem_shared>> -> memref<2000x64xf32, #tpu.memory_space<vmem_shared>>
    tpu.wait_indirect_dma semaphore(%arg12 : memref<!tpu.dma_semaphore, #tpu.memory_space<semaphore_mem>>) src(%dma_wait3A_626 : memref<2000x64xf32, #tpu.memory_space<vmem_shared>>) dst(%dma_wait3A_621 : memref<320x64xf32, #tpu.memory_space<vmem>>)
    %dma_wait3A_627 = arith.constant 0 : i32
    %dma_wait3A_628 = arith.constant 320 : i32
    %dma_wait3A_629 = arith.constant 0 : i32
    %dma_wait3A_630 = tpu.memref_slice %arg10[%dma_wait3A_627, %dma_wait3A_628, %dma_wait3A_629] : memref<2x640x64xf32, #tpu.memory_space<vmem>> -> memref<1x320x64xf32, #tpu.memory_space<vmem>>
    %dma_wait3A_631 = tpu.memref_squeeze %dma_wait3A_630 : memref<1x320x64xf32, #tpu.memory_space<vmem>> -> memref<320x64xf32, #tpu.memory_space<vmem>>
    %dma_wait3A_632 = arith.constant 5440 : i32
    %dma_wait3A_633 = tpu.memref_slice %arg9[%dma_wait3A_632] : memref<12800xi32, #tpu.memory_space<vmem>> -> memref<320xi32, #tpu.memory_space<vmem>>
    %dma_wait3A_634 = arith.constant 0 : i32
    %dma_wait3A_635 = arith.constant 0 : i32
    %dma_wait3A_636 = tpu.memref_slice %arg11[%dma_wait3A_634, %dma_wait3A_635] : memref<2000x64xf32, #tpu.memory_space<vmem_shared>> -> memref<2000x64xf32, #tpu.memory_space<vmem_shared>>
    tpu.wait_indirect_dma semaphore(%arg12 : memref<!tpu.dma_semaphore, #tpu.memory_space<semaphore_mem>>) src(%dma_wait3A_636 : memref<2000x64xf32, #tpu.memory_space<vmem_shared>>) dst(%dma_wait3A_631 : memref<320x64xf32, #tpu.memory_space<vmem>>)
    %add3A_637 = arith.constant 5120 : i32
    %add3A_638 = arith.addi %mul3A_13, %add3A_637 : i32
    %dma_start3A_639 = arith.constant 0 : i32
    %dma_start3A_640 = arith.constant 0 : i32
    %dma_start3A_641 = arith.constant 0 : i32
    %dma_start3A_642 = tpu.memref_slice %arg10[%dma_start3A_639, %dma_start3A_640, %dma_start3A_641] : memref<2x640x64xf32, #tpu.memory_space<vmem>> -> memref<1x640x64xf32, #tpu.memory_space<vmem>>
    %dma_start3A_643 = tpu.memref_squeeze %dma_start3A_642 : memref<1x640x64xf32, #tpu.memory_space<vmem>> -> memref<640x64xf32, #tpu.memory_space<vmem>>
    %dma_start3A_644 = arith.constant 0 : i32
    %dma_start3A_645 = tpu.memref_slice %arg6[%add3A_638, %dma_start3A_644] : memref<409600x64xf32, #tpu.memory_space<hbm>> -> memref<640x64xf32, #tpu.memory_space<hbm>>
    %dma_start3A_646 = arith.constant 0 : i32
    %dma_start3A_647 = tpu.memref_slice %arg6[%add3A_638, %dma_start3A_646] : memref<409600x64xf32, #tpu.memory_space<hbm>> -> memref<640x64xf32, #tpu.memory_space<hbm>>
    %dma_start3A_648 = arith.constant 0 : i32
    %dma_start3A_649 = arith.constant 0 : i32
    %dma_start3A_650 = tpu.memref_slice %arg10[%dma_start3A_639, %dma_start3A_648, %dma_start3A_649] : memref<2x640x64xf32, #tpu.memory_space<vmem>> -> memref<1x640x64xf32, #tpu.memory_space<vmem>>
    %dma_start3A_651 = tpu.memref_squeeze %dma_start3A_650 : memref<1x640x64xf32, #tpu.memory_space<vmem>> -> memref<640x64xf32, #tpu.memory_space<vmem>>
    tpu.enqueue_dma source(%dma_start3A_651 : memref<640x64xf32, #tpu.memory_space<vmem>>) target(%dma_start3A_647 : memref<640x64xf32, #tpu.memory_space<hbm>>) target_semaphore(%arg13 : memref<!tpu.dma_semaphore, #tpu.memory_space<semaphore_mem>>)
    %dma_wait3A_652 = arith.constant 1 : i32
    %dma_wait3A_653 = arith.constant 0 : i32
    %dma_wait3A_654 = arith.constant 0 : i32
    %dma_wait3A_655 = tpu.memref_slice %arg10[%dma_wait3A_652, %dma_wait3A_653, %dma_wait3A_654] : memref<2x640x64xf32, #tpu.memory_space<vmem>> -> memref<1x640x64xf32, #tpu.memory_space<vmem>>
    %dma_wait3A_656 = tpu.memref_squeeze %dma_wait3A_655 : memref<1x640x64xf32, #tpu.memory_space<vmem>> -> memref<640x64xf32, #tpu.memory_space<vmem>>
    %dma_wait3A_657 = arith.constant 0 : i32
    %dma_wait3A_658 = tpu.memref_slice %arg6[%add3A_564, %dma_wait3A_657] : memref<409600x64xf32, #tpu.memory_space<hbm>> -> memref<640x64xf32, #tpu.memory_space<hbm>>
    %dma_wait3A_659 = arith.constant 0 : i32
    %dma_wait3A_660 = tpu.memref_slice %arg6[%add3A_564, %dma_wait3A_659] : memref<409600x64xf32, #tpu.memory_space<hbm>> -> memref<640x64xf32, #tpu.memory_space<hbm>>
    %dma_wait3A_661 = arith.constant 0 : i32
    %dma_wait3A_662 = arith.constant 0 : i32
    %dma_wait3A_663 = tpu.memref_slice %arg10[%dma_wait3A_652, %dma_wait3A_661, %dma_wait3A_662] : memref<2x640x64xf32, #tpu.memory_space<vmem>> -> memref<1x640x64xf32, #tpu.memory_space<vmem>>
    %dma_wait3A_664 = tpu.memref_squeeze %dma_wait3A_663 : memref<1x640x64xf32, #tpu.memory_space<vmem>> -> memref<640x64xf32, #tpu.memory_space<vmem>>
    tpu.wait_dma2 semaphore(%arg13 : memref<!tpu.dma_semaphore, #tpu.memory_space<semaphore_mem>>) src(%dma_wait3A_664 : memref<640x64xf32, #tpu.memory_space<vmem>>) dst(%dma_wait3A_660 : memref<640x64xf32, #tpu.memory_space<hbm>>)
    %dma_start3A_665 = arith.constant 1 : i32
    %dma_start3A_666 = arith.constant 0 : i32
    %dma_start3A_667 = arith.constant 0 : i32
    %dma_start3A_668 = tpu.memref_slice %arg10[%dma_start3A_665, %dma_start3A_666, %dma_start3A_667] : memref<2x640x64xf32, #tpu.memory_space<vmem>> -> memref<1x320x64xf32, #tpu.memory_space<vmem>>
    %dma_start3A_669 = tpu.memref_squeeze %dma_start3A_668 : memref<1x320x64xf32, #tpu.memory_space<vmem>> -> memref<320x64xf32, #tpu.memory_space<vmem>>
    %dma_start3A_670 = arith.constant 5760 : i32
    %dma_start3A_671 = tpu.memref_slice %arg9[%dma_start3A_670] : memref<12800xi32, #tpu.memory_space<vmem>> -> memref<320xi32, #tpu.memory_space<vmem>>
    %dma_start3A_672 = arith.constant 0 : i32
    %dma_start3A_673 = arith.constant 0 : i32
    %dma_start3A_674 = tpu.memref_slice %arg11[%dma_start3A_672, %dma_start3A_673] : memref<2000x64xf32, #tpu.memory_space<vmem_shared>> -> memref<2000x64xf32, #tpu.memory_space<vmem_shared>>
    tpu.enqueue_indirect_dma source(%dma_start3A_674 : memref<2000x64xf32, #tpu.memory_space<vmem_shared>>) target(%dma_start3A_669 : memref<320x64xf32, #tpu.memory_space<vmem>>) offsets(%dma_start3A_671 : memref<320xi32, #tpu.memory_space<vmem>>) semaphore(%arg12 : memref<!tpu.dma_semaphore, #tpu.memory_space<semaphore_mem>>)
    %dma_start3A_675 = arith.constant 1 : i32
    %dma_start3A_676 = arith.constant 320 : i32
    %dma_start3A_677 = arith.constant 0 : i32
    %dma_start3A_678 = tpu.memref_slice %arg10[%dma_start3A_675, %dma_start3A_676, %dma_start3A_677] : memref<2x640x64xf32, #tpu.memory_space<vmem>> -> memref<1x320x64xf32, #tpu.memory_space<vmem>>
    %dma_start3A_679 = tpu.memref_squeeze %dma_start3A_678 : memref<1x320x64xf32, #tpu.memory_space<vmem>> -> memref<320x64xf32, #tpu.memory_space<vmem>>
    %dma_start3A_680 = arith.constant 6080 : i32
    %dma_start3A_681 = tpu.memref_slice %arg9[%dma_start3A_680] : memref<12800xi32, #tpu.memory_space<vmem>> -> memref<320xi32, #tpu.memory_space<vmem>>
    %dma_start3A_682 = arith.constant 0 : i32
    %dma_start3A_683 = arith.constant 0 : i32
    %dma_start3A_684 = tpu.memref_slice %arg11[%dma_start3A_682, %dma_start3A_683] : memref<2000x64xf32, #tpu.memory_space<vmem_shared>> -> memref<2000x64xf32, #tpu.memory_space<vmem_shared>>
    tpu.enqueue_indirect_dma source(%dma_start3A_684 : memref<2000x64xf32, #tpu.memory_space<vmem_shared>>) target(%dma_start3A_679 : memref<320x64xf32, #tpu.memory_space<vmem>>) offsets(%dma_start3A_681 : memref<320xi32, #tpu.memory_space<vmem>>) semaphore(%arg12 : memref<!tpu.dma_semaphore, #tpu.memory_space<semaphore_mem>>)
    %scan3A_685 = arith.constant 0 : i32
    %scan3A_686 = arith.constant 200 : i32
    %scan3A_687 = arith.constant 20 : i32
    %scan3A_688 = arith.addi %scan3A_686, %scan3A_687 : i32
    %scan3A_689 = arith.constant 1 : i32
    scf.for %scan3A_1486 = %scan3A_686 to %scan3A_688 step %scan3A_689  : i32 {
      %mul3A_1487 = arith.constant 16 : i32
      %mul3A_1488 = arith.muli %scan3A_1486, %mul3A_1487 : i32
      %get3A = arith.index_cast %mul3A_1488 : i32 to index
      %get3A_1489 = tpu.vector_load %arg7[%get3A] {strides = array<i32>} : memref<6400xi32, #tpu.memory_space<vmem>>, vector<16xi32>,
      %mul3A_1490 = arith.constant 16 : i32
      %mul3A_1491 = arith.muli %scan3A_1486, %mul3A_1490 : i32
      %get3A_1492 = arith.index_cast %mul3A_1491 : i32 to index
      %get3A_1493 = tpu.vector_load %arg8[%get3A_1492] {strides = array<i32>} : memref<6400xi32, #tpu.memory_space<vmem>>, vector<16xi32>,
      %add3A_1494 = arith.constant 1000 : i32
      %add3A_1495 = vector.broadcast %add3A_1494 : i32 to vector<16xi32>
      %add3A_1496 = arith.addi %get3A_1493, %add3A_1495 : vector<16xi32>
      %mul3A_1497 = arith.constant 32 : i32
      %mul3A_1498 = arith.muli %mul3A_1497, %scan3A_1486 : i32
      %iota3A = tpu.iota {dimensions = array<i32: 0>} : vector<16xi32>
      %mul3A_1499 = arith.constant 2 : i32
      %mul3A_1500 = vector.broadcast %mul3A_1499 : i32 to vector<16xi32>
      %mul3A_1501 = arith.muli %mul3A_1500, %iota3A : vector<16xi32>
      %add3A_1502 = vector.broadcast %mul3A_1498 : i32 to vector<16xi32>
      %add3A_1503 = arith.addi %add3A_1502, %mul3A_1501 : vector<16xi32>
      tpu.vector_store_idx %arg9[%add3A_1503], %get3A_1489 : memref<12800xi32, #tpu.memory_space<vmem>>[vector<16xi32>], vector<16xi32>,
      %add3A_1504 = arith.constant 1 : i32
      %add3A_1505 = vector.broadcast %add3A_1504 : i32 to vector<16xi32>
      %add3A_1506 = arith.addi %add3A_1503, %add3A_1505 : vector<16xi32>
      tpu.vector_store_idx %arg9[%add3A_1506], %add3A_1496 : memref<12800xi32, #tpu.memory_space<vmem>>[vector<16xi32>], vector<16xi32>,
    }
    %scan3A_690 = arith.constant 20 : i32
    %dma_wait3A_691 = arith.constant 1 : i32
    %dma_wait3A_692 = arith.constant 0 : i32
    %dma_wait3A_693 = arith.constant 0 : i32
    %dma_wait3A_694 = tpu.memref_slice %arg10[%dma_wait3A_691, %dma_wait3A_692, %dma_wait3A_693] : memref<2x640x64xf32, #tpu.memory_space<vmem>> -> memref<1x320x64xf32, #tpu.memory_space<vmem>>
    %dma_wait3A_695 = tpu.memref_squeeze %dma_wait3A_694 : memref<1x320x64xf32, #tpu.memory_space<vmem>> -> memref<320x64xf32, #tpu.memory_space<vmem>>
    %dma_wait3A_696 = arith.constant 5760 : i32
    %dma_wait3A_697 = tpu.memref_slice %arg9[%dma_wait3A_696] : memref<12800xi32, #tpu.memory_space<vmem>> -> memref<320xi32, #tpu.memory_space<vmem>>
    %dma_wait3A_698 = arith.constant 0 : i32
    %dma_wait3A_699 = arith.constant 0 : i32
    %dma_wait3A_700 = tpu.memref_slice %arg11[%dma_wait3A_698, %dma_wait3A_699] : memref<2000x64xf32, #tpu.memory_space<vmem_shared>> -> memref<2000x64xf32, #tpu.memory_space<vmem_shared>>
    tpu.wait_indirect_dma semaphore(%arg12 : memref<!tpu.dma_semaphore, #tpu.memory_space<semaphore_mem>>) src(%dma_wait3A_700 : memref<2000x64xf32, #tpu.memory_space<vmem_shared>>) dst(%dma_wait3A_695 : memref<320x64xf32, #tpu.memory_space<vmem>>)
    %dma_wait3A_701 = arith.constant 1 : i32
    %dma_wait3A_702 = arith.constant 320 : i32
    %dma_wait3A_703 = arith.constant 0 : i32
    %dma_wait3A_704 = tpu.memref_slice %arg10[%dma_wait3A_701, %dma_wait3A_702, %dma_wait3A_703] : memref<2x640x64xf32, #tpu.memory_space<vmem>> -> memref<1x320x64xf32, #tpu.memory_space<vmem>>
    %dma_wait3A_705 = tpu.memref_squeeze %dma_wait3A_704 : memref<1x320x64xf32, #tpu.memory_space<vmem>> -> memref<320x64xf32, #tpu.memory_space<vmem>>
    %dma_wait3A_706 = arith.constant 6080 : i32
    %dma_wait3A_707 = tpu.memref_slice %arg9[%dma_wait3A_706] : memref<12800xi32, #tpu.memory_space<vmem>> -> memref<320xi32, #tpu.memory_space<vmem>>
    %dma_wait3A_708 = arith.constant 0 : i32
    %dma_wait3A_709 = arith.constant 0 : i32
    %dma_wait3A_710 = tpu.memref_slice %arg11[%dma_wait3A_708, %dma_wait3A_709] : memref<2000x64xf32, #tpu.memory_space<vmem_shared>> -> memref<2000x64xf32, #tpu.memory_space<vmem_shared>>
    tpu.wait_indirect_dma semaphore(%arg12 : memref<!tpu.dma_semaphore, #tpu.memory_space<semaphore_mem>>) src(%dma_wait3A_710 : memref<2000x64xf32, #tpu.memory_space<vmem_shared>>) dst(%dma_wait3A_705 : memref<320x64xf32, #tpu.memory_space<vmem>>)
    %add3A_711 = arith.constant 5760 : i32
    %add3A_712 = arith.addi %mul3A_13, %add3A_711 : i32
    %dma_start3A_713 = arith.constant 1 : i32
    %dma_start3A_714 = arith.constant 0 : i32
    %dma_start3A_715 = arith.constant 0 : i32
    %dma_start3A_716 = tpu.memref_slice %arg10[%dma_start3A_713, %dma_start3A_714, %dma_start3A_715] : memref<2x640x64xf32, #tpu.memory_space<vmem>> -> memref<1x640x64xf32, #tpu.memory_space<vmem>>
    %dma_start3A_717 = tpu.memref_squeeze %dma_start3A_716 : memref<1x640x64xf32, #tpu.memory_space<vmem>> -> memref<640x64xf32, #tpu.memory_space<vmem>>
    %dma_start3A_718 = arith.constant 0 : i32
    %dma_start3A_719 = tpu.memref_slice %arg6[%add3A_712, %dma_start3A_718] : memref<409600x64xf32, #tpu.memory_space<hbm>> -> memref<640x64xf32, #tpu.memory_space<hbm>>
    %dma_start3A_720 = arith.constant 0 : i32
    %dma_start3A_721 = tpu.memref_slice %arg6[%add3A_712, %dma_start3A_720] : memref<409600x64xf32, #tpu.memory_space<hbm>> -> memref<640x64xf32, #tpu.memory_space<hbm>>
    %dma_start3A_722 = arith.constant 0 : i32
    %dma_start3A_723 = arith.constant 0 : i32
    %dma_start3A_724 = tpu.memref_slice %arg10[%dma_start3A_713, %dma_start3A_722, %dma_start3A_723] : memref<2x640x64xf32, #tpu.memory_space<vmem>> -> memref<1x640x64xf32, #tpu.memory_space<vmem>>
    %dma_start3A_725 = tpu.memref_squeeze %dma_start3A_724 : memref<1x640x64xf32, #tpu.memory_space<vmem>> -> memref<640x64xf32, #tpu.memory_space<vmem>>
    tpu.enqueue_dma source(%dma_start3A_725 : memref<640x64xf32, #tpu.memory_space<vmem>>) target(%dma_start3A_721 : memref<640x64xf32, #tpu.memory_space<hbm>>) target_semaphore(%arg13 : memref<!tpu.dma_semaphore, #tpu.memory_space<semaphore_mem>>)
    %dma_wait3A_726 = arith.constant 0 : i32
    %dma_wait3A_727 = arith.constant 0 : i32
    %dma_wait3A_728 = arith.constant 0 : i32
    %dma_wait3A_729 = tpu.memref_slice %arg10[%dma_wait3A_726, %dma_wait3A_727, %dma_wait3A_728] : memref<2x640x64xf32, #tpu.memory_space<vmem>> -> memref<1x640x64xf32, #tpu.memory_space<vmem>>
    %dma_wait3A_730 = tpu.memref_squeeze %dma_wait3A_729 : memref<1x640x64xf32, #tpu.memory_space<vmem>> -> memref<640x64xf32, #tpu.memory_space<vmem>>
    %dma_wait3A_731 = arith.constant 0 : i32
    %dma_wait3A_732 = tpu.memref_slice %arg6[%add3A_638, %dma_wait3A_731] : memref<409600x64xf32, #tpu.memory_space<hbm>> -> memref<640x64xf32, #tpu.memory_space<hbm>>
    %dma_wait3A_733 = arith.constant 0 : i32
    %dma_wait3A_734 = tpu.memref_slice %arg6[%add3A_638, %dma_wait3A_733] : memref<409600x64xf32, #tpu.memory_space<hbm>> -> memref<640x64xf32, #tpu.memory_space<hbm>>
    %dma_wait3A_735 = arith.constant 0 : i32
    %dma_wait3A_736 = arith.constant 0 : i32
    %dma_wait3A_737 = tpu.memref_slice %arg10[%dma_wait3A_726, %dma_wait3A_735, %dma_wait3A_736] : memref<2x640x64xf32, #tpu.memory_space<vmem>> -> memref<1x640x64xf32, #tpu.memory_space<vmem>>
    %dma_wait3A_738 = tpu.memref_squeeze %dma_wait3A_737 : memref<1x640x64xf32, #tpu.memory_space<vmem>> -> memref<640x64xf32, #tpu.memory_space<vmem>>
    tpu.wait_dma2 semaphore(%arg13 : memref<!tpu.dma_semaphore, #tpu.memory_space<semaphore_mem>>) src(%dma_wait3A_738 : memref<640x64xf32, #tpu.memory_space<vmem>>) dst(%dma_wait3A_734 : memref<640x64xf32, #tpu.memory_space<hbm>>)
    %dma_start3A_739 = arith.constant 0 : i32
    %dma_start3A_740 = arith.constant 0 : i32
    %dma_start3A_741 = arith.constant 0 : i32
    %dma_start3A_742 = tpu.memref_slice %arg10[%dma_start3A_739, %dma_start3A_740, %dma_start3A_741] : memref<2x640x64xf32, #tpu.memory_space<vmem>> -> memref<1x320x64xf32, #tpu.memory_space<vmem>>
    %dma_start3A_743 = tpu.memref_squeeze %dma_start3A_742 : memref<1x320x64xf32, #tpu.memory_space<vmem>> -> memref<320x64xf32, #tpu.memory_space<vmem>>
    %dma_start3A_744 = arith.constant 6400 : i32
    %dma_start3A_745 = tpu.memref_slice %arg9[%dma_start3A_744] : memref<12800xi32, #tpu.memory_space<vmem>> -> memref<320xi32, #tpu.memory_space<vmem>>
    %dma_start3A_746 = arith.constant 0 : i32
    %dma_start3A_747 = arith.constant 0 : i32
    %dma_start3A_748 = tpu.memref_slice %arg11[%dma_start3A_746, %dma_start3A_747] : memref<2000x64xf32, #tpu.memory_space<vmem_shared>> -> memref<2000x64xf32, #tpu.memory_space<vmem_shared>>
    tpu.enqueue_indirect_dma source(%dma_start3A_748 : memref<2000x64xf32, #tpu.memory_space<vmem_shared>>) target(%dma_start3A_743 : memref<320x64xf32, #tpu.memory_space<vmem>>) offsets(%dma_start3A_745 : memref<320xi32, #tpu.memory_space<vmem>>) semaphore(%arg12 : memref<!tpu.dma_semaphore, #tpu.memory_space<semaphore_mem>>)
    %dma_start3A_749 = arith.constant 0 : i32
    %dma_start3A_750 = arith.constant 320 : i32
    %dma_start3A_751 = arith.constant 0 : i32
    %dma_start3A_752 = tpu.memref_slice %arg10[%dma_start3A_749, %dma_start3A_750, %dma_start3A_751] : memref<2x640x64xf32, #tpu.memory_space<vmem>> -> memref<1x320x64xf32, #tpu.memory_space<vmem>>
    %dma_start3A_753 = tpu.memref_squeeze %dma_start3A_752 : memref<1x320x64xf32, #tpu.memory_space<vmem>> -> memref<320x64xf32, #tpu.memory_space<vmem>>
    %dma_start3A_754 = arith.constant 6720 : i32
    %dma_start3A_755 = tpu.memref_slice %arg9[%dma_start3A_754] : memref<12800xi32, #tpu.memory_space<vmem>> -> memref<320xi32, #tpu.memory_space<vmem>>
    %dma_start3A_756 = arith.constant 0 : i32
    %dma_start3A_757 = arith.constant 0 : i32
    %dma_start3A_758 = tpu.memref_slice %arg11[%dma_start3A_756, %dma_start3A_757] : memref<2000x64xf32, #tpu.memory_space<vmem_shared>> -> memref<2000x64xf32, #tpu.memory_space<vmem_shared>>
    tpu.enqueue_indirect_dma source(%dma_start3A_758 : memref<2000x64xf32, #tpu.memory_space<vmem_shared>>) target(%dma_start3A_753 : memref<320x64xf32, #tpu.memory_space<vmem>>) offsets(%dma_start3A_755 : memref<320xi32, #tpu.memory_space<vmem>>) semaphore(%arg12 : memref<!tpu.dma_semaphore, #tpu.memory_space<semaphore_mem>>)
    %scan3A_759 = arith.constant 0 : i32
    %scan3A_760 = arith.constant 220 : i32
    %scan3A_761 = arith.constant 20 : i32
    %scan3A_762 = arith.addi %scan3A_760, %scan3A_761 : i32
    %scan3A_763 = arith.constant 1 : i32
    scf.for %scan3A_1486 = %scan3A_760 to %scan3A_762 step %scan3A_763  : i32 {
      %mul3A_1487 = arith.constant 16 : i32
      %mul3A_1488 = arith.muli %scan3A_1486, %mul3A_1487 : i32
      %get3A = arith.index_cast %mul3A_1488 : i32 to index
      %get3A_1489 = tpu.vector_load %arg7[%get3A] {strides = array<i32>} : memref<6400xi32, #tpu.memory_space<vmem>>, vector<16xi32>,
      %mul3A_1490 = arith.constant 16 : i32
      %mul3A_1491 = arith.muli %scan3A_1486, %mul3A_1490 : i32
      %get3A_1492 = arith.index_cast %mul3A_1491 : i32 to index
      %get3A_1493 = tpu.vector_load %arg8[%get3A_1492] {strides = array<i32>} : memref<6400xi32, #tpu.memory_space<vmem>>, vector<16xi32>,
      %add3A_1494 = arith.constant 1000 : i32
      %add3A_1495 = vector.broadcast %add3A_1494 : i32 to vector<16xi32>
      %add3A_1496 = arith.addi %get3A_1493, %add3A_1495 : vector<16xi32>
      %mul3A_1497 = arith.constant 32 : i32
      %mul3A_1498 = arith.muli %mul3A_1497, %scan3A_1486 : i32
      %iota3A = tpu.iota {dimensions = array<i32: 0>} : vector<16xi32>
      %mul3A_1499 = arith.constant 2 : i32
      %mul3A_1500 = vector.broadcast %mul3A_1499 : i32 to vector<16xi32>
      %mul3A_1501 = arith.muli %mul3A_1500, %iota3A : vector<16xi32>
      %add3A_1502 = vector.broadcast %mul3A_1498 : i32 to vector<16xi32>
      %add3A_1503 = arith.addi %add3A_1502, %mul3A_1501 : vector<16xi32>
      tpu.vector_store_idx %arg9[%add3A_1503], %get3A_1489 : memref<12800xi32, #tpu.memory_space<vmem>>[vector<16xi32>], vector<16xi32>,
      %add3A_1504 = arith.constant 1 : i32
      %add3A_1505 = vector.broadcast %add3A_1504 : i32 to vector<16xi32>
      %add3A_1506 = arith.addi %add3A_1503, %add3A_1505 : vector<16xi32>
      tpu.vector_store_idx %arg9[%add3A_1506], %add3A_1496 : memref<12800xi32, #tpu.memory_space<vmem>>[vector<16xi32>], vector<16xi32>,
    }
    %scan3A_764 = arith.constant 20 : i32
    %dma_wait3A_765 = arith.constant 0 : i32
    %dma_wait3A_766 = arith.constant 0 : i32
    %dma_wait3A_767 = arith.constant 0 : i32
    %dma_wait3A_768 = tpu.memref_slice %arg10[%dma_wait3A_765, %dma_wait3A_766, %dma_wait3A_767] : memref<2x640x64xf32, #tpu.memory_space<vmem>> -> memref<1x320x64xf32, #tpu.memory_space<vmem>>
    %dma_wait3A_769 = tpu.memref_squeeze %dma_wait3A_768 : memref<1x320x64xf32, #tpu.memory_space<vmem>> -> memref<320x64xf32, #tpu.memory_space<vmem>>
    %dma_wait3A_770 = arith.constant 6400 : i32
    %dma_wait3A_771 = tpu.memref_slice %arg9[%dma_wait3A_770] : memref<12800xi32, #tpu.memory_space<vmem>> -> memref<320xi32, #tpu.memory_space<vmem>>
    %dma_wait3A_772 = arith.constant 0 : i32
    %dma_wait3A_773 = arith.constant 0 : i32
    %dma_wait3A_774 = tpu.memref_slice %arg11[%dma_wait3A_772, %dma_wait3A_773] : memref<2000x64xf32, #tpu.memory_space<vmem_shared>> -> memref<2000x64xf32, #tpu.memory_space<vmem_shared>>
    tpu.wait_indirect_dma semaphore(%arg12 : memref<!tpu.dma_semaphore, #tpu.memory_space<semaphore_mem>>) src(%dma_wait3A_774 : memref<2000x64xf32, #tpu.memory_space<vmem_shared>>) dst(%dma_wait3A_769 : memref<320x64xf32, #tpu.memory_space<vmem>>)
    %dma_wait3A_775 = arith.constant 0 : i32
    %dma_wait3A_776 = arith.constant 320 : i32
    %dma_wait3A_777 = arith.constant 0 : i32
    %dma_wait3A_778 = tpu.memref_slice %arg10[%dma_wait3A_775, %dma_wait3A_776, %dma_wait3A_777] : memref<2x640x64xf32, #tpu.memory_space<vmem>> -> memref<1x320x64xf32, #tpu.memory_space<vmem>>
    %dma_wait3A_779 = tpu.memref_squeeze %dma_wait3A_778 : memref<1x320x64xf32, #tpu.memory_space<vmem>> -> memref<320x64xf32, #tpu.memory_space<vmem>>
    %dma_wait3A_780 = arith.constant 6720 : i32
    %dma_wait3A_781 = tpu.memref_slice %arg9[%dma_wait3A_780] : memref<12800xi32, #tpu.memory_space<vmem>> -> memref<320xi32, #tpu.memory_space<vmem>>
    %dma_wait3A_782 = arith.constant 0 : i32
    %dma_wait3A_783 = arith.constant 0 : i32
    %dma_wait3A_784 = tpu.memref_slice %arg11[%dma_wait3A_782, %dma_wait3A_783] : memref<2000x64xf32, #tpu.memory_space<vmem_shared>> -> memref<2000x64xf32, #tpu.memory_space<vmem_shared>>
    tpu.wait_indirect_dma semaphore(%arg12 : memref<!tpu.dma_semaphore, #tpu.memory_space<semaphore_mem>>) src(%dma_wait3A_784 : memref<2000x64xf32, #tpu.memory_space<vmem_shared>>) dst(%dma_wait3A_779 : memref<320x64xf32, #tpu.memory_space<vmem>>)
    %add3A_785 = arith.constant 6400 : i32
    %add3A_786 = arith.addi %mul3A_13, %add3A_785 : i32
    %dma_start3A_787 = arith.constant 0 : i32
    %dma_start3A_788 = arith.constant 0 : i32
    %dma_start3A_789 = arith.constant 0 : i32
    %dma_start3A_790 = tpu.memref_slice %arg10[%dma_start3A_787, %dma_start3A_788, %dma_start3A_789] : memref<2x640x64xf32, #tpu.memory_space<vmem>> -> memref<1x640x64xf32, #tpu.memory_space<vmem>>
    %dma_start3A_791 = tpu.memref_squeeze %dma_start3A_790 : memref<1x640x64xf32, #tpu.memory_space<vmem>> -> memref<640x64xf32, #tpu.memory_space<vmem>>
    %dma_start3A_792 = arith.constant 0 : i32
    %dma_start3A_793 = tpu.memref_slice %arg6[%add3A_786, %dma_start3A_792] : memref<409600x64xf32, #tpu.memory_space<hbm>> -> memref<640x64xf32, #tpu.memory_space<hbm>>
    %dma_start3A_794 = arith.constant 0 : i32
    %dma_start3A_795 = tpu.memref_slice %arg6[%add3A_786, %dma_start3A_794] : memref<409600x64xf32, #tpu.memory_space<hbm>> -> memref<640x64xf32, #tpu.memory_space<hbm>>
    %dma_start3A_796 = arith.constant 0 : i32
    %dma_start3A_797 = arith.constant 0 : i32
    %dma_start3A_798 = tpu.memref_slice %arg10[%dma_start3A_787, %dma_start3A_796, %dma_start3A_797] : memref<2x640x64xf32, #tpu.memory_space<vmem>> -> memref<1x640x64xf32, #tpu.memory_space<vmem>>
    %dma_start3A_799 = tpu.memref_squeeze %dma_start3A_798 : memref<1x640x64xf32, #tpu.memory_space<vmem>> -> memref<640x64xf32, #tpu.memory_space<vmem>>
    tpu.enqueue_dma source(%dma_start3A_799 : memref<640x64xf32, #tpu.memory_space<vmem>>) target(%dma_start3A_795 : memref<640x64xf32, #tpu.memory_space<hbm>>) target_semaphore(%arg13 : memref<!tpu.dma_semaphore, #tpu.memory_space<semaphore_mem>>)
    %dma_wait3A_800 = arith.constant 1 : i32
    %dma_wait3A_801 = arith.constant 0 : i32
    %dma_wait3A_802 = arith.constant 0 : i32
    %dma_wait3A_803 = tpu.memref_slice %arg10[%dma_wait3A_800, %dma_wait3A_801, %dma_wait3A_802] : memref<2x640x64xf32, #tpu.memory_space<vmem>> -> memref<1x640x64xf32, #tpu.memory_space<vmem>>
    %dma_wait3A_804 = tpu.memref_squeeze %dma_wait3A_803 : memref<1x640x64xf32, #tpu.memory_space<vmem>> -> memref<640x64xf32, #tpu.memory_space<vmem>>
    %dma_wait3A_805 = arith.constant 0 : i32
    %dma_wait3A_806 = tpu.memref_slice %arg6[%add3A_712, %dma_wait3A_805] : memref<409600x64xf32, #tpu.memory_space<hbm>> -> memref<640x64xf32, #tpu.memory_space<hbm>>
    %dma_wait3A_807 = arith.constant 0 : i32
    %dma_wait3A_808 = tpu.memref_slice %arg6[%add3A_712, %dma_wait3A_807] : memref<409600x64xf32, #tpu.memory_space<hbm>> -> memref<640x64xf32, #tpu.memory_space<hbm>>
    %dma_wait3A_809 = arith.constant 0 : i32
    %dma_wait3A_810 = arith.constant 0 : i32
    %dma_wait3A_811 = tpu.memref_slice %arg10[%dma_wait3A_800, %dma_wait3A_809, %dma_wait3A_810] : memref<2x640x64xf32, #tpu.memory_space<vmem>> -> memref<1x640x64xf32, #tpu.memory_space<vmem>>
    %dma_wait3A_812 = tpu.memref_squeeze %dma_wait3A_811 : memref<1x640x64xf32, #tpu.memory_space<vmem>> -> memref<640x64xf32, #tpu.memory_space<vmem>>
    tpu.wait_dma2 semaphore(%arg13 : memref<!tpu.dma_semaphore, #tpu.memory_space<semaphore_mem>>) src(%dma_wait3A_812 : memref<640x64xf32, #tpu.memory_space<vmem>>) dst(%dma_wait3A_808 : memref<640x64xf32, #tpu.memory_space<hbm>>)
    %dma_start3A_813 = arith.constant 1 : i32
    %dma_start3A_814 = arith.constant 0 : i32
    %dma_start3A_815 = arith.constant 0 : i32
    %dma_start3A_816 = tpu.memref_slice %arg10[%dma_start3A_813, %dma_start3A_814, %dma_start3A_815] : memref<2x640x64xf32, #tpu.memory_space<vmem>> -> memref<1x320x64xf32, #tpu.memory_space<vmem>>
    %dma_start3A_817 = tpu.memref_squeeze %dma_start3A_816 : memref<1x320x64xf32, #tpu.memory_space<vmem>> -> memref<320x64xf32, #tpu.memory_space<vmem>>
    %dma_start3A_818 = arith.constant 7040 : i32
    %dma_start3A_819 = tpu.memref_slice %arg9[%dma_start3A_818] : memref<12800xi32, #tpu.memory_space<vmem>> -> memref<320xi32, #tpu.memory_space<vmem>>
    %dma_start3A_820 = arith.constant 0 : i32
    %dma_start3A_821 = arith.constant 0 : i32
    %dma_start3A_822 = tpu.memref_slice %arg11[%dma_start3A_820, %dma_start3A_821] : memref<2000x64xf32, #tpu.memory_space<vmem_shared>> -> memref<2000x64xf32, #tpu.memory_space<vmem_shared>>
    tpu.enqueue_indirect_dma source(%dma_start3A_822 : memref<2000x64xf32, #tpu.memory_space<vmem_shared>>) target(%dma_start3A_817 : memref<320x64xf32, #tpu.memory_space<vmem>>) offsets(%dma_start3A_819 : memref<320xi32, #tpu.memory_space<vmem>>) semaphore(%arg12 : memref<!tpu.dma_semaphore, #tpu.memory_space<semaphore_mem>>)
    %dma_start3A_823 = arith.constant 1 : i32
    %dma_start3A_824 = arith.constant 320 : i32
    %dma_start3A_825 = arith.constant 0 : i32
    %dma_start3A_826 = tpu.memref_slice %arg10[%dma_start3A_823, %dma_start3A_824, %dma_start3A_825] : memref<2x640x64xf32, #tpu.memory_space<vmem>> -> memref<1x320x64xf32, #tpu.memory_space<vmem>>
    %dma_start3A_827 = tpu.memref_squeeze %dma_start3A_826 : memref<1x320x64xf32, #tpu.memory_space<vmem>> -> memref<320x64xf32, #tpu.memory_space<vmem>>
    %dma_start3A_828 = arith.constant 7360 : i32
    %dma_start3A_829 = tpu.memref_slice %arg9[%dma_start3A_828] : memref<12800xi32, #tpu.memory_space<vmem>> -> memref<320xi32, #tpu.memory_space<vmem>>
    %dma_start3A_830 = arith.constant 0 : i32
    %dma_start3A_831 = arith.constant 0 : i32
    %dma_start3A_832 = tpu.memref_slice %arg11[%dma_start3A_830, %dma_start3A_831] : memref<2000x64xf32, #tpu.memory_space<vmem_shared>> -> memref<2000x64xf32, #tpu.memory_space<vmem_shared>>
    tpu.enqueue_indirect_dma source(%dma_start3A_832 : memref<2000x64xf32, #tpu.memory_space<vmem_shared>>) target(%dma_start3A_827 : memref<320x64xf32, #tpu.memory_space<vmem>>) offsets(%dma_start3A_829 : memref<320xi32, #tpu.memory_space<vmem>>) semaphore(%arg12 : memref<!tpu.dma_semaphore, #tpu.memory_space<semaphore_mem>>)
    %scan3A_833 = arith.constant 0 : i32
    %scan3A_834 = arith.constant 240 : i32
    %scan3A_835 = arith.constant 20 : i32
    %scan3A_836 = arith.addi %scan3A_834, %scan3A_835 : i32
    %scan3A_837 = arith.constant 1 : i32
    scf.for %scan3A_1486 = %scan3A_834 to %scan3A_836 step %scan3A_837  : i32 {
      %mul3A_1487 = arith.constant 16 : i32
      %mul3A_1488 = arith.muli %scan3A_1486, %mul3A_1487 : i32
      %get3A = arith.index_cast %mul3A_1488 : i32 to index
      %get3A_1489 = tpu.vector_load %arg7[%get3A] {strides = array<i32>} : memref<6400xi32, #tpu.memory_space<vmem>>, vector<16xi32>,
      %mul3A_1490 = arith.constant 16 : i32
      %mul3A_1491 = arith.muli %scan3A_1486, %mul3A_1490 : i32
      %get3A_1492 = arith.index_cast %mul3A_1491 : i32 to index
      %get3A_1493 = tpu.vector_load %arg8[%get3A_1492] {strides = array<i32>} : memref<6400xi32, #tpu.memory_space<vmem>>, vector<16xi32>,
      %add3A_1494 = arith.constant 1000 : i32
      %add3A_1495 = vector.broadcast %add3A_1494 : i32 to vector<16xi32>
      %add3A_1496 = arith.addi %get3A_1493, %add3A_1495 : vector<16xi32>
      %mul3A_1497 = arith.constant 32 : i32
      %mul3A_1498 = arith.muli %mul3A_1497, %scan3A_1486 : i32
      %iota3A = tpu.iota {dimensions = array<i32: 0>} : vector<16xi32>
      %mul3A_1499 = arith.constant 2 : i32
      %mul3A_1500 = vector.broadcast %mul3A_1499 : i32 to vector<16xi32>
      %mul3A_1501 = arith.muli %mul3A_1500, %iota3A : vector<16xi32>
      %add3A_1502 = vector.broadcast %mul3A_1498 : i32 to vector<16xi32>
      %add3A_1503 = arith.addi %add3A_1502, %mul3A_1501 : vector<16xi32>
      tpu.vector_store_idx %arg9[%add3A_1503], %get3A_1489 : memref<12800xi32, #tpu.memory_space<vmem>>[vector<16xi32>], vector<16xi32>,
      %add3A_1504 = arith.constant 1 : i32
      %add3A_1505 = vector.broadcast %add3A_1504 : i32 to vector<16xi32>
      %add3A_1506 = arith.addi %add3A_1503, %add3A_1505 : vector<16xi32>
      tpu.vector_store_idx %arg9[%add3A_1506], %add3A_1496 : memref<12800xi32, #tpu.memory_space<vmem>>[vector<16xi32>], vector<16xi32>,
    }
    %scan3A_838 = arith.constant 20 : i32
    %dma_wait3A_839 = arith.constant 1 : i32
    %dma_wait3A_840 = arith.constant 0 : i32
    %dma_wait3A_841 = arith.constant 0 : i32
    %dma_wait3A_842 = tpu.memref_slice %arg10[%dma_wait3A_839, %dma_wait3A_840, %dma_wait3A_841] : memref<2x640x64xf32, #tpu.memory_space<vmem>> -> memref<1x320x64xf32, #tpu.memory_space<vmem>>
    %dma_wait3A_843 = tpu.memref_squeeze %dma_wait3A_842 : memref<1x320x64xf32, #tpu.memory_space<vmem>> -> memref<320x64xf32, #tpu.memory_space<vmem>>
    %dma_wait3A_844 = arith.constant 7040 : i32
    %dma_wait3A_845 = tpu.memref_slice %arg9[%dma_wait3A_844] : memref<12800xi32, #tpu.memory_space<vmem>> -> memref<320xi32, #tpu.memory_space<vmem>>
    %dma_wait3A_846 = arith.constant 0 : i32
    %dma_wait3A_847 = arith.constant 0 : i32
    %dma_wait3A_848 = tpu.memref_slice %arg11[%dma_wait3A_846, %dma_wait3A_847] : memref<2000x64xf32, #tpu.memory_space<vmem_shared>> -> memref<2000x64xf32, #tpu.memory_space<vmem_shared>>
    tpu.wait_indirect_dma semaphore(%arg12 : memref<!tpu.dma_semaphore, #tpu.memory_space<semaphore_mem>>) src(%dma_wait3A_848 : memref<2000x64xf32, #tpu.memory_space<vmem_shared>>) dst(%dma_wait3A_843 : memref<320x64xf32, #tpu.memory_space<vmem>>)
    %dma_wait3A_849 = arith.constant 1 : i32
    %dma_wait3A_850 = arith.constant 320 : i32
    %dma_wait3A_851 = arith.constant 0 : i32
    %dma_wait3A_852 = tpu.memref_slice %arg10[%dma_wait3A_849, %dma_wait3A_850, %dma_wait3A_851] : memref<2x640x64xf32, #tpu.memory_space<vmem>> -> memref<1x320x64xf32, #tpu.memory_space<vmem>>
    %dma_wait3A_853 = tpu.memref_squeeze %dma_wait3A_852 : memref<1x320x64xf32, #tpu.memory_space<vmem>> -> memref<320x64xf32, #tpu.memory_space<vmem>>
    %dma_wait3A_854 = arith.constant 7360 : i32
    %dma_wait3A_855 = tpu.memref_slice %arg9[%dma_wait3A_854] : memref<12800xi32, #tpu.memory_space<vmem>> -> memref<320xi32, #tpu.memory_space<vmem>>
    %dma_wait3A_856 = arith.constant 0 : i32
    %dma_wait3A_857 = arith.constant 0 : i32
    %dma_wait3A_858 = tpu.memref_slice %arg11[%dma_wait3A_856, %dma_wait3A_857] : memref<2000x64xf32, #tpu.memory_space<vmem_shared>> -> memref<2000x64xf32, #tpu.memory_space<vmem_shared>>
    tpu.wait_indirect_dma semaphore(%arg12 : memref<!tpu.dma_semaphore, #tpu.memory_space<semaphore_mem>>) src(%dma_wait3A_858 : memref<2000x64xf32, #tpu.memory_space<vmem_shared>>) dst(%dma_wait3A_853 : memref<320x64xf32, #tpu.memory_space<vmem>>)
    %add3A_859 = arith.constant 7040 : i32
    %add3A_860 = arith.addi %mul3A_13, %add3A_859 : i32
    %dma_start3A_861 = arith.constant 1 : i32
    %dma_start3A_862 = arith.constant 0 : i32
    %dma_start3A_863 = arith.constant 0 : i32
    %dma_start3A_864 = tpu.memref_slice %arg10[%dma_start3A_861, %dma_start3A_862, %dma_start3A_863] : memref<2x640x64xf32, #tpu.memory_space<vmem>> -> memref<1x640x64xf32, #tpu.memory_space<vmem>>
    %dma_start3A_865 = tpu.memref_squeeze %dma_start3A_864 : memref<1x640x64xf32, #tpu.memory_space<vmem>> -> memref<640x64xf32, #tpu.memory_space<vmem>>
    %dma_start3A_866 = arith.constant 0 : i32
    %dma_start3A_867 = tpu.memref_slice %arg6[%add3A_860, %dma_start3A_866] : memref<409600x64xf32, #tpu.memory_space<hbm>> -> memref<640x64xf32, #tpu.memory_space<hbm>>
    %dma_start3A_868 = arith.constant 0 : i32
    %dma_start3A_869 = tpu.memref_slice %arg6[%add3A_860, %dma_start3A_868] : memref<409600x64xf32, #tpu.memory_space<hbm>> -> memref<640x64xf32, #tpu.memory_space<hbm>>
    %dma_start3A_870 = arith.constant 0 : i32
    %dma_start3A_871 = arith.constant 0 : i32
    %dma_start3A_872 = tpu.memref_slice %arg10[%dma_start3A_861, %dma_start3A_870, %dma_start3A_871] : memref<2x640x64xf32, #tpu.memory_space<vmem>> -> memref<1x640x64xf32, #tpu.memory_space<vmem>>
    %dma_start3A_873 = tpu.memref_squeeze %dma_start3A_872 : memref<1x640x64xf32, #tpu.memory_space<vmem>> -> memref<640x64xf32, #tpu.memory_space<vmem>>
    tpu.enqueue_dma source(%dma_start3A_873 : memref<640x64xf32, #tpu.memory_space<vmem>>) target(%dma_start3A_869 : memref<640x64xf32, #tpu.memory_space<hbm>>) target_semaphore(%arg13 : memref<!tpu.dma_semaphore, #tpu.memory_space<semaphore_mem>>)
    %dma_wait3A_874 = arith.constant 0 : i32
    %dma_wait3A_875 = arith.constant 0 : i32
    %dma_wait3A_876 = arith.constant 0 : i32
    %dma_wait3A_877 = tpu.memref_slice %arg10[%dma_wait3A_874, %dma_wait3A_875, %dma_wait3A_876] : memref<2x640x64xf32, #tpu.memory_space<vmem>> -> memref<1x640x64xf32, #tpu.memory_space<vmem>>
    %dma_wait3A_878 = tpu.memref_squeeze %dma_wait3A_877 : memref<1x640x64xf32, #tpu.memory_space<vmem>> -> memref<640x64xf32, #tpu.memory_space<vmem>>
    %dma_wait3A_879 = arith.constant 0 : i32
    %dma_wait3A_880 = tpu.memref_slice %arg6[%add3A_786, %dma_wait3A_879] : memref<409600x64xf32, #tpu.memory_space<hbm>> -> memref<640x64xf32, #tpu.memory_space<hbm>>
    %dma_wait3A_881 = arith.constant 0 : i32
    %dma_wait3A_882 = tpu.memref_slice %arg6[%add3A_786, %dma_wait3A_881] : memref<409600x64xf32, #tpu.memory_space<hbm>> -> memref<640x64xf32, #tpu.memory_space<hbm>>
    %dma_wait3A_883 = arith.constant 0 : i32
    %dma_wait3A_884 = arith.constant 0 : i32
    %dma_wait3A_885 = tpu.memref_slice %arg10[%dma_wait3A_874, %dma_wait3A_883, %dma_wait3A_884] : memref<2x640x64xf32, #tpu.memory_space<vmem>> -> memref<1x640x64xf32, #tpu.memory_space<vmem>>
    %dma_wait3A_886 = tpu.memref_squeeze %dma_wait3A_885 : memref<1x640x64xf32, #tpu.memory_space<vmem>> -> memref<640x64xf32, #tpu.memory_space<vmem>>
    tpu.wait_dma2 semaphore(%arg13 : memref<!tpu.dma_semaphore, #tpu.memory_space<semaphore_mem>>) src(%dma_wait3A_886 : memref<640x64xf32, #tpu.memory_space<vmem>>) dst(%dma_wait3A_882 : memref<640x64xf32, #tpu.memory_space<hbm>>)
    %dma_start3A_887 = arith.constant 0 : i32
    %dma_start3A_888 = arith.constant 0 : i32
    %dma_start3A_889 = arith.constant 0 : i32
    %dma_start3A_890 = tpu.memref_slice %arg10[%dma_start3A_887, %dma_start3A_888, %dma_start3A_889] : memref<2x640x64xf32, #tpu.memory_space<vmem>> -> memref<1x320x64xf32, #tpu.memory_space<vmem>>
    %dma_start3A_891 = tpu.memref_squeeze %dma_start3A_890 : memref<1x320x64xf32, #tpu.memory_space<vmem>> -> memref<320x64xf32, #tpu.memory_space<vmem>>
    %dma_start3A_892 = arith.constant 7680 : i32
    %dma_start3A_893 = tpu.memref_slice %arg9[%dma_start3A_892] : memref<12800xi32, #tpu.memory_space<vmem>> -> memref<320xi32, #tpu.memory_space<vmem>>
    %dma_start3A_894 = arith.constant 0 : i32
    %dma_start3A_895 = arith.constant 0 : i32
    %dma_start3A_896 = tpu.memref_slice %arg11[%dma_start3A_894, %dma_start3A_895] : memref<2000x64xf32, #tpu.memory_space<vmem_shared>> -> memref<2000x64xf32, #tpu.memory_space<vmem_shared>>
    tpu.enqueue_indirect_dma source(%dma_start3A_896 : memref<2000x64xf32, #tpu.memory_space<vmem_shared>>) target(%dma_start3A_891 : memref<320x64xf32, #tpu.memory_space<vmem>>) offsets(%dma_start3A_893 : memref<320xi32, #tpu.memory_space<vmem>>) semaphore(%arg12 : memref<!tpu.dma_semaphore, #tpu.memory_space<semaphore_mem>>)
    %dma_start3A_897 = arith.constant 0 : i32
    %dma_start3A_898 = arith.constant 320 : i32
    %dma_start3A_899 = arith.constant 0 : i32
    %dma_start3A_900 = tpu.memref_slice %arg10[%dma_start3A_897, %dma_start3A_898, %dma_start3A_899] : memref<2x640x64xf32, #tpu.memory_space<vmem>> -> memref<1x320x64xf32, #tpu.memory_space<vmem>>
    %dma_start3A_901 = tpu.memref_squeeze %dma_start3A_900 : memref<1x320x64xf32, #tpu.memory_space<vmem>> -> memref<320x64xf32, #tpu.memory_space<vmem>>
    %dma_start3A_902 = arith.constant 8000 : i32
    %dma_start3A_903 = tpu.memref_slice %arg9[%dma_start3A_902] : memref<12800xi32, #tpu.memory_space<vmem>> -> memref<320xi32, #tpu.memory_space<vmem>>
    %dma_start3A_904 = arith.constant 0 : i32
    %dma_start3A_905 = arith.constant 0 : i32
    %dma_start3A_906 = tpu.memref_slice %arg11[%dma_start3A_904, %dma_start3A_905] : memref<2000x64xf32, #tpu.memory_space<vmem_shared>> -> memref<2000x64xf32, #tpu.memory_space<vmem_shared>>
    tpu.enqueue_indirect_dma source(%dma_start3A_906 : memref<2000x64xf32, #tpu.memory_space<vmem_shared>>) target(%dma_start3A_901 : memref<320x64xf32, #tpu.memory_space<vmem>>) offsets(%dma_start3A_903 : memref<320xi32, #tpu.memory_space<vmem>>) semaphore(%arg12 : memref<!tpu.dma_semaphore, #tpu.memory_space<semaphore_mem>>)
    %scan3A_907 = arith.constant 0 : i32
    %scan3A_908 = arith.constant 260 : i32
    %scan3A_909 = arith.constant 20 : i32
    %scan3A_910 = arith.addi %scan3A_908, %scan3A_909 : i32
    %scan3A_911 = arith.constant 1 : i32
    scf.for %scan3A_1486 = %scan3A_908 to %scan3A_910 step %scan3A_911  : i32 {
      %mul3A_1487 = arith.constant 16 : i32
      %mul3A_1488 = arith.muli %scan3A_1486, %mul3A_1487 : i32
      %get3A = arith.index_cast %mul3A_1488 : i32 to index
      %get3A_1489 = tpu.vector_load %arg7[%get3A] {strides = array<i32>} : memref<6400xi32, #tpu.memory_space<vmem>>, vector<16xi32>,
      %mul3A_1490 = arith.constant 16 : i32
      %mul3A_1491 = arith.muli %scan3A_1486, %mul3A_1490 : i32
      %get3A_1492 = arith.index_cast %mul3A_1491 : i32 to index
      %get3A_1493 = tpu.vector_load %arg8[%get3A_1492] {strides = array<i32>} : memref<6400xi32, #tpu.memory_space<vmem>>, vector<16xi32>,
      %add3A_1494 = arith.constant 1000 : i32
      %add3A_1495 = vector.broadcast %add3A_1494 : i32 to vector<16xi32>
      %add3A_1496 = arith.addi %get3A_1493, %add3A_1495 : vector<16xi32>
      %mul3A_1497 = arith.constant 32 : i32
      %mul3A_1498 = arith.muli %mul3A_1497, %scan3A_1486 : i32
      %iota3A = tpu.iota {dimensions = array<i32: 0>} : vector<16xi32>
      %mul3A_1499 = arith.constant 2 : i32
      %mul3A_1500 = vector.broadcast %mul3A_1499 : i32 to vector<16xi32>
      %mul3A_1501 = arith.muli %mul3A_1500, %iota3A : vector<16xi32>
      %add3A_1502 = vector.broadcast %mul3A_1498 : i32 to vector<16xi32>
      %add3A_1503 = arith.addi %add3A_1502, %mul3A_1501 : vector<16xi32>
      tpu.vector_store_idx %arg9[%add3A_1503], %get3A_1489 : memref<12800xi32, #tpu.memory_space<vmem>>[vector<16xi32>], vector<16xi32>,
      %add3A_1504 = arith.constant 1 : i32
      %add3A_1505 = vector.broadcast %add3A_1504 : i32 to vector<16xi32>
      %add3A_1506 = arith.addi %add3A_1503, %add3A_1505 : vector<16xi32>
      tpu.vector_store_idx %arg9[%add3A_1506], %add3A_1496 : memref<12800xi32, #tpu.memory_space<vmem>>[vector<16xi32>], vector<16xi32>,
    }
    %scan3A_912 = arith.constant 20 : i32
    %dma_wait3A_913 = arith.constant 0 : i32
    %dma_wait3A_914 = arith.constant 0 : i32
    %dma_wait3A_915 = arith.constant 0 : i32
    %dma_wait3A_916 = tpu.memref_slice %arg10[%dma_wait3A_913, %dma_wait3A_914, %dma_wait3A_915] : memref<2x640x64xf32, #tpu.memory_space<vmem>> -> memref<1x320x64xf32, #tpu.memory_space<vmem>>
    %dma_wait3A_917 = tpu.memref_squeeze %dma_wait3A_916 : memref<1x320x64xf32, #tpu.memory_space<vmem>> -> memref<320x64xf32, #tpu.memory_space<vmem>>
    %dma_wait3A_918 = arith.constant 7680 : i32
    %dma_wait3A_919 = tpu.memref_slice %arg9[%dma_wait3A_918] : memref<12800xi32, #tpu.memory_space<vmem>> -> memref<320xi32, #tpu.memory_space<vmem>>
    %dma_wait3A_920 = arith.constant 0 : i32
    %dma_wait3A_921 = arith.constant 0 : i32
    %dma_wait3A_922 = tpu.memref_slice %arg11[%dma_wait3A_920, %dma_wait3A_921] : memref<2000x64xf32, #tpu.memory_space<vmem_shared>> -> memref<2000x64xf32, #tpu.memory_space<vmem_shared>>
    tpu.wait_indirect_dma semaphore(%arg12 : memref<!tpu.dma_semaphore, #tpu.memory_space<semaphore_mem>>) src(%dma_wait3A_922 : memref<2000x64xf32, #tpu.memory_space<vmem_shared>>) dst(%dma_wait3A_917 : memref<320x64xf32, #tpu.memory_space<vmem>>)
    %dma_wait3A_923 = arith.constant 0 : i32
    %dma_wait3A_924 = arith.constant 320 : i32
    %dma_wait3A_925 = arith.constant 0 : i32
    %dma_wait3A_926 = tpu.memref_slice %arg10[%dma_wait3A_923, %dma_wait3A_924, %dma_wait3A_925] : memref<2x640x64xf32, #tpu.memory_space<vmem>> -> memref<1x320x64xf32, #tpu.memory_space<vmem>>
    %dma_wait3A_927 = tpu.memref_squeeze %dma_wait3A_926 : memref<1x320x64xf32, #tpu.memory_space<vmem>> -> memref<320x64xf32, #tpu.memory_space<vmem>>
    %dma_wait3A_928 = arith.constant 8000 : i32
    %dma_wait3A_929 = tpu.memref_slice %arg9[%dma_wait3A_928] : memref<12800xi32, #tpu.memory_space<vmem>> -> memref<320xi32, #tpu.memory_space<vmem>>
    %dma_wait3A_930 = arith.constant 0 : i32
    %dma_wait3A_931 = arith.constant 0 : i32
    %dma_wait3A_932 = tpu.memref_slice %arg11[%dma_wait3A_930, %dma_wait3A_931] : memref<2000x64xf32, #tpu.memory_space<vmem_shared>> -> memref<2000x64xf32, #tpu.memory_space<vmem_shared>>
    tpu.wait_indirect_dma semaphore(%arg12 : memref<!tpu.dma_semaphore, #tpu.memory_space<semaphore_mem>>) src(%dma_wait3A_932 : memref<2000x64xf32, #tpu.memory_space<vmem_shared>>) dst(%dma_wait3A_927 : memref<320x64xf32, #tpu.memory_space<vmem>>)
    %add3A_933 = arith.constant 7680 : i32
    %add3A_934 = arith.addi %mul3A_13, %add3A_933 : i32
    %dma_start3A_935 = arith.constant 0 : i32
    %dma_start3A_936 = arith.constant 0 : i32
    %dma_start3A_937 = arith.constant 0 : i32
    %dma_start3A_938 = tpu.memref_slice %arg10[%dma_start3A_935, %dma_start3A_936, %dma_start3A_937] : memref<2x640x64xf32, #tpu.memory_space<vmem>> -> memref<1x640x64xf32, #tpu.memory_space<vmem>>
    %dma_start3A_939 = tpu.memref_squeeze %dma_start3A_938 : memref<1x640x64xf32, #tpu.memory_space<vmem>> -> memref<640x64xf32, #tpu.memory_space<vmem>>
    %dma_start3A_940 = arith.constant 0 : i32
    %dma_start3A_941 = tpu.memref_slice %arg6[%add3A_934, %dma_start3A_940] : memref<409600x64xf32, #tpu.memory_space<hbm>> -> memref<640x64xf32, #tpu.memory_space<hbm>>
    %dma_start3A_942 = arith.constant 0 : i32
    %dma_start3A_943 = tpu.memref_slice %arg6[%add3A_934, %dma_start3A_942] : memref<409600x64xf32, #tpu.memory_space<hbm>> -> memref<640x64xf32, #tpu.memory_space<hbm>>
    %dma_start3A_944 = arith.constant 0 : i32
    %dma_start3A_945 = arith.constant 0 : i32
    %dma_start3A_946 = tpu.memref_slice %arg10[%dma_start3A_935, %dma_start3A_944, %dma_start3A_945] : memref<2x640x64xf32, #tpu.memory_space<vmem>> -> memref<1x640x64xf32, #tpu.memory_space<vmem>>
    %dma_start3A_947 = tpu.memref_squeeze %dma_start3A_946 : memref<1x640x64xf32, #tpu.memory_space<vmem>> -> memref<640x64xf32, #tpu.memory_space<vmem>>
    tpu.enqueue_dma source(%dma_start3A_947 : memref<640x64xf32, #tpu.memory_space<vmem>>) target(%dma_start3A_943 : memref<640x64xf32, #tpu.memory_space<hbm>>) target_semaphore(%arg13 : memref<!tpu.dma_semaphore, #tpu.memory_space<semaphore_mem>>)
    %dma_wait3A_948 = arith.constant 1 : i32
    %dma_wait3A_949 = arith.constant 0 : i32
    %dma_wait3A_950 = arith.constant 0 : i32
    %dma_wait3A_951 = tpu.memref_slice %arg10[%dma_wait3A_948, %dma_wait3A_949, %dma_wait3A_950] : memref<2x640x64xf32, #tpu.memory_space<vmem>> -> memref<1x640x64xf32, #tpu.memory_space<vmem>>
    %dma_wait3A_952 = tpu.memref_squeeze %dma_wait3A_951 : memref<1x640x64xf32, #tpu.memory_space<vmem>> -> memref<640x64xf32, #tpu.memory_space<vmem>>
    %dma_wait3A_953 = arith.constant 0 : i32
    %dma_wait3A_954 = tpu.memref_slice %arg6[%add3A_860, %dma_wait3A_953] : memref<409600x64xf32, #tpu.memory_space<hbm>> -> memref<640x64xf32, #tpu.memory_space<hbm>>
    %dma_wait3A_955 = arith.constant 0 : i32
    %dma_wait3A_956 = tpu.memref_slice %arg6[%add3A_860, %dma_wait3A_955] : memref<409600x64xf32, #tpu.memory_space<hbm>> -> memref<640x64xf32, #tpu.memory_space<hbm>>
    %dma_wait3A_957 = arith.constant 0 : i32
    %dma_wait3A_958 = arith.constant 0 : i32
    %dma_wait3A_959 = tpu.memref_slice %arg10[%dma_wait3A_948, %dma_wait3A_957, %dma_wait3A_958] : memref<2x640x64xf32, #tpu.memory_space<vmem>> -> memref<1x640x64xf32, #tpu.memory_space<vmem>>
    %dma_wait3A_960 = tpu.memref_squeeze %dma_wait3A_959 : memref<1x640x64xf32, #tpu.memory_space<vmem>> -> memref<640x64xf32, #tpu.memory_space<vmem>>
    tpu.wait_dma2 semaphore(%arg13 : memref<!tpu.dma_semaphore, #tpu.memory_space<semaphore_mem>>) src(%dma_wait3A_960 : memref<640x64xf32, #tpu.memory_space<vmem>>) dst(%dma_wait3A_956 : memref<640x64xf32, #tpu.memory_space<hbm>>)
    %dma_start3A_961 = arith.constant 1 : i32
    %dma_start3A_962 = arith.constant 0 : i32
    %dma_start3A_963 = arith.constant 0 : i32
    %dma_start3A_964 = tpu.memref_slice %arg10[%dma_start3A_961, %dma_start3A_962, %dma_start3A_963] : memref<2x640x64xf32, #tpu.memory_space<vmem>> -> memref<1x320x64xf32, #tpu.memory_space<vmem>>
    %dma_start3A_965 = tpu.memref_squeeze %dma_start3A_964 : memref<1x320x64xf32, #tpu.memory_space<vmem>> -> memref<320x64xf32, #tpu.memory_space<vmem>>
    %dma_start3A_966 = arith.constant 8320 : i32
    %dma_start3A_967 = tpu.memref_slice %arg9[%dma_start3A_966] : memref<12800xi32, #tpu.memory_space<vmem>> -> memref<320xi32, #tpu.memory_space<vmem>>
    %dma_start3A_968 = arith.constant 0 : i32
    %dma_start3A_969 = arith.constant 0 : i32
    %dma_start3A_970 = tpu.memref_slice %arg11[%dma_start3A_968, %dma_start3A_969] : memref<2000x64xf32, #tpu.memory_space<vmem_shared>> -> memref<2000x64xf32, #tpu.memory_space<vmem_shared>>
    tpu.enqueue_indirect_dma source(%dma_start3A_970 : memref<2000x64xf32, #tpu.memory_space<vmem_shared>>) target(%dma_start3A_965 : memref<320x64xf32, #tpu.memory_space<vmem>>) offsets(%dma_start3A_967 : memref<320xi32, #tpu.memory_space<vmem>>) semaphore(%arg12 : memref<!tpu.dma_semaphore, #tpu.memory_space<semaphore_mem>>)
    %dma_start3A_971 = arith.constant 1 : i32
    %dma_start3A_972 = arith.constant 320 : i32
    %dma_start3A_973 = arith.constant 0 : i32
    %dma_start3A_974 = tpu.memref_slice %arg10[%dma_start3A_971, %dma_start3A_972, %dma_start3A_973] : memref<2x640x64xf32, #tpu.memory_space<vmem>> -> memref<1x320x64xf32, #tpu.memory_space<vmem>>
    %dma_start3A_975 = tpu.memref_squeeze %dma_start3A_974 : memref<1x320x64xf32, #tpu.memory_space<vmem>> -> memref<320x64xf32, #tpu.memory_space<vmem>>
    %dma_start3A_976 = arith.constant 8640 : i32
    %dma_start3A_977 = tpu.memref_slice %arg9[%dma_start3A_976] : memref<12800xi32, #tpu.memory_space<vmem>> -> memref<320xi32, #tpu.memory_space<vmem>>
    %dma_start3A_978 = arith.constant 0 : i32
    %dma_start3A_979 = arith.constant 0 : i32
    %dma_start3A_980 = tpu.memref_slice %arg11[%dma_start3A_978, %dma_start3A_979] : memref<2000x64xf32, #tpu.memory_space<vmem_shared>> -> memref<2000x64xf32, #tpu.memory_space<vmem_shared>>
    tpu.enqueue_indirect_dma source(%dma_start3A_980 : memref<2000x64xf32, #tpu.memory_space<vmem_shared>>) target(%dma_start3A_975 : memref<320x64xf32, #tpu.memory_space<vmem>>) offsets(%dma_start3A_977 : memref<320xi32, #tpu.memory_space<vmem>>) semaphore(%arg12 : memref<!tpu.dma_semaphore, #tpu.memory_space<semaphore_mem>>)
    %scan3A_981 = arith.constant 0 : i32
    %scan3A_982 = arith.constant 280 : i32
    %scan3A_983 = arith.constant 20 : i32
    %scan3A_984 = arith.addi %scan3A_982, %scan3A_983 : i32
    %scan3A_985 = arith.constant 1 : i32
    scf.for %scan3A_1486 = %scan3A_982 to %scan3A_984 step %scan3A_985  : i32 {
      %mul3A_1487 = arith.constant 16 : i32
      %mul3A_1488 = arith.muli %scan3A_1486, %mul3A_1487 : i32
      %get3A = arith.index_cast %mul3A_1488 : i32 to index
      %get3A_1489 = tpu.vector_load %arg7[%get3A] {strides = array<i32>} : memref<6400xi32, #tpu.memory_space<vmem>>, vector<16xi32>,
      %mul3A_1490 = arith.constant 16 : i32
      %mul3A_1491 = arith.muli %scan3A_1486, %mul3A_1490 : i32
      %get3A_1492 = arith.index_cast %mul3A_1491 : i32 to index
      %get3A_1493 = tpu.vector_load %arg8[%get3A_1492] {strides = array<i32>} : memref<6400xi32, #tpu.memory_space<vmem>>, vector<16xi32>,
      %add3A_1494 = arith.constant 1000 : i32
      %add3A_1495 = vector.broadcast %add3A_1494 : i32 to vector<16xi32>
      %add3A_1496 = arith.addi %get3A_1493, %add3A_1495 : vector<16xi32>
      %mul3A_1497 = arith.constant 32 : i32
      %mul3A_1498 = arith.muli %mul3A_1497, %scan3A_1486 : i32
      %iota3A = tpu.iota {dimensions = array<i32: 0>} : vector<16xi32>
      %mul3A_1499 = arith.constant 2 : i32
      %mul3A_1500 = vector.broadcast %mul3A_1499 : i32 to vector<16xi32>
      %mul3A_1501 = arith.muli %mul3A_1500, %iota3A : vector<16xi32>
      %add3A_1502 = vector.broadcast %mul3A_1498 : i32 to vector<16xi32>
      %add3A_1503 = arith.addi %add3A_1502, %mul3A_1501 : vector<16xi32>
      tpu.vector_store_idx %arg9[%add3A_1503], %get3A_1489 : memref<12800xi32, #tpu.memory_space<vmem>>[vector<16xi32>], vector<16xi32>,
      %add3A_1504 = arith.constant 1 : i32
      %add3A_1505 = vector.broadcast %add3A_1504 : i32 to vector<16xi32>
      %add3A_1506 = arith.addi %add3A_1503, %add3A_1505 : vector<16xi32>
      tpu.vector_store_idx %arg9[%add3A_1506], %add3A_1496 : memref<12800xi32, #tpu.memory_space<vmem>>[vector<16xi32>], vector<16xi32>,
    }
    %scan3A_986 = arith.constant 20 : i32
    %dma_wait3A_987 = arith.constant 1 : i32
    %dma_wait3A_988 = arith.constant 0 : i32
    %dma_wait3A_989 = arith.constant 0 : i32
    %dma_wait3A_990 = tpu.memref_slice %arg10[%dma_wait3A_987, %dma_wait3A_988, %dma_wait3A_989] : memref<2x640x64xf32, #tpu.memory_space<vmem>> -> memref<1x320x64xf32, #tpu.memory_space<vmem>>
    %dma_wait3A_991 = tpu.memref_squeeze %dma_wait3A_990 : memref<1x320x64xf32, #tpu.memory_space<vmem>> -> memref<320x64xf32, #tpu.memory_space<vmem>>
    %dma_wait3A_992 = arith.constant 8320 : i32
    %dma_wait3A_993 = tpu.memref_slice %arg9[%dma_wait3A_992] : memref<12800xi32, #tpu.memory_space<vmem>> -> memref<320xi32, #tpu.memory_space<vmem>>
    %dma_wait3A_994 = arith.constant 0 : i32
    %dma_wait3A_995 = arith.constant 0 : i32
    %dma_wait3A_996 = tpu.memref_slice %arg11[%dma_wait3A_994, %dma_wait3A_995] : memref<2000x64xf32, #tpu.memory_space<vmem_shared>> -> memref<2000x64xf32, #tpu.memory_space<vmem_shared>>
    tpu.wait_indirect_dma semaphore(%arg12 : memref<!tpu.dma_semaphore, #tpu.memory_space<semaphore_mem>>) src(%dma_wait3A_996 : memref<2000x64xf32, #tpu.memory_space<vmem_shared>>) dst(%dma_wait3A_991 : memref<320x64xf32, #tpu.memory_space<vmem>>)
    %dma_wait3A_997 = arith.constant 1 : i32
    %dma_wait3A_998 = arith.constant 320 : i32
    %dma_wait3A_999 = arith.constant 0 : i32
    %dma_wait3A_1000 = tpu.memref_slice %arg10[%dma_wait3A_997, %dma_wait3A_998, %dma_wait3A_999] : memref<2x640x64xf32, #tpu.memory_space<vmem>> -> memref<1x320x64xf32, #tpu.memory_space<vmem>>
    %dma_wait3A_1001 = tpu.memref_squeeze %dma_wait3A_1000 : memref<1x320x64xf32, #tpu.memory_space<vmem>> -> memref<320x64xf32, #tpu.memory_space<vmem>>
    %dma_wait3A_1002 = arith.constant 8640 : i32
    %dma_wait3A_1003 = tpu.memref_slice %arg9[%dma_wait3A_1002] : memref<12800xi32, #tpu.memory_space<vmem>> -> memref<320xi32, #tpu.memory_space<vmem>>
    %dma_wait3A_1004 = arith.constant 0 : i32
    %dma_wait3A_1005 = arith.constant 0 : i32
    %dma_wait3A_1006 = tpu.memref_slice %arg11[%dma_wait3A_1004, %dma_wait3A_1005] : memref<2000x64xf32, #tpu.memory_space<vmem_shared>> -> memref<2000x64xf32, #tpu.memory_space<vmem_shared>>
    tpu.wait_indirect_dma semaphore(%arg12 : memref<!tpu.dma_semaphore, #tpu.memory_space<semaphore_mem>>) src(%dma_wait3A_1006 : memref<2000x64xf32, #tpu.memory_space<vmem_shared>>) dst(%dma_wait3A_1001 : memref<320x64xf32, #tpu.memory_space<vmem>>)
    %add3A_1007 = arith.constant 8320 : i32
    %add3A_1008 = arith.addi %mul3A_13, %add3A_1007 : i32
    %dma_start3A_1009 = arith.constant 1 : i32
    %dma_start3A_1010 = arith.constant 0 : i32
    %dma_start3A_1011 = arith.constant 0 : i32
    %dma_start3A_1012 = tpu.memref_slice %arg10[%dma_start3A_1009, %dma_start3A_1010, %dma_start3A_1011] : memref<2x640x64xf32, #tpu.memory_space<vmem>> -> memref<1x640x64xf32, #tpu.memory_space<vmem>>
    %dma_start3A_1013 = tpu.memref_squeeze %dma_start3A_1012 : memref<1x640x64xf32, #tpu.memory_space<vmem>> -> memref<640x64xf32, #tpu.memory_space<vmem>>
    %dma_start3A_1014 = arith.constant 0 : i32
    %dma_start3A_1015 = tpu.memref_slice %arg6[%add3A_1008, %dma_start3A_1014] : memref<409600x64xf32, #tpu.memory_space<hbm>> -> memref<640x64xf32, #tpu.memory_space<hbm>>
    %dma_start3A_1016 = arith.constant 0 : i32
    %dma_start3A_1017 = tpu.memref_slice %arg6[%add3A_1008, %dma_start3A_1016] : memref<409600x64xf32, #tpu.memory_space<hbm>> -> memref<640x64xf32, #tpu.memory_space<hbm>>
    %dma_start3A_1018 = arith.constant 0 : i32
    %dma_start3A_1019 = arith.constant 0 : i32
    %dma_start3A_1020 = tpu.memref_slice %arg10[%dma_start3A_1009, %dma_start3A_1018, %dma_start3A_1019] : memref<2x640x64xf32, #tpu.memory_space<vmem>> -> memref<1x640x64xf32, #tpu.memory_space<vmem>>
    %dma_start3A_1021 = tpu.memref_squeeze %dma_start3A_1020 : memref<1x640x64xf32, #tpu.memory_space<vmem>> -> memref<640x64xf32, #tpu.memory_space<vmem>>
    tpu.enqueue_dma source(%dma_start3A_1021 : memref<640x64xf32, #tpu.memory_space<vmem>>) target(%dma_start3A_1017 : memref<640x64xf32, #tpu.memory_space<hbm>>) target_semaphore(%arg13 : memref<!tpu.dma_semaphore, #tpu.memory_space<semaphore_mem>>)
    %dma_wait3A_1022 = arith.constant 0 : i32
    %dma_wait3A_1023 = arith.constant 0 : i32
    %dma_wait3A_1024 = arith.constant 0 : i32
    %dma_wait3A_1025 = tpu.memref_slice %arg10[%dma_wait3A_1022, %dma_wait3A_1023, %dma_wait3A_1024] : memref<2x640x64xf32, #tpu.memory_space<vmem>> -> memref<1x640x64xf32, #tpu.memory_space<vmem>>
    %dma_wait3A_1026 = tpu.memref_squeeze %dma_wait3A_1025 : memref<1x640x64xf32, #tpu.memory_space<vmem>> -> memref<640x64xf32, #tpu.memory_space<vmem>>
    %dma_wait3A_1027 = arith.constant 0 : i32
    %dma_wait3A_1028 = tpu.memref_slice %arg6[%add3A_934, %dma_wait3A_1027] : memref<409600x64xf32, #tpu.memory_space<hbm>> -> memref<640x64xf32, #tpu.memory_space<hbm>>
    %dma_wait3A_1029 = arith.constant 0 : i32
    %dma_wait3A_1030 = tpu.memref_slice %arg6[%add3A_934, %dma_wait3A_1029] : memref<409600x64xf32, #tpu.memory_space<hbm>> -> memref<640x64xf32, #tpu.memory_space<hbm>>
    %dma_wait3A_1031 = arith.constant 0 : i32
    %dma_wait3A_1032 = arith.constant 0 : i32
    %dma_wait3A_1033 = tpu.memref_slice %arg10[%dma_wait3A_1022, %dma_wait3A_1031, %dma_wait3A_1032] : memref<2x640x64xf32, #tpu.memory_space<vmem>> -> memref<1x640x64xf32, #tpu.memory_space<vmem>>
    %dma_wait3A_1034 = tpu.memref_squeeze %dma_wait3A_1033 : memref<1x640x64xf32, #tpu.memory_space<vmem>> -> memref<640x64xf32, #tpu.memory_space<vmem>>
    tpu.wait_dma2 semaphore(%arg13 : memref<!tpu.dma_semaphore, #tpu.memory_space<semaphore_mem>>) src(%dma_wait3A_1034 : memref<640x64xf32, #tpu.memory_space<vmem>>) dst(%dma_wait3A_1030 : memref<640x64xf32, #tpu.memory_space<hbm>>)
    %dma_start3A_1035 = arith.constant 0 : i32
    %dma_start3A_1036 = arith.constant 0 : i32
    %dma_start3A_1037 = arith.constant 0 : i32
    %dma_start3A_1038 = tpu.memref_slice %arg10[%dma_start3A_1035, %dma_start3A_1036, %dma_start3A_1037] : memref<2x640x64xf32, #tpu.memory_space<vmem>> -> memref<1x320x64xf32, #tpu.memory_space<vmem>>
    %dma_start3A_1039 = tpu.memref_squeeze %dma_start3A_1038 : memref<1x320x64xf32, #tpu.memory_space<vmem>> -> memref<320x64xf32, #tpu.memory_space<vmem>>
    %dma_start3A_1040 = arith.constant 8960 : i32
    %dma_start3A_1041 = tpu.memref_slice %arg9[%dma_start3A_1040] : memref<12800xi32, #tpu.memory_space<vmem>> -> memref<320xi32, #tpu.memory_space<vmem>>
    %dma_start3A_1042 = arith.constant 0 : i32
    %dma_start3A_1043 = arith.constant 0 : i32
    %dma_start3A_1044 = tpu.memref_slice %arg11[%dma_start3A_1042, %dma_start3A_1043] : memref<2000x64xf32, #tpu.memory_space<vmem_shared>> -> memref<2000x64xf32, #tpu.memory_space<vmem_shared>>
    tpu.enqueue_indirect_dma source(%dma_start3A_1044 : memref<2000x64xf32, #tpu.memory_space<vmem_shared>>) target(%dma_start3A_1039 : memref<320x64xf32, #tpu.memory_space<vmem>>) offsets(%dma_start3A_1041 : memref<320xi32, #tpu.memory_space<vmem>>) semaphore(%arg12 : memref<!tpu.dma_semaphore, #tpu.memory_space<semaphore_mem>>)
    %dma_start3A_1045 = arith.constant 0 : i32
    %dma_start3A_1046 = arith.constant 320 : i32
    %dma_start3A_1047 = arith.constant 0 : i32
    %dma_start3A_1048 = tpu.memref_slice %arg10[%dma_start3A_1045, %dma_start3A_1046, %dma_start3A_1047] : memref<2x640x64xf32, #tpu.memory_space<vmem>> -> memref<1x320x64xf32, #tpu.memory_space<vmem>>
    %dma_start3A_1049 = tpu.memref_squeeze %dma_start3A_1048 : memref<1x320x64xf32, #tpu.memory_space<vmem>> -> memref<320x64xf32, #tpu.memory_space<vmem>>
    %dma_start3A_1050 = arith.constant 9280 : i32
    %dma_start3A_1051 = tpu.memref_slice %arg9[%dma_start3A_1050] : memref<12800xi32, #tpu.memory_space<vmem>> -> memref<320xi32, #tpu.memory_space<vmem>>
    %dma_start3A_1052 = arith.constant 0 : i32
    %dma_start3A_1053 = arith.constant 0 : i32
    %dma_start3A_1054 = tpu.memref_slice %arg11[%dma_start3A_1052, %dma_start3A_1053] : memref<2000x64xf32, #tpu.memory_space<vmem_shared>> -> memref<2000x64xf32, #tpu.memory_space<vmem_shared>>
    tpu.enqueue_indirect_dma source(%dma_start3A_1054 : memref<2000x64xf32, #tpu.memory_space<vmem_shared>>) target(%dma_start3A_1049 : memref<320x64xf32, #tpu.memory_space<vmem>>) offsets(%dma_start3A_1051 : memref<320xi32, #tpu.memory_space<vmem>>) semaphore(%arg12 : memref<!tpu.dma_semaphore, #tpu.memory_space<semaphore_mem>>)
    %scan3A_1055 = arith.constant 0 : i32
    %scan3A_1056 = arith.constant 300 : i32
    %scan3A_1057 = arith.constant 20 : i32
    %scan3A_1058 = arith.addi %scan3A_1056, %scan3A_1057 : i32
    %scan3A_1059 = arith.constant 1 : i32
    scf.for %scan3A_1486 = %scan3A_1056 to %scan3A_1058 step %scan3A_1059  : i32 {
      %mul3A_1487 = arith.constant 16 : i32
      %mul3A_1488 = arith.muli %scan3A_1486, %mul3A_1487 : i32
      %get3A = arith.index_cast %mul3A_1488 : i32 to index
      %get3A_1489 = tpu.vector_load %arg7[%get3A] {strides = array<i32>} : memref<6400xi32, #tpu.memory_space<vmem>>, vector<16xi32>,
      %mul3A_1490 = arith.constant 16 : i32
      %mul3A_1491 = arith.muli %scan3A_1486, %mul3A_1490 : i32
      %get3A_1492 = arith.index_cast %mul3A_1491 : i32 to index
      %get3A_1493 = tpu.vector_load %arg8[%get3A_1492] {strides = array<i32>} : memref<6400xi32, #tpu.memory_space<vmem>>, vector<16xi32>,
      %add3A_1494 = arith.constant 1000 : i32
      %add3A_1495 = vector.broadcast %add3A_1494 : i32 to vector<16xi32>
      %add3A_1496 = arith.addi %get3A_1493, %add3A_1495 : vector<16xi32>
      %mul3A_1497 = arith.constant 32 : i32
      %mul3A_1498 = arith.muli %mul3A_1497, %scan3A_1486 : i32
      %iota3A = tpu.iota {dimensions = array<i32: 0>} : vector<16xi32>
      %mul3A_1499 = arith.constant 2 : i32
      %mul3A_1500 = vector.broadcast %mul3A_1499 : i32 to vector<16xi32>
      %mul3A_1501 = arith.muli %mul3A_1500, %iota3A : vector<16xi32>
      %add3A_1502 = vector.broadcast %mul3A_1498 : i32 to vector<16xi32>
      %add3A_1503 = arith.addi %add3A_1502, %mul3A_1501 : vector<16xi32>
      tpu.vector_store_idx %arg9[%add3A_1503], %get3A_1489 : memref<12800xi32, #tpu.memory_space<vmem>>[vector<16xi32>], vector<16xi32>,
      %add3A_1504 = arith.constant 1 : i32
      %add3A_1505 = vector.broadcast %add3A_1504 : i32 to vector<16xi32>
      %add3A_1506 = arith.addi %add3A_1503, %add3A_1505 : vector<16xi32>
      tpu.vector_store_idx %arg9[%add3A_1506], %add3A_1496 : memref<12800xi32, #tpu.memory_space<vmem>>[vector<16xi32>], vector<16xi32>,
    }
    %scan3A_1060 = arith.constant 20 : i32
    %dma_wait3A_1061 = arith.constant 0 : i32
    %dma_wait3A_1062 = arith.constant 0 : i32
    %dma_wait3A_1063 = arith.constant 0 : i32
    %dma_wait3A_1064 = tpu.memref_slice %arg10[%dma_wait3A_1061, %dma_wait3A_1062, %dma_wait3A_1063] : memref<2x640x64xf32, #tpu.memory_space<vmem>> -> memref<1x320x64xf32, #tpu.memory_space<vmem>>
    %dma_wait3A_1065 = tpu.memref_squeeze %dma_wait3A_1064 : memref<1x320x64xf32, #tpu.memory_space<vmem>> -> memref<320x64xf32, #tpu.memory_space<vmem>>
    %dma_wait3A_1066 = arith.constant 8960 : i32
    %dma_wait3A_1067 = tpu.memref_slice %arg9[%dma_wait3A_1066] : memref<12800xi32, #tpu.memory_space<vmem>> -> memref<320xi32, #tpu.memory_space<vmem>>
    %dma_wait3A_1068 = arith.constant 0 : i32
    %dma_wait3A_1069 = arith.constant 0 : i32
    %dma_wait3A_1070 = tpu.memref_slice %arg11[%dma_wait3A_1068, %dma_wait3A_1069] : memref<2000x64xf32, #tpu.memory_space<vmem_shared>> -> memref<2000x64xf32, #tpu.memory_space<vmem_shared>>
    tpu.wait_indirect_dma semaphore(%arg12 : memref<!tpu.dma_semaphore, #tpu.memory_space<semaphore_mem>>) src(%dma_wait3A_1070 : memref<2000x64xf32, #tpu.memory_space<vmem_shared>>) dst(%dma_wait3A_1065 : memref<320x64xf32, #tpu.memory_space<vmem>>)
    %dma_wait3A_1071 = arith.constant 0 : i32
    %dma_wait3A_1072 = arith.constant 320 : i32
    %dma_wait3A_1073 = arith.constant 0 : i32
    %dma_wait3A_1074 = tpu.memref_slice %arg10[%dma_wait3A_1071, %dma_wait3A_1072, %dma_wait3A_1073] : memref<2x640x64xf32, #tpu.memory_space<vmem>> -> memref<1x320x64xf32, #tpu.memory_space<vmem>>
    %dma_wait3A_1075 = tpu.memref_squeeze %dma_wait3A_1074 : memref<1x320x64xf32, #tpu.memory_space<vmem>> -> memref<320x64xf32, #tpu.memory_space<vmem>>
    %dma_wait3A_1076 = arith.constant 9280 : i32
    %dma_wait3A_1077 = tpu.memref_slice %arg9[%dma_wait3A_1076] : memref<12800xi32, #tpu.memory_space<vmem>> -> memref<320xi32, #tpu.memory_space<vmem>>
    %dma_wait3A_1078 = arith.constant 0 : i32
    %dma_wait3A_1079 = arith.constant 0 : i32
    %dma_wait3A_1080 = tpu.memref_slice %arg11[%dma_wait3A_1078, %dma_wait3A_1079] : memref<2000x64xf32, #tpu.memory_space<vmem_shared>> -> memref<2000x64xf32, #tpu.memory_space<vmem_shared>>
    tpu.wait_indirect_dma semaphore(%arg12 : memref<!tpu.dma_semaphore, #tpu.memory_space<semaphore_mem>>) src(%dma_wait3A_1080 : memref<2000x64xf32, #tpu.memory_space<vmem_shared>>) dst(%dma_wait3A_1075 : memref<320x64xf32, #tpu.memory_space<vmem>>)
    %add3A_1081 = arith.constant 8960 : i32
    %add3A_1082 = arith.addi %mul3A_13, %add3A_1081 : i32
    %dma_start3A_1083 = arith.constant 0 : i32
    %dma_start3A_1084 = arith.constant 0 : i32
    %dma_start3A_1085 = arith.constant 0 : i32
    %dma_start3A_1086 = tpu.memref_slice %arg10[%dma_start3A_1083, %dma_start3A_1084, %dma_start3A_1085] : memref<2x640x64xf32, #tpu.memory_space<vmem>> -> memref<1x640x64xf32, #tpu.memory_space<vmem>>
    %dma_start3A_1087 = tpu.memref_squeeze %dma_start3A_1086 : memref<1x640x64xf32, #tpu.memory_space<vmem>> -> memref<640x64xf32, #tpu.memory_space<vmem>>
    %dma_start3A_1088 = arith.constant 0 : i32
    %dma_start3A_1089 = tpu.memref_slice %arg6[%add3A_1082, %dma_start3A_1088] : memref<409600x64xf32, #tpu.memory_space<hbm>> -> memref<640x64xf32, #tpu.memory_space<hbm>>
    %dma_start3A_1090 = arith.constant 0 : i32
    %dma_start3A_1091 = tpu.memref_slice %arg6[%add3A_1082, %dma_start3A_1090] : memref<409600x64xf32, #tpu.memory_space<hbm>> -> memref<640x64xf32, #tpu.memory_space<hbm>>
    %dma_start3A_1092 = arith.constant 0 : i32
    %dma_start3A_1093 = arith.constant 0 : i32
    %dma_start3A_1094 = tpu.memref_slice %arg10[%dma_start3A_1083, %dma_start3A_1092, %dma_start3A_1093] : memref<2x640x64xf32, #tpu.memory_space<vmem>> -> memref<1x640x64xf32, #tpu.memory_space<vmem>>
    %dma_start3A_1095 = tpu.memref_squeeze %dma_start3A_1094 : memref<1x640x64xf32, #tpu.memory_space<vmem>> -> memref<640x64xf32, #tpu.memory_space<vmem>>
    tpu.enqueue_dma source(%dma_start3A_1095 : memref<640x64xf32, #tpu.memory_space<vmem>>) target(%dma_start3A_1091 : memref<640x64xf32, #tpu.memory_space<hbm>>) target_semaphore(%arg13 : memref<!tpu.dma_semaphore, #tpu.memory_space<semaphore_mem>>)
    %dma_wait3A_1096 = arith.constant 1 : i32
    %dma_wait3A_1097 = arith.constant 0 : i32
    %dma_wait3A_1098 = arith.constant 0 : i32
    %dma_wait3A_1099 = tpu.memref_slice %arg10[%dma_wait3A_1096, %dma_wait3A_1097, %dma_wait3A_1098] : memref<2x640x64xf32, #tpu.memory_space<vmem>> -> memref<1x640x64xf32, #tpu.memory_space<vmem>>
    %dma_wait3A_1100 = tpu.memref_squeeze %dma_wait3A_1099 : memref<1x640x64xf32, #tpu.memory_space<vmem>> -> memref<640x64xf32, #tpu.memory_space<vmem>>
    %dma_wait3A_1101 = arith.constant 0 : i32
    %dma_wait3A_1102 = tpu.memref_slice %arg6[%add3A_1008, %dma_wait3A_1101] : memref<409600x64xf32, #tpu.memory_space<hbm>> -> memref<640x64xf32, #tpu.memory_space<hbm>>
    %dma_wait3A_1103 = arith.constant 0 : i32
    %dma_wait3A_1104 = tpu.memref_slice %arg6[%add3A_1008, %dma_wait3A_1103] : memref<409600x64xf32, #tpu.memory_space<hbm>> -> memref<640x64xf32, #tpu.memory_space<hbm>>
    %dma_wait3A_1105 = arith.constant 0 : i32
    %dma_wait3A_1106 = arith.constant 0 : i32
    %dma_wait3A_1107 = tpu.memref_slice %arg10[%dma_wait3A_1096, %dma_wait3A_1105, %dma_wait3A_1106] : memref<2x640x64xf32, #tpu.memory_space<vmem>> -> memref<1x640x64xf32, #tpu.memory_space<vmem>>
    %dma_wait3A_1108 = tpu.memref_squeeze %dma_wait3A_1107 : memref<1x640x64xf32, #tpu.memory_space<vmem>> -> memref<640x64xf32, #tpu.memory_space<vmem>>
    tpu.wait_dma2 semaphore(%arg13 : memref<!tpu.dma_semaphore, #tpu.memory_space<semaphore_mem>>) src(%dma_wait3A_1108 : memref<640x64xf32, #tpu.memory_space<vmem>>) dst(%dma_wait3A_1104 : memref<640x64xf32, #tpu.memory_space<hbm>>)
    %dma_start3A_1109 = arith.constant 1 : i32
    %dma_start3A_1110 = arith.constant 0 : i32
    %dma_start3A_1111 = arith.constant 0 : i32
    %dma_start3A_1112 = tpu.memref_slice %arg10[%dma_start3A_1109, %dma_start3A_1110, %dma_start3A_1111] : memref<2x640x64xf32, #tpu.memory_space<vmem>> -> memref<1x320x64xf32, #tpu.memory_space<vmem>>
    %dma_start3A_1113 = tpu.memref_squeeze %dma_start3A_1112 : memref<1x320x64xf32, #tpu.memory_space<vmem>> -> memref<320x64xf32, #tpu.memory_space<vmem>>
    %dma_start3A_1114 = arith.constant 9600 : i32
    %dma_start3A_1115 = tpu.memref_slice %arg9[%dma_start3A_1114] : memref<12800xi32, #tpu.memory_space<vmem>> -> memref<320xi32, #tpu.memory_space<vmem>>
    %dma_start3A_1116 = arith.constant 0 : i32
    %dma_start3A_1117 = arith.constant 0 : i32
    %dma_start3A_1118 = tpu.memref_slice %arg11[%dma_start3A_1116, %dma_start3A_1117] : memref<2000x64xf32, #tpu.memory_space<vmem_shared>> -> memref<2000x64xf32, #tpu.memory_space<vmem_shared>>
    tpu.enqueue_indirect_dma source(%dma_start3A_1118 : memref<2000x64xf32, #tpu.memory_space<vmem_shared>>) target(%dma_start3A_1113 : memref<320x64xf32, #tpu.memory_space<vmem>>) offsets(%dma_start3A_1115 : memref<320xi32, #tpu.memory_space<vmem>>) semaphore(%arg12 : memref<!tpu.dma_semaphore, #tpu.memory_space<semaphore_mem>>)
    %dma_start3A_1119 = arith.constant 1 : i32
    %dma_start3A_1120 = arith.constant 320 : i32
    %dma_start3A_1121 = arith.constant 0 : i32
    %dma_start3A_1122 = tpu.memref_slice %arg10[%dma_start3A_1119, %dma_start3A_1120, %dma_start3A_1121] : memref<2x640x64xf32, #tpu.memory_space<vmem>> -> memref<1x320x64xf32, #tpu.memory_space<vmem>>
    %dma_start3A_1123 = tpu.memref_squeeze %dma_start3A_1122 : memref<1x320x64xf32, #tpu.memory_space<vmem>> -> memref<320x64xf32, #tpu.memory_space<vmem>>
    %dma_start3A_1124 = arith.constant 9920 : i32
    %dma_start3A_1125 = tpu.memref_slice %arg9[%dma_start3A_1124] : memref<12800xi32, #tpu.memory_space<vmem>> -> memref<320xi32, #tpu.memory_space<vmem>>
    %dma_start3A_1126 = arith.constant 0 : i32
    %dma_start3A_1127 = arith.constant 0 : i32
    %dma_start3A_1128 = tpu.memref_slice %arg11[%dma_start3A_1126, %dma_start3A_1127] : memref<2000x64xf32, #tpu.memory_space<vmem_shared>> -> memref<2000x64xf32, #tpu.memory_space<vmem_shared>>
    tpu.enqueue_indirect_dma source(%dma_start3A_1128 : memref<2000x64xf32, #tpu.memory_space<vmem_shared>>) target(%dma_start3A_1123 : memref<320x64xf32, #tpu.memory_space<vmem>>) offsets(%dma_start3A_1125 : memref<320xi32, #tpu.memory_space<vmem>>) semaphore(%arg12 : memref<!tpu.dma_semaphore, #tpu.memory_space<semaphore_mem>>)
    %scan3A_1129 = arith.constant 0 : i32
    %scan3A_1130 = arith.constant 320 : i32
    %scan3A_1131 = arith.constant 20 : i32
    %scan3A_1132 = arith.addi %scan3A_1130, %scan3A_1131 : i32
    %scan3A_1133 = arith.constant 1 : i32
    scf.for %scan3A_1486 = %scan3A_1130 to %scan3A_1132 step %scan3A_1133  : i32 {
      %mul3A_1487 = arith.constant 16 : i32
      %mul3A_1488 = arith.muli %scan3A_1486, %mul3A_1487 : i32
      %get3A = arith.index_cast %mul3A_1488 : i32 to index
      %get3A_1489 = tpu.vector_load %arg7[%get3A] {strides = array<i32>} : memref<6400xi32, #tpu.memory_space<vmem>>, vector<16xi32>,
      %mul3A_1490 = arith.constant 16 : i32
      %mul3A_1491 = arith.muli %scan3A_1486, %mul3A_1490 : i32
      %get3A_1492 = arith.index_cast %mul3A_1491 : i32 to index
      %get3A_1493 = tpu.vector_load %arg8[%get3A_1492] {strides = array<i32>} : memref<6400xi32, #tpu.memory_space<vmem>>, vector<16xi32>,
      %add3A_1494 = arith.constant 1000 : i32
      %add3A_1495 = vector.broadcast %add3A_1494 : i32 to vector<16xi32>
      %add3A_1496 = arith.addi %get3A_1493, %add3A_1495 : vector<16xi32>
      %mul3A_1497 = arith.constant 32 : i32
      %mul3A_1498 = arith.muli %mul3A_1497, %scan3A_1486 : i32
      %iota3A = tpu.iota {dimensions = array<i32: 0>} : vector<16xi32>
      %mul3A_1499 = arith.constant 2 : i32
      %mul3A_1500 = vector.broadcast %mul3A_1499 : i32 to vector<16xi32>
      %mul3A_1501 = arith.muli %mul3A_1500, %iota3A : vector<16xi32>
      %add3A_1502 = vector.broadcast %mul3A_1498 : i32 to vector<16xi32>
      %add3A_1503 = arith.addi %add3A_1502, %mul3A_1501 : vector<16xi32>
      tpu.vector_store_idx %arg9[%add3A_1503], %get3A_1489 : memref<12800xi32, #tpu.memory_space<vmem>>[vector<16xi32>], vector<16xi32>,
      %add3A_1504 = arith.constant 1 : i32
      %add3A_1505 = vector.broadcast %add3A_1504 : i32 to vector<16xi32>
      %add3A_1506 = arith.addi %add3A_1503, %add3A_1505 : vector<16xi32>
      tpu.vector_store_idx %arg9[%add3A_1506], %add3A_1496 : memref<12800xi32, #tpu.memory_space<vmem>>[vector<16xi32>], vector<16xi32>,
    }
    %scan3A_1134 = arith.constant 20 : i32
    %dma_wait3A_1135 = arith.constant 1 : i32
    %dma_wait3A_1136 = arith.constant 0 : i32
    %dma_wait3A_1137 = arith.constant 0 : i32
    %dma_wait3A_1138 = tpu.memref_slice %arg10[%dma_wait3A_1135, %dma_wait3A_1136, %dma_wait3A_1137] : memref<2x640x64xf32, #tpu.memory_space<vmem>> -> memref<1x320x64xf32, #tpu.memory_space<vmem>>
    %dma_wait3A_1139 = tpu.memref_squeeze %dma_wait3A_1138 : memref<1x320x64xf32, #tpu.memory_space<vmem>> -> memref<320x64xf32, #tpu.memory_space<vmem>>
    %dma_wait3A_1140 = arith.constant 9600 : i32
    %dma_wait3A_1141 = tpu.memref_slice %arg9[%dma_wait3A_1140] : memref<12800xi32, #tpu.memory_space<vmem>> -> memref<320xi32, #tpu.memory_space<vmem>>
    %dma_wait3A_1142 = arith.constant 0 : i32
    %dma_wait3A_1143 = arith.constant 0 : i32
    %dma_wait3A_1144 = tpu.memref_slice %arg11[%dma_wait3A_1142, %dma_wait3A_1143] : memref<2000x64xf32, #tpu.memory_space<vmem_shared>> -> memref<2000x64xf32, #tpu.memory_space<vmem_shared>>
    tpu.wait_indirect_dma semaphore(%arg12 : memref<!tpu.dma_semaphore, #tpu.memory_space<semaphore_mem>>) src(%dma_wait3A_1144 : memref<2000x64xf32, #tpu.memory_space<vmem_shared>>) dst(%dma_wait3A_1139 : memref<320x64xf32, #tpu.memory_space<vmem>>)
    %dma_wait3A_1145 = arith.constant 1 : i32
    %dma_wait3A_1146 = arith.constant 320 : i32
    %dma_wait3A_1147 = arith.constant 0 : i32
    %dma_wait3A_1148 = tpu.memref_slice %arg10[%dma_wait3A_1145, %dma_wait3A_1146, %dma_wait3A_1147] : memref<2x640x64xf32, #tpu.memory_space<vmem>> -> memref<1x320x64xf32, #tpu.memory_space<vmem>>
    %dma_wait3A_1149 = tpu.memref_squeeze %dma_wait3A_1148 : memref<1x320x64xf32, #tpu.memory_space<vmem>> -> memref<320x64xf32, #tpu.memory_space<vmem>>
    %dma_wait3A_1150 = arith.constant 9920 : i32
    %dma_wait3A_1151 = tpu.memref_slice %arg9[%dma_wait3A_1150] : memref<12800xi32, #tpu.memory_space<vmem>> -> memref<320xi32, #tpu.memory_space<vmem>>
    %dma_wait3A_1152 = arith.constant 0 : i32
    %dma_wait3A_1153 = arith.constant 0 : i32
    %dma_wait3A_1154 = tpu.memref_slice %arg11[%dma_wait3A_1152, %dma_wait3A_1153] : memref<2000x64xf32, #tpu.memory_space<vmem_shared>> -> memref<2000x64xf32, #tpu.memory_space<vmem_shared>>
    tpu.wait_indirect_dma semaphore(%arg12 : memref<!tpu.dma_semaphore, #tpu.memory_space<semaphore_mem>>) src(%dma_wait3A_1154 : memref<2000x64xf32, #tpu.memory_space<vmem_shared>>) dst(%dma_wait3A_1149 : memref<320x64xf32, #tpu.memory_space<vmem>>)
    %add3A_1155 = arith.constant 9600 : i32
    %add3A_1156 = arith.addi %mul3A_13, %add3A_1155 : i32
    %dma_start3A_1157 = arith.constant 1 : i32
    %dma_start3A_1158 = arith.constant 0 : i32
    %dma_start3A_1159 = arith.constant 0 : i32
    %dma_start3A_1160 = tpu.memref_slice %arg10[%dma_start3A_1157, %dma_start3A_1158, %dma_start3A_1159] : memref<2x640x64xf32, #tpu.memory_space<vmem>> -> memref<1x640x64xf32, #tpu.memory_space<vmem>>
    %dma_start3A_1161 = tpu.memref_squeeze %dma_start3A_1160 : memref<1x640x64xf32, #tpu.memory_space<vmem>> -> memref<640x64xf32, #tpu.memory_space<vmem>>
    %dma_start3A_1162 = arith.constant 0 : i32
    %dma_start3A_1163 = tpu.memref_slice %arg6[%add3A_1156, %dma_start3A_1162] : memref<409600x64xf32, #tpu.memory_space<hbm>> -> memref<640x64xf32, #tpu.memory_space<hbm>>
    %dma_start3A_1164 = arith.constant 0 : i32
    %dma_start3A_1165 = tpu.memref_slice %arg6[%add3A_1156, %dma_start3A_1164] : memref<409600x64xf32, #tpu.memory_space<hbm>> -> memref<640x64xf32, #tpu.memory_space<hbm>>
    %dma_start3A_1166 = arith.constant 0 : i32
    %dma_start3A_1167 = arith.constant 0 : i32
    %dma_start3A_1168 = tpu.memref_slice %arg10[%dma_start3A_1157, %dma_start3A_1166, %dma_start3A_1167] : memref<2x640x64xf32, #tpu.memory_space<vmem>> -> memref<1x640x64xf32, #tpu.memory_space<vmem>>
    %dma_start3A_1169 = tpu.memref_squeeze %dma_start3A_1168 : memref<1x640x64xf32, #tpu.memory_space<vmem>> -> memref<640x64xf32, #tpu.memory_space<vmem>>
    tpu.enqueue_dma source(%dma_start3A_1169 : memref<640x64xf32, #tpu.memory_space<vmem>>) target(%dma_start3A_1165 : memref<640x64xf32, #tpu.memory_space<hbm>>) target_semaphore(%arg13 : memref<!tpu.dma_semaphore, #tpu.memory_space<semaphore_mem>>)
    %dma_wait3A_1170 = arith.constant 0 : i32
    %dma_wait3A_1171 = arith.constant 0 : i32
    %dma_wait3A_1172 = arith.constant 0 : i32
    %dma_wait3A_1173 = tpu.memref_slice %arg10[%dma_wait3A_1170, %dma_wait3A_1171, %dma_wait3A_1172] : memref<2x640x64xf32, #tpu.memory_space<vmem>> -> memref<1x640x64xf32, #tpu.memory_space<vmem>>
    %dma_wait3A_1174 = tpu.memref_squeeze %dma_wait3A_1173 : memref<1x640x64xf32, #tpu.memory_space<vmem>> -> memref<640x64xf32, #tpu.memory_space<vmem>>
    %dma_wait3A_1175 = arith.constant 0 : i32
    %dma_wait3A_1176 = tpu.memref_slice %arg6[%add3A_1082, %dma_wait3A_1175] : memref<409600x64xf32, #tpu.memory_space<hbm>> -> memref<640x64xf32, #tpu.memory_space<hbm>>
    %dma_wait3A_1177 = arith.constant 0 : i32
    %dma_wait3A_1178 = tpu.memref_slice %arg6[%add3A_1082, %dma_wait3A_1177] : memref<409600x64xf32, #tpu.memory_space<hbm>> -> memref<640x64xf32, #tpu.memory_space<hbm>>
    %dma_wait3A_1179 = arith.constant 0 : i32
    %dma_wait3A_1180 = arith.constant 0 : i32
    %dma_wait3A_1181 = tpu.memref_slice %arg10[%dma_wait3A_1170, %dma_wait3A_1179, %dma_wait3A_1180] : memref<2x640x64xf32, #tpu.memory_space<vmem>> -> memref<1x640x64xf32, #tpu.memory_space<vmem>>
    %dma_wait3A_1182 = tpu.memref_squeeze %dma_wait3A_1181 : memref<1x640x64xf32, #tpu.memory_space<vmem>> -> memref<640x64xf32, #tpu.memory_space<vmem>>
    tpu.wait_dma2 semaphore(%arg13 : memref<!tpu.dma_semaphore, #tpu.memory_space<semaphore_mem>>) src(%dma_wait3A_1182 : memref<640x64xf32, #tpu.memory_space<vmem>>) dst(%dma_wait3A_1178 : memref<640x64xf32, #tpu.memory_space<hbm>>)
    %dma_start3A_1183 = arith.constant 0 : i32
    %dma_start3A_1184 = arith.constant 0 : i32
    %dma_start3A_1185 = arith.constant 0 : i32
    %dma_start3A_1186 = tpu.memref_slice %arg10[%dma_start3A_1183, %dma_start3A_1184, %dma_start3A_1185] : memref<2x640x64xf32, #tpu.memory_space<vmem>> -> memref<1x320x64xf32, #tpu.memory_space<vmem>>
    %dma_start3A_1187 = tpu.memref_squeeze %dma_start3A_1186 : memref<1x320x64xf32, #tpu.memory_space<vmem>> -> memref<320x64xf32, #tpu.memory_space<vmem>>
    %dma_start3A_1188 = arith.constant 10240 : i32
    %dma_start3A_1189 = tpu.memref_slice %arg9[%dma_start3A_1188] : memref<12800xi32, #tpu.memory_space<vmem>> -> memref<320xi32, #tpu.memory_space<vmem>>
    %dma_start3A_1190 = arith.constant 0 : i32
    %dma_start3A_1191 = arith.constant 0 : i32
    %dma_start3A_1192 = tpu.memref_slice %arg11[%dma_start3A_1190, %dma_start3A_1191] : memref<2000x64xf32, #tpu.memory_space<vmem_shared>> -> memref<2000x64xf32, #tpu.memory_space<vmem_shared>>
    tpu.enqueue_indirect_dma source(%dma_start3A_1192 : memref<2000x64xf32, #tpu.memory_space<vmem_shared>>) target(%dma_start3A_1187 : memref<320x64xf32, #tpu.memory_space<vmem>>) offsets(%dma_start3A_1189 : memref<320xi32, #tpu.memory_space<vmem>>) semaphore(%arg12 : memref<!tpu.dma_semaphore, #tpu.memory_space<semaphore_mem>>)
    %dma_start3A_1193 = arith.constant 0 : i32
    %dma_start3A_1194 = arith.constant 320 : i32
    %dma_start3A_1195 = arith.constant 0 : i32
    %dma_start3A_1196 = tpu.memref_slice %arg10[%dma_start3A_1193, %dma_start3A_1194, %dma_start3A_1195] : memref<2x640x64xf32, #tpu.memory_space<vmem>> -> memref<1x320x64xf32, #tpu.memory_space<vmem>>
    %dma_start3A_1197 = tpu.memref_squeeze %dma_start3A_1196 : memref<1x320x64xf32, #tpu.memory_space<vmem>> -> memref<320x64xf32, #tpu.memory_space<vmem>>
    %dma_start3A_1198 = arith.constant 10560 : i32
    %dma_start3A_1199 = tpu.memref_slice %arg9[%dma_start3A_1198] : memref<12800xi32, #tpu.memory_space<vmem>> -> memref<320xi32, #tpu.memory_space<vmem>>
    %dma_start3A_1200 = arith.constant 0 : i32
    %dma_start3A_1201 = arith.constant 0 : i32
    %dma_start3A_1202 = tpu.memref_slice %arg11[%dma_start3A_1200, %dma_start3A_1201] : memref<2000x64xf32, #tpu.memory_space<vmem_shared>> -> memref<2000x64xf32, #tpu.memory_space<vmem_shared>>
    tpu.enqueue_indirect_dma source(%dma_start3A_1202 : memref<2000x64xf32, #tpu.memory_space<vmem_shared>>) target(%dma_start3A_1197 : memref<320x64xf32, #tpu.memory_space<vmem>>) offsets(%dma_start3A_1199 : memref<320xi32, #tpu.memory_space<vmem>>) semaphore(%arg12 : memref<!tpu.dma_semaphore, #tpu.memory_space<semaphore_mem>>)
    %scan3A_1203 = arith.constant 0 : i32
    %scan3A_1204 = arith.constant 340 : i32
    %scan3A_1205 = arith.constant 20 : i32
    %scan3A_1206 = arith.addi %scan3A_1204, %scan3A_1205 : i32
    %scan3A_1207 = arith.constant 1 : i32
    scf.for %scan3A_1486 = %scan3A_1204 to %scan3A_1206 step %scan3A_1207  : i32 {
      %mul3A_1487 = arith.constant 16 : i32
      %mul3A_1488 = arith.muli %scan3A_1486, %mul3A_1487 : i32
      %get3A = arith.index_cast %mul3A_1488 : i32 to index
      %get3A_1489 = tpu.vector_load %arg7[%get3A] {strides = array<i32>} : memref<6400xi32, #tpu.memory_space<vmem>>, vector<16xi32>,
      %mul3A_1490 = arith.constant 16 : i32
      %mul3A_1491 = arith.muli %scan3A_1486, %mul3A_1490 : i32
      %get3A_1492 = arith.index_cast %mul3A_1491 : i32 to index
      %get3A_1493 = tpu.vector_load %arg8[%get3A_1492] {strides = array<i32>} : memref<6400xi32, #tpu.memory_space<vmem>>, vector<16xi32>,
      %add3A_1494 = arith.constant 1000 : i32
      %add3A_1495 = vector.broadcast %add3A_1494 : i32 to vector<16xi32>
      %add3A_1496 = arith.addi %get3A_1493, %add3A_1495 : vector<16xi32>
      %mul3A_1497 = arith.constant 32 : i32
      %mul3A_1498 = arith.muli %mul3A_1497, %scan3A_1486 : i32
      %iota3A = tpu.iota {dimensions = array<i32: 0>} : vector<16xi32>
      %mul3A_1499 = arith.constant 2 : i32
      %mul3A_1500 = vector.broadcast %mul3A_1499 : i32 to vector<16xi32>
      %mul3A_1501 = arith.muli %mul3A_1500, %iota3A : vector<16xi32>
      %add3A_1502 = vector.broadcast %mul3A_1498 : i32 to vector<16xi32>
      %add3A_1503 = arith.addi %add3A_1502, %mul3A_1501 : vector<16xi32>
      tpu.vector_store_idx %arg9[%add3A_1503], %get3A_1489 : memref<12800xi32, #tpu.memory_space<vmem>>[vector<16xi32>], vector<16xi32>,
      %add3A_1504 = arith.constant 1 : i32
      %add3A_1505 = vector.broadcast %add3A_1504 : i32 to vector<16xi32>
      %add3A_1506 = arith.addi %add3A_1503, %add3A_1505 : vector<16xi32>
      tpu.vector_store_idx %arg9[%add3A_1506], %add3A_1496 : memref<12800xi32, #tpu.memory_space<vmem>>[vector<16xi32>], vector<16xi32>,
    }
    %scan3A_1208 = arith.constant 20 : i32
    %dma_wait3A_1209 = arith.constant 0 : i32
    %dma_wait3A_1210 = arith.constant 0 : i32
    %dma_wait3A_1211 = arith.constant 0 : i32
    %dma_wait3A_1212 = tpu.memref_slice %arg10[%dma_wait3A_1209, %dma_wait3A_1210, %dma_wait3A_1211] : memref<2x640x64xf32, #tpu.memory_space<vmem>> -> memref<1x320x64xf32, #tpu.memory_space<vmem>>
    %dma_wait3A_1213 = tpu.memref_squeeze %dma_wait3A_1212 : memref<1x320x64xf32, #tpu.memory_space<vmem>> -> memref<320x64xf32, #tpu.memory_space<vmem>>
    %dma_wait3A_1214 = arith.constant 10240 : i32
    %dma_wait3A_1215 = tpu.memref_slice %arg9[%dma_wait3A_1214] : memref<12800xi32, #tpu.memory_space<vmem>> -> memref<320xi32, #tpu.memory_space<vmem>>
    %dma_wait3A_1216 = arith.constant 0 : i32
    %dma_wait3A_1217 = arith.constant 0 : i32
    %dma_wait3A_1218 = tpu.memref_slice %arg11[%dma_wait3A_1216, %dma_wait3A_1217] : memref<2000x64xf32, #tpu.memory_space<vmem_shared>> -> memref<2000x64xf32, #tpu.memory_space<vmem_shared>>
    tpu.wait_indirect_dma semaphore(%arg12 : memref<!tpu.dma_semaphore, #tpu.memory_space<semaphore_mem>>) src(%dma_wait3A_1218 : memref<2000x64xf32, #tpu.memory_space<vmem_shared>>) dst(%dma_wait3A_1213 : memref<320x64xf32, #tpu.memory_space<vmem>>)
    %dma_wait3A_1219 = arith.constant 0 : i32
    %dma_wait3A_1220 = arith.constant 320 : i32
    %dma_wait3A_1221 = arith.constant 0 : i32
    %dma_wait3A_1222 = tpu.memref_slice %arg10[%dma_wait3A_1219, %dma_wait3A_1220, %dma_wait3A_1221] : memref<2x640x64xf32, #tpu.memory_space<vmem>> -> memref<1x320x64xf32, #tpu.memory_space<vmem>>
    %dma_wait3A_1223 = tpu.memref_squeeze %dma_wait3A_1222 : memref<1x320x64xf32, #tpu.memory_space<vmem>> -> memref<320x64xf32, #tpu.memory_space<vmem>>
    %dma_wait3A_1224 = arith.constant 10560 : i32
    %dma_wait3A_1225 = tpu.memref_slice %arg9[%dma_wait3A_1224] : memref<12800xi32, #tpu.memory_space<vmem>> -> memref<320xi32, #tpu.memory_space<vmem>>
    %dma_wait3A_1226 = arith.constant 0 : i32
    %dma_wait3A_1227 = arith.constant 0 : i32
    %dma_wait3A_1228 = tpu.memref_slice %arg11[%dma_wait3A_1226, %dma_wait3A_1227] : memref<2000x64xf32, #tpu.memory_space<vmem_shared>> -> memref<2000x64xf32, #tpu.memory_space<vmem_shared>>
    tpu.wait_indirect_dma semaphore(%arg12 : memref<!tpu.dma_semaphore, #tpu.memory_space<semaphore_mem>>) src(%dma_wait3A_1228 : memref<2000x64xf32, #tpu.memory_space<vmem_shared>>) dst(%dma_wait3A_1223 : memref<320x64xf32, #tpu.memory_space<vmem>>)
    %add3A_1229 = arith.constant 10240 : i32
    %add3A_1230 = arith.addi %mul3A_13, %add3A_1229 : i32
    %dma_start3A_1231 = arith.constant 0 : i32
    %dma_start3A_1232 = arith.constant 0 : i32
    %dma_start3A_1233 = arith.constant 0 : i32
    %dma_start3A_1234 = tpu.memref_slice %arg10[%dma_start3A_1231, %dma_start3A_1232, %dma_start3A_1233] : memref<2x640x64xf32, #tpu.memory_space<vmem>> -> memref<1x640x64xf32, #tpu.memory_space<vmem>>
    %dma_start3A_1235 = tpu.memref_squeeze %dma_start3A_1234 : memref<1x640x64xf32, #tpu.memory_space<vmem>> -> memref<640x64xf32, #tpu.memory_space<vmem>>
    %dma_start3A_1236 = arith.constant 0 : i32
    %dma_start3A_1237 = tpu.memref_slice %arg6[%add3A_1230, %dma_start3A_1236] : memref<409600x64xf32, #tpu.memory_space<hbm>> -> memref<640x64xf32, #tpu.memory_space<hbm>>
    %dma_start3A_1238 = arith.constant 0 : i32
    %dma_start3A_1239 = tpu.memref_slice %arg6[%add3A_1230, %dma_start3A_1238] : memref<409600x64xf32, #tpu.memory_space<hbm>> -> memref<640x64xf32, #tpu.memory_space<hbm>>
    %dma_start3A_1240 = arith.constant 0 : i32
    %dma_start3A_1241 = arith.constant 0 : i32
    %dma_start3A_1242 = tpu.memref_slice %arg10[%dma_start3A_1231, %dma_start3A_1240, %dma_start3A_1241] : memref<2x640x64xf32, #tpu.memory_space<vmem>> -> memref<1x640x64xf32, #tpu.memory_space<vmem>>
    %dma_start3A_1243 = tpu.memref_squeeze %dma_start3A_1242 : memref<1x640x64xf32, #tpu.memory_space<vmem>> -> memref<640x64xf32, #tpu.memory_space<vmem>>
    tpu.enqueue_dma source(%dma_start3A_1243 : memref<640x64xf32, #tpu.memory_space<vmem>>) target(%dma_start3A_1239 : memref<640x64xf32, #tpu.memory_space<hbm>>) target_semaphore(%arg13 : memref<!tpu.dma_semaphore, #tpu.memory_space<semaphore_mem>>)
    %dma_wait3A_1244 = arith.constant 1 : i32
    %dma_wait3A_1245 = arith.constant 0 : i32
    %dma_wait3A_1246 = arith.constant 0 : i32
    %dma_wait3A_1247 = tpu.memref_slice %arg10[%dma_wait3A_1244, %dma_wait3A_1245, %dma_wait3A_1246] : memref<2x640x64xf32, #tpu.memory_space<vmem>> -> memref<1x640x64xf32, #tpu.memory_space<vmem>>
    %dma_wait3A_1248 = tpu.memref_squeeze %dma_wait3A_1247 : memref<1x640x64xf32, #tpu.memory_space<vmem>> -> memref<640x64xf32, #tpu.memory_space<vmem>>
    %dma_wait3A_1249 = arith.constant 0 : i32
    %dma_wait3A_1250 = tpu.memref_slice %arg6[%add3A_1156, %dma_wait3A_1249] : memref<409600x64xf32, #tpu.memory_space<hbm>> -> memref<640x64xf32, #tpu.memory_space<hbm>>
    %dma_wait3A_1251 = arith.constant 0 : i32
    %dma_wait3A_1252 = tpu.memref_slice %arg6[%add3A_1156, %dma_wait3A_1251] : memref<409600x64xf32, #tpu.memory_space<hbm>> -> memref<640x64xf32, #tpu.memory_space<hbm>>
    %dma_wait3A_1253 = arith.constant 0 : i32
    %dma_wait3A_1254 = arith.constant 0 : i32
    %dma_wait3A_1255 = tpu.memref_slice %arg10[%dma_wait3A_1244, %dma_wait3A_1253, %dma_wait3A_1254] : memref<2x640x64xf32, #tpu.memory_space<vmem>> -> memref<1x640x64xf32, #tpu.memory_space<vmem>>
    %dma_wait3A_1256 = tpu.memref_squeeze %dma_wait3A_1255 : memref<1x640x64xf32, #tpu.memory_space<vmem>> -> memref<640x64xf32, #tpu.memory_space<vmem>>
    tpu.wait_dma2 semaphore(%arg13 : memref<!tpu.dma_semaphore, #tpu.memory_space<semaphore_mem>>) src(%dma_wait3A_1256 : memref<640x64xf32, #tpu.memory_space<vmem>>) dst(%dma_wait3A_1252 : memref<640x64xf32, #tpu.memory_space<hbm>>)
    %dma_start3A_1257 = arith.constant 1 : i32
    %dma_start3A_1258 = arith.constant 0 : i32
    %dma_start3A_1259 = arith.constant 0 : i32
    %dma_start3A_1260 = tpu.memref_slice %arg10[%dma_start3A_1257, %dma_start3A_1258, %dma_start3A_1259] : memref<2x640x64xf32, #tpu.memory_space<vmem>> -> memref<1x320x64xf32, #tpu.memory_space<vmem>>
    %dma_start3A_1261 = tpu.memref_squeeze %dma_start3A_1260 : memref<1x320x64xf32, #tpu.memory_space<vmem>> -> memref<320x64xf32, #tpu.memory_space<vmem>>
    %dma_start3A_1262 = arith.constant 10880 : i32
    %dma_start3A_1263 = tpu.memref_slice %arg9[%dma_start3A_1262] : memref<12800xi32, #tpu.memory_space<vmem>> -> memref<320xi32, #tpu.memory_space<vmem>>
    %dma_start3A_1264 = arith.constant 0 : i32
    %dma_start3A_1265 = arith.constant 0 : i32
    %dma_start3A_1266 = tpu.memref_slice %arg11[%dma_start3A_1264, %dma_start3A_1265] : memref<2000x64xf32, #tpu.memory_space<vmem_shared>> -> memref<2000x64xf32, #tpu.memory_space<vmem_shared>>
    tpu.enqueue_indirect_dma source(%dma_start3A_1266 : memref<2000x64xf32, #tpu.memory_space<vmem_shared>>) target(%dma_start3A_1261 : memref<320x64xf32, #tpu.memory_space<vmem>>) offsets(%dma_start3A_1263 : memref<320xi32, #tpu.memory_space<vmem>>) semaphore(%arg12 : memref<!tpu.dma_semaphore, #tpu.memory_space<semaphore_mem>>)
    %dma_start3A_1267 = arith.constant 1 : i32
    %dma_start3A_1268 = arith.constant 320 : i32
    %dma_start3A_1269 = arith.constant 0 : i32
    %dma_start3A_1270 = tpu.memref_slice %arg10[%dma_start3A_1267, %dma_start3A_1268, %dma_start3A_1269] : memref<2x640x64xf32, #tpu.memory_space<vmem>> -> memref<1x320x64xf32, #tpu.memory_space<vmem>>
    %dma_start3A_1271 = tpu.memref_squeeze %dma_start3A_1270 : memref<1x320x64xf32, #tpu.memory_space<vmem>> -> memref<320x64xf32, #tpu.memory_space<vmem>>
    %dma_start3A_1272 = arith.constant 11200 : i32
    %dma_start3A_1273 = tpu.memref_slice %arg9[%dma_start3A_1272] : memref<12800xi32, #tpu.memory_space<vmem>> -> memref<320xi32, #tpu.memory_space<vmem>>
    %dma_start3A_1274 = arith.constant 0 : i32
    %dma_start3A_1275 = arith.constant 0 : i32
    %dma_start3A_1276 = tpu.memref_slice %arg11[%dma_start3A_1274, %dma_start3A_1275] : memref<2000x64xf32, #tpu.memory_space<vmem_shared>> -> memref<2000x64xf32, #tpu.memory_space<vmem_shared>>
    tpu.enqueue_indirect_dma source(%dma_start3A_1276 : memref<2000x64xf32, #tpu.memory_space<vmem_shared>>) target(%dma_start3A_1271 : memref<320x64xf32, #tpu.memory_space<vmem>>) offsets(%dma_start3A_1273 : memref<320xi32, #tpu.memory_space<vmem>>) semaphore(%arg12 : memref<!tpu.dma_semaphore, #tpu.memory_space<semaphore_mem>>)
    %scan3A_1277 = arith.constant 0 : i32
    %scan3A_1278 = arith.constant 360 : i32
    %scan3A_1279 = arith.constant 20 : i32
    %scan3A_1280 = arith.addi %scan3A_1278, %scan3A_1279 : i32
    %scan3A_1281 = arith.constant 1 : i32
    scf.for %scan3A_1486 = %scan3A_1278 to %scan3A_1280 step %scan3A_1281  : i32 {
      %mul3A_1487 = arith.constant 16 : i32
      %mul3A_1488 = arith.muli %scan3A_1486, %mul3A_1487 : i32
      %get3A = arith.index_cast %mul3A_1488 : i32 to index
      %get3A_1489 = tpu.vector_load %arg7[%get3A] {strides = array<i32>} : memref<6400xi32, #tpu.memory_space<vmem>>, vector<16xi32>,
      %mul3A_1490 = arith.constant 16 : i32
      %mul3A_1491 = arith.muli %scan3A_1486, %mul3A_1490 : i32
      %get3A_1492 = arith.index_cast %mul3A_1491 : i32 to index
      %get3A_1493 = tpu.vector_load %arg8[%get3A_1492] {strides = array<i32>} : memref<6400xi32, #tpu.memory_space<vmem>>, vector<16xi32>,
      %add3A_1494 = arith.constant 1000 : i32
      %add3A_1495 = vector.broadcast %add3A_1494 : i32 to vector<16xi32>
      %add3A_1496 = arith.addi %get3A_1493, %add3A_1495 : vector<16xi32>
      %mul3A_1497 = arith.constant 32 : i32
      %mul3A_1498 = arith.muli %mul3A_1497, %scan3A_1486 : i32
      %iota3A = tpu.iota {dimensions = array<i32: 0>} : vector<16xi32>
      %mul3A_1499 = arith.constant 2 : i32
      %mul3A_1500 = vector.broadcast %mul3A_1499 : i32 to vector<16xi32>
      %mul3A_1501 = arith.muli %mul3A_1500, %iota3A : vector<16xi32>
      %add3A_1502 = vector.broadcast %mul3A_1498 : i32 to vector<16xi32>
      %add3A_1503 = arith.addi %add3A_1502, %mul3A_1501 : vector<16xi32>
      tpu.vector_store_idx %arg9[%add3A_1503], %get3A_1489 : memref<12800xi32, #tpu.memory_space<vmem>>[vector<16xi32>], vector<16xi32>,
      %add3A_1504 = arith.constant 1 : i32
      %add3A_1505 = vector.broadcast %add3A_1504 : i32 to vector<16xi32>
      %add3A_1506 = arith.addi %add3A_1503, %add3A_1505 : vector<16xi32>
      tpu.vector_store_idx %arg9[%add3A_1506], %add3A_1496 : memref<12800xi32, #tpu.memory_space<vmem>>[vector<16xi32>], vector<16xi32>,
    }
    %scan3A_1282 = arith.constant 20 : i32
    %dma_wait3A_1283 = arith.constant 1 : i32
    %dma_wait3A_1284 = arith.constant 0 : i32
    %dma_wait3A_1285 = arith.constant 0 : i32
    %dma_wait3A_1286 = tpu.memref_slice %arg10[%dma_wait3A_1283, %dma_wait3A_1284, %dma_wait3A_1285] : memref<2x640x64xf32, #tpu.memory_space<vmem>> -> memref<1x320x64xf32, #tpu.memory_space<vmem>>
    %dma_wait3A_1287 = tpu.memref_squeeze %dma_wait3A_1286 : memref<1x320x64xf32, #tpu.memory_space<vmem>> -> memref<320x64xf32, #tpu.memory_space<vmem>>
    %dma_wait3A_1288 = arith.constant 10880 : i32
    %dma_wait3A_1289 = tpu.memref_slice %arg9[%dma_wait3A_1288] : memref<12800xi32, #tpu.memory_space<vmem>> -> memref<320xi32, #tpu.memory_space<vmem>>
    %dma_wait3A_1290 = arith.constant 0 : i32
    %dma_wait3A_1291 = arith.constant 0 : i32
    %dma_wait3A_1292 = tpu.memref_slice %arg11[%dma_wait3A_1290, %dma_wait3A_1291] : memref<2000x64xf32, #tpu.memory_space<vmem_shared>> -> memref<2000x64xf32, #tpu.memory_space<vmem_shared>>
    tpu.wait_indirect_dma semaphore(%arg12 : memref<!tpu.dma_semaphore, #tpu.memory_space<semaphore_mem>>) src(%dma_wait3A_1292 : memref<2000x64xf32, #tpu.memory_space<vmem_shared>>) dst(%dma_wait3A_1287 : memref<320x64xf32, #tpu.memory_space<vmem>>)
    %dma_wait3A_1293 = arith.constant 1 : i32
    %dma_wait3A_1294 = arith.constant 320 : i32
    %dma_wait3A_1295 = arith.constant 0 : i32
    %dma_wait3A_1296 = tpu.memref_slice %arg10[%dma_wait3A_1293, %dma_wait3A_1294, %dma_wait3A_1295] : memref<2x640x64xf32, #tpu.memory_space<vmem>> -> memref<1x320x64xf32, #tpu.memory_space<vmem>>
    %dma_wait3A_1297 = tpu.memref_squeeze %dma_wait3A_1296 : memref<1x320x64xf32, #tpu.memory_space<vmem>> -> memref<320x64xf32, #tpu.memory_space<vmem>>
    %dma_wait3A_1298 = arith.constant 11200 : i32
    %dma_wait3A_1299 = tpu.memref_slice %arg9[%dma_wait3A_1298] : memref<12800xi32, #tpu.memory_space<vmem>> -> memref<320xi32, #tpu.memory_space<vmem>>
    %dma_wait3A_1300 = arith.constant 0 : i32
    %dma_wait3A_1301 = arith.constant 0 : i32
    %dma_wait3A_1302 = tpu.memref_slice %arg11[%dma_wait3A_1300, %dma_wait3A_1301] : memref<2000x64xf32, #tpu.memory_space<vmem_shared>> -> memref<2000x64xf32, #tpu.memory_space<vmem_shared>>
    tpu.wait_indirect_dma semaphore(%arg12 : memref<!tpu.dma_semaphore, #tpu.memory_space<semaphore_mem>>) src(%dma_wait3A_1302 : memref<2000x64xf32, #tpu.memory_space<vmem_shared>>) dst(%dma_wait3A_1297 : memref<320x64xf32, #tpu.memory_space<vmem>>)
    %add3A_1303 = arith.constant 10880 : i32
    %add3A_1304 = arith.addi %mul3A_13, %add3A_1303 : i32
    %dma_start3A_1305 = arith.constant 1 : i32
    %dma_start3A_1306 = arith.constant 0 : i32
    %dma_start3A_1307 = arith.constant 0 : i32
    %dma_start3A_1308 = tpu.memref_slice %arg10[%dma_start3A_1305, %dma_start3A_1306, %dma_start3A_1307] : memref<2x640x64xf32, #tpu.memory_space<vmem>> -> memref<1x640x64xf32, #tpu.memory_space<vmem>>
    %dma_start3A_1309 = tpu.memref_squeeze %dma_start3A_1308 : memref<1x640x64xf32, #tpu.memory_space<vmem>> -> memref<640x64xf32, #tpu.memory_space<vmem>>
    %dma_start3A_1310 = arith.constant 0 : i32
    %dma_start3A_1311 = tpu.memref_slice %arg6[%add3A_1304, %dma_start3A_1310] : memref<409600x64xf32, #tpu.memory_space<hbm>> -> memref<640x64xf32, #tpu.memory_space<hbm>>
    %dma_start3A_1312 = arith.constant 0 : i32
    %dma_start3A_1313 = tpu.memref_slice %arg6[%add3A_1304, %dma_start3A_1312] : memref<409600x64xf32, #tpu.memory_space<hbm>> -> memref<640x64xf32, #tpu.memory_space<hbm>>
    %dma_start3A_1314 = arith.constant 0 : i32
    %dma_start3A_1315 = arith.constant 0 : i32
    %dma_start3A_1316 = tpu.memref_slice %arg10[%dma_start3A_1305, %dma_start3A_1314, %dma_start3A_1315] : memref<2x640x64xf32, #tpu.memory_space<vmem>> -> memref<1x640x64xf32, #tpu.memory_space<vmem>>
    %dma_start3A_1317 = tpu.memref_squeeze %dma_start3A_1316 : memref<1x640x64xf32, #tpu.memory_space<vmem>> -> memref<640x64xf32, #tpu.memory_space<vmem>>
    tpu.enqueue_dma source(%dma_start3A_1317 : memref<640x64xf32, #tpu.memory_space<vmem>>) target(%dma_start3A_1313 : memref<640x64xf32, #tpu.memory_space<hbm>>) target_semaphore(%arg13 : memref<!tpu.dma_semaphore, #tpu.memory_space<semaphore_mem>>)
    %dma_wait3A_1318 = arith.constant 0 : i32
    %dma_wait3A_1319 = arith.constant 0 : i32
    %dma_wait3A_1320 = arith.constant 0 : i32
    %dma_wait3A_1321 = tpu.memref_slice %arg10[%dma_wait3A_1318, %dma_wait3A_1319, %dma_wait3A_1320] : memref<2x640x64xf32, #tpu.memory_space<vmem>> -> memref<1x640x64xf32, #tpu.memory_space<vmem>>
    %dma_wait3A_1322 = tpu.memref_squeeze %dma_wait3A_1321 : memref<1x640x64xf32, #tpu.memory_space<vmem>> -> memref<640x64xf32, #tpu.memory_space<vmem>>
    %dma_wait3A_1323 = arith.constant 0 : i32
    %dma_wait3A_1324 = tpu.memref_slice %arg6[%add3A_1230, %dma_wait3A_1323] : memref<409600x64xf32, #tpu.memory_space<hbm>> -> memref<640x64xf32, #tpu.memory_space<hbm>>
    %dma_wait3A_1325 = arith.constant 0 : i32
    %dma_wait3A_1326 = tpu.memref_slice %arg6[%add3A_1230, %dma_wait3A_1325] : memref<409600x64xf32, #tpu.memory_space<hbm>> -> memref<640x64xf32, #tpu.memory_space<hbm>>
    %dma_wait3A_1327 = arith.constant 0 : i32
    %dma_wait3A_1328 = arith.constant 0 : i32
    %dma_wait3A_1329 = tpu.memref_slice %arg10[%dma_wait3A_1318, %dma_wait3A_1327, %dma_wait3A_1328] : memref<2x640x64xf32, #tpu.memory_space<vmem>> -> memref<1x640x64xf32, #tpu.memory_space<vmem>>
    %dma_wait3A_1330 = tpu.memref_squeeze %dma_wait3A_1329 : memref<1x640x64xf32, #tpu.memory_space<vmem>> -> memref<640x64xf32, #tpu.memory_space<vmem>>
    tpu.wait_dma2 semaphore(%arg13 : memref<!tpu.dma_semaphore, #tpu.memory_space<semaphore_mem>>) src(%dma_wait3A_1330 : memref<640x64xf32, #tpu.memory_space<vmem>>) dst(%dma_wait3A_1326 : memref<640x64xf32, #tpu.memory_space<hbm>>)
    %dma_start3A_1331 = arith.constant 0 : i32
    %dma_start3A_1332 = arith.constant 0 : i32
    %dma_start3A_1333 = arith.constant 0 : i32
    %dma_start3A_1334 = tpu.memref_slice %arg10[%dma_start3A_1331, %dma_start3A_1332, %dma_start3A_1333] : memref<2x640x64xf32, #tpu.memory_space<vmem>> -> memref<1x320x64xf32, #tpu.memory_space<vmem>>
    %dma_start3A_1335 = tpu.memref_squeeze %dma_start3A_1334 : memref<1x320x64xf32, #tpu.memory_space<vmem>> -> memref<320x64xf32, #tpu.memory_space<vmem>>
    %dma_start3A_1336 = arith.constant 11520 : i32
    %dma_start3A_1337 = tpu.memref_slice %arg9[%dma_start3A_1336] : memref<12800xi32, #tpu.memory_space<vmem>> -> memref<320xi32, #tpu.memory_space<vmem>>
    %dma_start3A_1338 = arith.constant 0 : i32
    %dma_start3A_1339 = arith.constant 0 : i32
    %dma_start3A_1340 = tpu.memref_slice %arg11[%dma_start3A_1338, %dma_start3A_1339] : memref<2000x64xf32, #tpu.memory_space<vmem_shared>> -> memref<2000x64xf32, #tpu.memory_space<vmem_shared>>
    tpu.enqueue_indirect_dma source(%dma_start3A_1340 : memref<2000x64xf32, #tpu.memory_space<vmem_shared>>) target(%dma_start3A_1335 : memref<320x64xf32, #tpu.memory_space<vmem>>) offsets(%dma_start3A_1337 : memref<320xi32, #tpu.memory_space<vmem>>) semaphore(%arg12 : memref<!tpu.dma_semaphore, #tpu.memory_space<semaphore_mem>>)
    %dma_start3A_1341 = arith.constant 0 : i32
    %dma_start3A_1342 = arith.constant 320 : i32
    %dma_start3A_1343 = arith.constant 0 : i32
    %dma_start3A_1344 = tpu.memref_slice %arg10[%dma_start3A_1341, %dma_start3A_1342, %dma_start3A_1343] : memref<2x640x64xf32, #tpu.memory_space<vmem>> -> memref<1x320x64xf32, #tpu.memory_space<vmem>>
    %dma_start3A_1345 = tpu.memref_squeeze %dma_start3A_1344 : memref<1x320x64xf32, #tpu.memory_space<vmem>> -> memref<320x64xf32, #tpu.memory_space<vmem>>
    %dma_start3A_1346 = arith.constant 11840 : i32
    %dma_start3A_1347 = tpu.memref_slice %arg9[%dma_start3A_1346] : memref<12800xi32, #tpu.memory_space<vmem>> -> memref<320xi32, #tpu.memory_space<vmem>>
    %dma_start3A_1348 = arith.constant 0 : i32
    %dma_start3A_1349 = arith.constant 0 : i32
    %dma_start3A_1350 = tpu.memref_slice %arg11[%dma_start3A_1348, %dma_start3A_1349] : memref<2000x64xf32, #tpu.memory_space<vmem_shared>> -> memref<2000x64xf32, #tpu.memory_space<vmem_shared>>
    tpu.enqueue_indirect_dma source(%dma_start3A_1350 : memref<2000x64xf32, #tpu.memory_space<vmem_shared>>) target(%dma_start3A_1345 : memref<320x64xf32, #tpu.memory_space<vmem>>) offsets(%dma_start3A_1347 : memref<320xi32, #tpu.memory_space<vmem>>) semaphore(%arg12 : memref<!tpu.dma_semaphore, #tpu.memory_space<semaphore_mem>>)
    %scan3A_1351 = arith.constant 0 : i32
    %scan3A_1352 = arith.constant 380 : i32
    %scan3A_1353 = arith.constant 20 : i32
    %scan3A_1354 = arith.addi %scan3A_1352, %scan3A_1353 : i32
    %scan3A_1355 = arith.constant 1 : i32
    scf.for %scan3A_1486 = %scan3A_1352 to %scan3A_1354 step %scan3A_1355  : i32 {
      %mul3A_1487 = arith.constant 16 : i32
      %mul3A_1488 = arith.muli %scan3A_1486, %mul3A_1487 : i32
      %get3A = arith.index_cast %mul3A_1488 : i32 to index
      %get3A_1489 = tpu.vector_load %arg7[%get3A] {strides = array<i32>} : memref<6400xi32, #tpu.memory_space<vmem>>, vector<16xi32>,
      %mul3A_1490 = arith.constant 16 : i32
      %mul3A_1491 = arith.muli %scan3A_1486, %mul3A_1490 : i32
      %get3A_1492 = arith.index_cast %mul3A_1491 : i32 to index
      %get3A_1493 = tpu.vector_load %arg8[%get3A_1492] {strides = array<i32>} : memref<6400xi32, #tpu.memory_space<vmem>>, vector<16xi32>,
      %add3A_1494 = arith.constant 1000 : i32
      %add3A_1495 = vector.broadcast %add3A_1494 : i32 to vector<16xi32>
      %add3A_1496 = arith.addi %get3A_1493, %add3A_1495 : vector<16xi32>
      %mul3A_1497 = arith.constant 32 : i32
      %mul3A_1498 = arith.muli %mul3A_1497, %scan3A_1486 : i32
      %iota3A = tpu.iota {dimensions = array<i32: 0>} : vector<16xi32>
      %mul3A_1499 = arith.constant 2 : i32
      %mul3A_1500 = vector.broadcast %mul3A_1499 : i32 to vector<16xi32>
      %mul3A_1501 = arith.muli %mul3A_1500, %iota3A : vector<16xi32>
      %add3A_1502 = vector.broadcast %mul3A_1498 : i32 to vector<16xi32>
      %add3A_1503 = arith.addi %add3A_1502, %mul3A_1501 : vector<16xi32>
      tpu.vector_store_idx %arg9[%add3A_1503], %get3A_1489 : memref<12800xi32, #tpu.memory_space<vmem>>[vector<16xi32>], vector<16xi32>,
      %add3A_1504 = arith.constant 1 : i32
      %add3A_1505 = vector.broadcast %add3A_1504 : i32 to vector<16xi32>
      %add3A_1506 = arith.addi %add3A_1503, %add3A_1505 : vector<16xi32>
      tpu.vector_store_idx %arg9[%add3A_1506], %add3A_1496 : memref<12800xi32, #tpu.memory_space<vmem>>[vector<16xi32>], vector<16xi32>,
    }
    %scan3A_1356 = arith.constant 20 : i32
    %dma_wait3A_1357 = arith.constant 0 : i32
    %dma_wait3A_1358 = arith.constant 0 : i32
    %dma_wait3A_1359 = arith.constant 0 : i32
    %dma_wait3A_1360 = tpu.memref_slice %arg10[%dma_wait3A_1357, %dma_wait3A_1358, %dma_wait3A_1359] : memref<2x640x64xf32, #tpu.memory_space<vmem>> -> memref<1x320x64xf32, #tpu.memory_space<vmem>>
    %dma_wait3A_1361 = tpu.memref_squeeze %dma_wait3A_1360 : memref<1x320x64xf32, #tpu.memory_space<vmem>> -> memref<320x64xf32, #tpu.memory_space<vmem>>
    %dma_wait3A_1362 = arith.constant 11520 : i32
    %dma_wait3A_1363 = tpu.memref_slice %arg9[%dma_wait3A_1362] : memref<12800xi32, #tpu.memory_space<vmem>> -> memref<320xi32, #tpu.memory_space<vmem>>
    %dma_wait3A_1364 = arith.constant 0 : i32
    %dma_wait3A_1365 = arith.constant 0 : i32
    %dma_wait3A_1366 = tpu.memref_slice %arg11[%dma_wait3A_1364, %dma_wait3A_1365] : memref<2000x64xf32, #tpu.memory_space<vmem_shared>> -> memref<2000x64xf32, #tpu.memory_space<vmem_shared>>
    tpu.wait_indirect_dma semaphore(%arg12 : memref<!tpu.dma_semaphore, #tpu.memory_space<semaphore_mem>>) src(%dma_wait3A_1366 : memref<2000x64xf32, #tpu.memory_space<vmem_shared>>) dst(%dma_wait3A_1361 : memref<320x64xf32, #tpu.memory_space<vmem>>)
    %dma_wait3A_1367 = arith.constant 0 : i32
    %dma_wait3A_1368 = arith.constant 320 : i32
    %dma_wait3A_1369 = arith.constant 0 : i32
    %dma_wait3A_1370 = tpu.memref_slice %arg10[%dma_wait3A_1367, %dma_wait3A_1368, %dma_wait3A_1369] : memref<2x640x64xf32, #tpu.memory_space<vmem>> -> memref<1x320x64xf32, #tpu.memory_space<vmem>>
    %dma_wait3A_1371 = tpu.memref_squeeze %dma_wait3A_1370 : memref<1x320x64xf32, #tpu.memory_space<vmem>> -> memref<320x64xf32, #tpu.memory_space<vmem>>
    %dma_wait3A_1372 = arith.constant 11840 : i32
    %dma_wait3A_1373 = tpu.memref_slice %arg9[%dma_wait3A_1372] : memref<12800xi32, #tpu.memory_space<vmem>> -> memref<320xi32, #tpu.memory_space<vmem>>
    %dma_wait3A_1374 = arith.constant 0 : i32
    %dma_wait3A_1375 = arith.constant 0 : i32
    %dma_wait3A_1376 = tpu.memref_slice %arg11[%dma_wait3A_1374, %dma_wait3A_1375] : memref<2000x64xf32, #tpu.memory_space<vmem_shared>> -> memref<2000x64xf32, #tpu.memory_space<vmem_shared>>
    tpu.wait_indirect_dma semaphore(%arg12 : memref<!tpu.dma_semaphore, #tpu.memory_space<semaphore_mem>>) src(%dma_wait3A_1376 : memref<2000x64xf32, #tpu.memory_space<vmem_shared>>) dst(%dma_wait3A_1371 : memref<320x64xf32, #tpu.memory_space<vmem>>)
    %add3A_1377 = arith.constant 11520 : i32
    %add3A_1378 = arith.addi %mul3A_13, %add3A_1377 : i32
    %dma_start3A_1379 = arith.constant 0 : i32
    %dma_start3A_1380 = arith.constant 0 : i32
    %dma_start3A_1381 = arith.constant 0 : i32
    %dma_start3A_1382 = tpu.memref_slice %arg10[%dma_start3A_1379, %dma_start3A_1380, %dma_start3A_1381] : memref<2x640x64xf32, #tpu.memory_space<vmem>> -> memref<1x640x64xf32, #tpu.memory_space<vmem>>
    %dma_start3A_1383 = tpu.memref_squeeze %dma_start3A_1382 : memref<1x640x64xf32, #tpu.memory_space<vmem>> -> memref<640x64xf32, #tpu.memory_space<vmem>>
    %dma_start3A_1384 = arith.constant 0 : i32
    %dma_start3A_1385 = tpu.memref_slice %arg6[%add3A_1378, %dma_start3A_1384] : memref<409600x64xf32, #tpu.memory_space<hbm>> -> memref<640x64xf32, #tpu.memory_space<hbm>>
    %dma_start3A_1386 = arith.constant 0 : i32
    %dma_start3A_1387 = tpu.memref_slice %arg6[%add3A_1378, %dma_start3A_1386] : memref<409600x64xf32, #tpu.memory_space<hbm>> -> memref<640x64xf32, #tpu.memory_space<hbm>>
    %dma_start3A_1388 = arith.constant 0 : i32
    %dma_start3A_1389 = arith.constant 0 : i32
    %dma_start3A_1390 = tpu.memref_slice %arg10[%dma_start3A_1379, %dma_start3A_1388, %dma_start3A_1389] : memref<2x640x64xf32, #tpu.memory_space<vmem>> -> memref<1x640x64xf32, #tpu.memory_space<vmem>>
    %dma_start3A_1391 = tpu.memref_squeeze %dma_start3A_1390 : memref<1x640x64xf32, #tpu.memory_space<vmem>> -> memref<640x64xf32, #tpu.memory_space<vmem>>
    tpu.enqueue_dma source(%dma_start3A_1391 : memref<640x64xf32, #tpu.memory_space<vmem>>) target(%dma_start3A_1387 : memref<640x64xf32, #tpu.memory_space<hbm>>) target_semaphore(%arg13 : memref<!tpu.dma_semaphore, #tpu.memory_space<semaphore_mem>>)
    %dma_wait3A_1392 = arith.constant 1 : i32
    %dma_wait3A_1393 = arith.constant 0 : i32
    %dma_wait3A_1394 = arith.constant 0 : i32
    %dma_wait3A_1395 = tpu.memref_slice %arg10[%dma_wait3A_1392, %dma_wait3A_1393, %dma_wait3A_1394] : memref<2x640x64xf32, #tpu.memory_space<vmem>> -> memref<1x640x64xf32, #tpu.memory_space<vmem>>
    %dma_wait3A_1396 = tpu.memref_squeeze %dma_wait3A_1395 : memref<1x640x64xf32, #tpu.memory_space<vmem>> -> memref<640x64xf32, #tpu.memory_space<vmem>>
    %dma_wait3A_1397 = arith.constant 0 : i32
    %dma_wait3A_1398 = tpu.memref_slice %arg6[%add3A_1304, %dma_wait3A_1397] : memref<409600x64xf32, #tpu.memory_space<hbm>> -> memref<640x64xf32, #tpu.memory_space<hbm>>
    %dma_wait3A_1399 = arith.constant 0 : i32
    %dma_wait3A_1400 = tpu.memref_slice %arg6[%add3A_1304, %dma_wait3A_1399] : memref<409600x64xf32, #tpu.memory_space<hbm>> -> memref<640x64xf32, #tpu.memory_space<hbm>>
    %dma_wait3A_1401 = arith.constant 0 : i32
    %dma_wait3A_1402 = arith.constant 0 : i32
    %dma_wait3A_1403 = tpu.memref_slice %arg10[%dma_wait3A_1392, %dma_wait3A_1401, %dma_wait3A_1402] : memref<2x640x64xf32, #tpu.memory_space<vmem>> -> memref<1x640x64xf32, #tpu.memory_space<vmem>>
    %dma_wait3A_1404 = tpu.memref_squeeze %dma_wait3A_1403 : memref<1x640x64xf32, #tpu.memory_space<vmem>> -> memref<640x64xf32, #tpu.memory_space<vmem>>
    tpu.wait_dma2 semaphore(%arg13 : memref<!tpu.dma_semaphore, #tpu.memory_space<semaphore_mem>>) src(%dma_wait3A_1404 : memref<640x64xf32, #tpu.memory_space<vmem>>) dst(%dma_wait3A_1400 : memref<640x64xf32, #tpu.memory_space<hbm>>)
    %dma_start3A_1405 = arith.constant 1 : i32
    %dma_start3A_1406 = arith.constant 0 : i32
    %dma_start3A_1407 = arith.constant 0 : i32
    %dma_start3A_1408 = tpu.memref_slice %arg10[%dma_start3A_1405, %dma_start3A_1406, %dma_start3A_1407] : memref<2x640x64xf32, #tpu.memory_space<vmem>> -> memref<1x320x64xf32, #tpu.memory_space<vmem>>
    %dma_start3A_1409 = tpu.memref_squeeze %dma_start3A_1408 : memref<1x320x64xf32, #tpu.memory_space<vmem>> -> memref<320x64xf32, #tpu.memory_space<vmem>>
    %dma_start3A_1410 = arith.constant 12160 : i32
    %dma_start3A_1411 = tpu.memref_slice %arg9[%dma_start3A_1410] : memref<12800xi32, #tpu.memory_space<vmem>> -> memref<320xi32, #tpu.memory_space<vmem>>
    %dma_start3A_1412 = arith.constant 0 : i32
    %dma_start3A_1413 = arith.constant 0 : i32
    %dma_start3A_1414 = tpu.memref_slice %arg11[%dma_start3A_1412, %dma_start3A_1413] : memref<2000x64xf32, #tpu.memory_space<vmem_shared>> -> memref<2000x64xf32, #tpu.memory_space<vmem_shared>>
    tpu.enqueue_indirect_dma source(%dma_start3A_1414 : memref<2000x64xf32, #tpu.memory_space<vmem_shared>>) target(%dma_start3A_1409 : memref<320x64xf32, #tpu.memory_space<vmem>>) offsets(%dma_start3A_1411 : memref<320xi32, #tpu.memory_space<vmem>>) semaphore(%arg12 : memref<!tpu.dma_semaphore, #tpu.memory_space<semaphore_mem>>)
    %dma_start3A_1415 = arith.constant 1 : i32
    %dma_start3A_1416 = arith.constant 320 : i32
    %dma_start3A_1417 = arith.constant 0 : i32
    %dma_start3A_1418 = tpu.memref_slice %arg10[%dma_start3A_1415, %dma_start3A_1416, %dma_start3A_1417] : memref<2x640x64xf32, #tpu.memory_space<vmem>> -> memref<1x320x64xf32, #tpu.memory_space<vmem>>
    %dma_start3A_1419 = tpu.memref_squeeze %dma_start3A_1418 : memref<1x320x64xf32, #tpu.memory_space<vmem>> -> memref<320x64xf32, #tpu.memory_space<vmem>>
    %dma_start3A_1420 = arith.constant 12480 : i32
    %dma_start3A_1421 = tpu.memref_slice %arg9[%dma_start3A_1420] : memref<12800xi32, #tpu.memory_space<vmem>> -> memref<320xi32, #tpu.memory_space<vmem>>
    %dma_start3A_1422 = arith.constant 0 : i32
    %dma_start3A_1423 = arith.constant 0 : i32
    %dma_start3A_1424 = tpu.memref_slice %arg11[%dma_start3A_1422, %dma_start3A_1423] : memref<2000x64xf32, #tpu.memory_space<vmem_shared>> -> memref<2000x64xf32, #tpu.memory_space<vmem_shared>>
    tpu.enqueue_indirect_dma source(%dma_start3A_1424 : memref<2000x64xf32, #tpu.memory_space<vmem_shared>>) target(%dma_start3A_1419 : memref<320x64xf32, #tpu.memory_space<vmem>>) offsets(%dma_start3A_1421 : memref<320xi32, #tpu.memory_space<vmem>>) semaphore(%arg12 : memref<!tpu.dma_semaphore, #tpu.memory_space<semaphore_mem>>)
    %dma_wait3A_1425 = arith.constant 1 : i32
    %dma_wait3A_1426 = arith.constant 0 : i32
    %dma_wait3A_1427 = arith.constant 0 : i32
    %dma_wait3A_1428 = tpu.memref_slice %arg10[%dma_wait3A_1425, %dma_wait3A_1426, %dma_wait3A_1427] : memref<2x640x64xf32, #tpu.memory_space<vmem>> -> memref<1x320x64xf32, #tpu.memory_space<vmem>>
    %dma_wait3A_1429 = tpu.memref_squeeze %dma_wait3A_1428 : memref<1x320x64xf32, #tpu.memory_space<vmem>> -> memref<320x64xf32, #tpu.memory_space<vmem>>
    %dma_wait3A_1430 = arith.constant 12160 : i32
    %dma_wait3A_1431 = tpu.memref_slice %arg9[%dma_wait3A_1430] : memref<12800xi32, #tpu.memory_space<vmem>> -> memref<320xi32, #tpu.memory_space<vmem>>
    %dma_wait3A_1432 = arith.constant 0 : i32
    %dma_wait3A_1433 = arith.constant 0 : i32
    %dma_wait3A_1434 = tpu.memref_slice %arg11[%dma_wait3A_1432, %dma_wait3A_1433] : memref<2000x64xf32, #tpu.memory_space<vmem_shared>> -> memref<2000x64xf32, #tpu.memory_space<vmem_shared>>
    tpu.wait_indirect_dma semaphore(%arg12 : memref<!tpu.dma_semaphore, #tpu.memory_space<semaphore_mem>>) src(%dma_wait3A_1434 : memref<2000x64xf32, #tpu.memory_space<vmem_shared>>) dst(%dma_wait3A_1429 : memref<320x64xf32, #tpu.memory_space<vmem>>)
    %dma_wait3A_1435 = arith.constant 1 : i32
    %dma_wait3A_1436 = arith.constant 320 : i32
    %dma_wait3A_1437 = arith.constant 0 : i32
    %dma_wait3A_1438 = tpu.memref_slice %arg10[%dma_wait3A_1435, %dma_wait3A_1436, %dma_wait3A_1437] : memref<2x640x64xf32, #tpu.memory_space<vmem>> -> memref<1x320x64xf32, #tpu.memory_space<vmem>>
    %dma_wait3A_1439 = tpu.memref_squeeze %dma_wait3A_1438 : memref<1x320x64xf32, #tpu.memory_space<vmem>> -> memref<320x64xf32, #tpu.memory_space<vmem>>
    %dma_wait3A_1440 = arith.constant 12480 : i32
    %dma_wait3A_1441 = tpu.memref_slice %arg9[%dma_wait3A_1440] : memref<12800xi32, #tpu.memory_space<vmem>> -> memref<320xi32, #tpu.memory_space<vmem>>
    %dma_wait3A_1442 = arith.constant 0 : i32
    %dma_wait3A_1443 = arith.constant 0 : i32
    %dma_wait3A_1444 = tpu.memref_slice %arg11[%dma_wait3A_1442, %dma_wait3A_1443] : memref<2000x64xf32, #tpu.memory_space<vmem_shared>> -> memref<2000x64xf32, #tpu.memory_space<vmem_shared>>
    tpu.wait_indirect_dma semaphore(%arg12 : memref<!tpu.dma_semaphore, #tpu.memory_space<semaphore_mem>>) src(%dma_wait3A_1444 : memref<2000x64xf32, #tpu.memory_space<vmem_shared>>) dst(%dma_wait3A_1439 : memref<320x64xf32, #tpu.memory_space<vmem>>)
    %add3A_1445 = arith.constant 12160 : i32
    %add3A_1446 = arith.addi %mul3A_13, %add3A_1445 : i32
    %dma_start3A_1447 = arith.constant 1 : i32
    %dma_start3A_1448 = arith.constant 0 : i32
    %dma_start3A_1449 = arith.constant 0 : i32
    %dma_start3A_1450 = tpu.memref_slice %arg10[%dma_start3A_1447, %dma_start3A_1448, %dma_start3A_1449] : memref<2x640x64xf32, #tpu.memory_space<vmem>> -> memref<1x640x64xf32, #tpu.memory_space<vmem>>
    %dma_start3A_1451 = tpu.memref_squeeze %dma_start3A_1450 : memref<1x640x64xf32, #tpu.memory_space<vmem>> -> memref<640x64xf32, #tpu.memory_space<vmem>>
    %dma_start3A_1452 = arith.constant 0 : i32
    %dma_start3A_1453 = tpu.memref_slice %arg6[%add3A_1446, %dma_start3A_1452] : memref<409600x64xf32, #tpu.memory_space<hbm>> -> memref<640x64xf32, #tpu.memory_space<hbm>>
    %dma_start3A_1454 = arith.constant 0 : i32
    %dma_start3A_1455 = tpu.memref_slice %arg6[%add3A_1446, %dma_start3A_1454] : memref<409600x64xf32, #tpu.memory_space<hbm>> -> memref<640x64xf32, #tpu.memory_space<hbm>>
    %dma_start3A_1456 = arith.constant 0 : i32
    %dma_start3A_1457 = arith.constant 0 : i32
    %dma_start3A_1458 = tpu.memref_slice %arg10[%dma_start3A_1447, %dma_start3A_1456, %dma_start3A_1457] : memref<2x640x64xf32, #tpu.memory_space<vmem>> -> memref<1x640x64xf32, #tpu.memory_space<vmem>>
    %dma_start3A_1459 = tpu.memref_squeeze %dma_start3A_1458 : memref<1x640x64xf32, #tpu.memory_space<vmem>> -> memref<640x64xf32, #tpu.memory_space<vmem>>
    tpu.enqueue_dma source(%dma_start3A_1459 : memref<640x64xf32, #tpu.memory_space<vmem>>) target(%dma_start3A_1455 : memref<640x64xf32, #tpu.memory_space<hbm>>) target_semaphore(%arg13 : memref<!tpu.dma_semaphore, #tpu.memory_space<semaphore_mem>>)
    %dma_wait3A_1460 = arith.constant 0 : i32
    %dma_wait3A_1461 = arith.constant 0 : i32
    %dma_wait3A_1462 = arith.constant 0 : i32
    %dma_wait3A_1463 = tpu.memref_slice %arg10[%dma_wait3A_1460, %dma_wait3A_1461, %dma_wait3A_1462] : memref<2x640x64xf32, #tpu.memory_space<vmem>> -> memref<1x640x64xf32, #tpu.memory_space<vmem>>
    %dma_wait3A_1464 = tpu.memref_squeeze %dma_wait3A_1463 : memref<1x640x64xf32, #tpu.memory_space<vmem>> -> memref<640x64xf32, #tpu.memory_space<vmem>>
    %dma_wait3A_1465 = arith.constant 0 : i32
    %dma_wait3A_1466 = tpu.memref_slice %arg6[%add3A_1378, %dma_wait3A_1465] : memref<409600x64xf32, #tpu.memory_space<hbm>> -> memref<640x64xf32, #tpu.memory_space<hbm>>
    %dma_wait3A_1467 = arith.constant 0 : i32
    %dma_wait3A_1468 = tpu.memref_slice %arg6[%add3A_1378, %dma_wait3A_1467] : memref<409600x64xf32, #tpu.memory_space<hbm>> -> memref<640x64xf32, #tpu.memory_space<hbm>>
    %dma_wait3A_1469 = arith.constant 0 : i32
    %dma_wait3A_1470 = arith.constant 0 : i32
    %dma_wait3A_1471 = tpu.memref_slice %arg10[%dma_wait3A_1460, %dma_wait3A_1469, %dma_wait3A_1470] : memref<2x640x64xf32, #tpu.memory_space<vmem>> -> memref<1x640x64xf32, #tpu.memory_space<vmem>>
    %dma_wait3A_1472 = tpu.memref_squeeze %dma_wait3A_1471 : memref<1x640x64xf32, #tpu.memory_space<vmem>> -> memref<640x64xf32, #tpu.memory_space<vmem>>
    tpu.wait_dma2 semaphore(%arg13 : memref<!tpu.dma_semaphore, #tpu.memory_space<semaphore_mem>>) src(%dma_wait3A_1472 : memref<640x64xf32, #tpu.memory_space<vmem>>) dst(%dma_wait3A_1468 : memref<640x64xf32, #tpu.memory_space<hbm>>)
    %dma_wait3A_1473 = arith.constant 1 : i32
    %dma_wait3A_1474 = arith.constant 0 : i32
    %dma_wait3A_1475 = arith.constant 0 : i32
    %dma_wait3A_1476 = tpu.memref_slice %arg10[%dma_wait3A_1473, %dma_wait3A_1474, %dma_wait3A_1475] : memref<2x640x64xf32, #tpu.memory_space<vmem>> -> memref<1x640x64xf32, #tpu.memory_space<vmem>>
    %dma_wait3A_1477 = tpu.memref_squeeze %dma_wait3A_1476 : memref<1x640x64xf32, #tpu.memory_space<vmem>> -> memref<640x64xf32, #tpu.memory_space<vmem>>
    %dma_wait3A_1478 = arith.constant 0 : i32
    %dma_wait3A_1479 = tpu.memref_slice %arg6[%add3A_1446, %dma_wait3A_1478] : memref<409600x64xf32, #tpu.memory_space<hbm>> -> memref<640x64xf32, #tpu.memory_space<hbm>>
    %dma_wait3A_1480 = arith.constant 0 : i32
    %dma_wait3A_1481 = tpu.memref_slice %arg6[%add3A_1446, %dma_wait3A_1480] : memref<409600x64xf32, #tpu.memory_space<hbm>> -> memref<640x64xf32, #tpu.memory_space<hbm>>
    %dma_wait3A_1482 = arith.constant 0 : i32
    %dma_wait3A_1483 = arith.constant 0 : i32
    %dma_wait3A_1484 = tpu.memref_slice %arg10[%dma_wait3A_1473, %dma_wait3A_1482, %dma_wait3A_1483] : memref<2x640x64xf32, #tpu.memory_space<vmem>> -> memref<1x640x64xf32, #tpu.memory_space<vmem>>
    %dma_wait3A_1485 = tpu.memref_squeeze %dma_wait3A_1484 : memref<1x640x64xf32, #tpu.memory_space<vmem>> -> memref<640x64xf32, #tpu.memory_space<vmem>>
    tpu.wait_dma2 semaphore(%arg13 : memref<!tpu.dma_semaphore, #tpu.memory_space<semaphore_mem>>) src(%dma_wait3A_1485 : memref<640x64xf32, #tpu.memory_space<vmem>>) dst(%dma_wait3A_1481 : memref<640x64xf32, #tpu.memory_space<hbm>>)
    return
  }
}

</mosaic_0001>

<sc_bundles>
// kernel: kernel.3.cloned.1.call-start
scs
__scs_entry_jumppad:
0x0: {  	(pc) =	sbr.rel $0x88, $3  }
0x1: {  	(tag) =	ssettag $0x0;
	lr =	simm.s32 $0x1  }
0x2: {  	[smem:$0x3F9D] =	sst lr;
	_ =	strace $0xD0000000  }
0x3: {  	_ = 	snop  }
0x4: {  	_ = 	snop  }
0x5: {  	_ = 	snop  }
0x6: {  	_ = 	snop  }
0x7: {  	_ = 	snop  }
__scs_overlays_trampoline_lowered:
0x8: {  	[smem:$0x3FAC] =	sst s0  }
0x9: {  	[smem:$0x3FAD] =	sst s1  }
0xa: {  	[smem:$0x3FAE] =	sst s2  }
0xb: {  	[smem:$0x3FAF] =	sst s3  }
0xc: {  	[smem:$0x3FB0] =	sst s4  }
0xd: {  	[smem:$0x3FB1] =	sst s5  }
0xe: {  	[smem:$0x3FB2] =	sst s6  }
0xf: {  	[smem:$0x3FB3] =	sst s7  }
0x10: {  	[smem:$0x3FB4] =	sst s8  }
0x11: {  	[smem:$0x3FB5] =	sst s9;
	s0 =	simm.s32 @!p0 $0x0  }
0x12: {  	s1 =	sld [smem:$0x3F9B];
	s0 =	simm.s32 @p0 $0x1  }
0x13: {  	[smem:$0x3FB6] =	sst s0;
	s0 =	simm.s32 @!p1 $0x0  }
0x14: {  	s2 =	sld [smem:$0x3F9A];
	s0 =	simm.s32 @p1 $0x1  }
0x15: {  	[smem:$0x3FB7] =	sst s0;
	s0 =	simm.s32 @!p2 $0x0  }
0x16: {  	s3 =	sld [smem:$0x3FDB];
	s0 =	simm.s32 @p2 $0x1  }
0x17: {  	s4 =	simm.s32 $0x1BF5;
	[smem:$0x3FB9] =	sst s0  }
0x18: {  	s0 =	sld [smem:$0x3F9C];
	_ =	swait.ge [sflag:s4], $0x0  }
0x19: {  	s7 =	sld [smem:$0x3F9D]  }
0x1a: {  	s8 =	sadd.s32 $0xFFFFE003, lr  }
0x1b: {  	s9 =	sadd.s32 $0xFFFFFEF7, lr;
	s5 =	simm.s32 $0xFFFFFFFF;
	p2 =	slt.u32 s8, $0xFFFFF086  }
0x1c: {  	p1 =	slt.u32 s9, $0xF7A;
	s5 =	simm.s32 @!p2 $0x0  }
0x1d: {  	s5 =	simm.s32 @p1 $0x1;
	p0 =	seq.s32 s7, s2  }
0x1e: {  	s7 =	smul.u32 @!p0 $0xF7A, s2;
	p2 =	seq.s32 @!p0 s5, $0x0  }
0x1f: {  	s9 =	smul.u32 $0xF7A, s1;
	s8 =	simm.s32 @!p0 $0x1BF5;
	p2 =	por !p2, p0  }
0x20: {  	[sflag:s8] =	ssyncset.s32 @!p0 $0xFFFFF086;
	s6 =	sadd.s32 @!p0 s3, s7;
	s7 =	simm.s32 @!p0 $0x108  }
0x21: {  	s3 =	sadd.s32 s3, s9;
	s6 =	sadd.s32 @!p0 $0x88, s6;
	s7 =	simm.s32 @p2 $0x1082  }
0x22: {  	[simem:s7], [sflag:s8] =	dma.local @!p0 [hbm:s6], $0xF7A  }
0x23: {  	s9 =	sor.u32 $0xD0000000, s2;
	s6 =	simm.s32 $0x108;
	_ =	swait.ge @!p0 [sflag:s8], $0x0  }
0x24: {  	s3 =	sadd.s32 $0x88, s3;
	s6 =	simm.s32 @!p1 $0x1082;
	[sflag:s4] =	ssyncset.s32 $0xFFFFF086  }
0x25: {  	[simem:s6], [sflag:s4] =	dma.local [hbm:s3], $0xF7A  }
0x26: {  	[smem:$0x3F9D] =	sst s1;
	(tag) =	ssettag s2;
	_ =	strace s9  }
0x27: {  	s1 =	sld [smem:$0x3FAD]  }
0x28: {  	s2 =	sld [smem:$0x3FAE]  }
0x29: {  	s4 =	sld [smem:$0x3FB0]  }
0x2a: {  	p0 =	seq.s32 s5, $0x0;
	s5 =	sld [smem:$0x3FB1]  }
0x2b: {  	s6 =	sld [smem:$0x3FB2]  }
0x2c: {  	s7 =	sld [smem:$0x3FB3]  }
0x2d: {  	s3 =	simm.s32 $0x108;
	s8 =	sld [smem:$0x3FB4]  }
0x2e: {  	s3 =	simm.s32 @!p0 $0x1082;
	s9 =	sld [smem:$0x3FB5]  }
0x2f: {  	lr =	sadd.s32 s0, s3;
	s0 =	sld [smem:$0x3FAC]  }
0x30: {  	s3 =	sld [smem:$0x3FAF]  }
0x31: {  	[smem:$0x3FB8] =	sst s10  }
0x32: {  	s10 =	sld [smem:$0x3FB6];
	_ =	sdelay $0x3  }
0x33: {  	p0 =	seq.s32 s10, $0x1;
	s10 =	sld [smem:$0x3FB8];
	_ =	sdelay $0x3  }
0x34: {  	[smem:$0x3FB8] =	sst s10  }
0x35: {  	s10 =	sld [smem:$0x3FB7];
	_ =	sdelay $0x3  }
0x36: {  	p1 =	seq.s32 s10, $0x1;
	s10 =	sld [smem:$0x3FB8];
	_ =	sdelay $0x3  }
0x37: {  	[smem:$0x3FB8] =	sst s10  }
0x38: {  	s10 =	sld [smem:$0x3FB9]  }
0x39: {  	_ = 	snop;
	(pc) =	sbr.ind lr, $3  }
0x3a: {  	_ = 	snop  }
0x3b: {  	_ = 	snop  }
0x3c: {  	p2 =	seq.s32 s10, $0x1;
	s10 =	sld [smem:$0x3FB8]  }
0x3d: {  	_ =	shalt  }
0x3e: {  	_ =	shalt  }
0x3f: {  	_ =	shalt  }
0x40: {  	_ =	shalt  }
0x41: {  	_ =	shalt  }
0x42: {  	_ =	shalt  }
0x43: {  	_ =	shalt  }
0x44: {  	_ =	shalt  }
0x45: {  	_ =	shalt  }
0x46: {  	_ =	shalt  }
0x47: {  	_ =	shalt  }
0x48: {  	_ =	shalt  }
0x49: {  	_ =	shalt  }
0x4a: {  	_ =	shalt  }
0x4b: {  	_ =	shalt  }
0x4c: {  	_ =	shalt  }
0x4d: {  	_ =	shalt  }
0x4e: {  	_ =	shalt  }
0x4f: {  	_ =	shalt  }
0x50: {  	_ =	shalt  }
0x51: {  	_ =	shalt  }
0x52: {  	_ =	shalt  }
0x53: {  	_ =	shalt  }
0x54: {  	_ =	shalt  }
0x55: {  	_ =	shalt  }
0x56: {  	_ =	shalt  }
0x57: {  	_ =	shalt  }
0x58: {  	_ =	shalt  }
0x59: {  	_ =	shalt  }
0x5a: {  	_ =	shalt  }
0x5b: {  	_ =	shalt  }
0x5c: {  	_ =	shalt  }
0x5d: {  	_ =	shalt  }
0x5e: {  	_ =	shalt  }
0x5f: {  	_ =	shalt  }
0x60: {  	_ =	shalt  }
0x61: {  	_ =	shalt  }
0x62: {  	_ =	shalt  }
0x63: {  	_ =	shalt  }
0x64: {  	_ =	shalt  }
0x65: {  	_ =	shalt  }
0x66: {  	_ =	shalt  }
0x67: {  	_ =	shalt  }
0x68: {  	_ =	shalt  }
0x69: {  	_ =	shalt  }
0x6a: {  	_ =	shalt  }
0x6b: {  	_ =	shalt  }
0x6c: {  	_ =	shalt  }
0x6d: {  	_ =	shalt  }
0x6e: {  	_ =	shalt  }
0x6f: {  	_ =	shalt  }
0x70: {  	_ =	shalt  }
0x71: {  	_ =	shalt  }
0x72: {  	_ =	shalt  }
0x73: {  	_ =	shalt  }
0x74: {  	_ =	shalt  }
0x75: {  	_ =	shalt  }
0x76: {  	_ =	shalt  }
0x77: {  	_ =	shalt  }
0x78: {  	_ =	shalt  }
0x79: {  	_ =	shalt  }
0x7a: {  	_ =	shalt  }
0x7b: {  	_ =	shalt  }
0x7c: {  	_ =	shalt  }
0x7d: {  	_ =	shalt  }
0x7e: {  	_ =	shalt  }
0x7f: {  	_ =	shalt  }
0x80: {  	_ =	shalt  }
0x81: {  	_ =	shalt  }
0x82: {  	_ =	shalt  }
0x83: {  	_ =	shalt  }
0x84: {  	_ =	shalt  }
0x85: {  	_ =	shalt  }
0x86: {  	_ =	shalt  }
0x87: {  	_ =	shalt  }
.Lfunc_end0:
.L_simem_size_0:
called_computation_lowered:
.L_overlay_start_0:
0x88: {  	s2 =	sld [smem:$0x3FD9]  }
0x89: {  	s3 =	sld [smem:$0x3FFE];
	_ =	sdelay $0x1  }
0x8a: {  	s1 =	srdreg.scid  }
0x8b: {  	s0 =	sand.u32 $0x1, s1  }
0x8c: {  	s17 =	sshll.u32 s0, $0xA;
	s2 =	sadd.s32 s3, s2  }
0x8d: {  	s2 =	sadd.s32 s2, s17  }
0x8e: {  	[smem:$0x3FC4] =	sst s2  }
0x8f: {  	_ = 	snop  }
0x90: {  	s2 =	sld [smem:$0x3FD0];
	(tm) =	ssettm $0x1  }
0x91: {  	s18 =	sld [smem:$0x3FFB];
	_ =	sdelay $0x3  }
0x92: {  	_ =	strace s18  }
0x93: {  	s3 =	sld [smem:$0x3FFC];
	_ =	sdelay $0x3  }
0x94: {  	_ =	strace s3  }
0x95: {  	s3 =	sld [smem:$0x3FFD];
	_ =	sdelay $0x3  }
0x96: {  	_ =	strace s3  }
0x97: {  	_ =	strace $0x8FFFFFFF  }
0x98: {  	s19 =	sld [smem:$0x3FDB];
	_ =	sdelay $0x1  }
0x99: {  	s4 =	simm.s32 $_scs_section_size  }
0x9a: {  	s5 =	simm.s32 $_size__tile_overlayer_lowered;
	s6 =	simm.s32 $_tile_overlayer_lowered  }
0x9b: {  	s22 =	simm.s32 $0x1BFF;
	s21 =	sshll.u32 s6, $0x1;
	s3 =	sadd.s32 s4, s19  }
0x9c: {  	s7 =	simm.s32 $0x0;
	s20 =	sshll.u32 s5, $0x1;
	s5 =	sadd.s32 s21, s3  }
0x9d: {  	[timem:s7], [sflag:s22] =	dma.local [hbm:s5], s20  }
0x9e: {  	_ =	swait.ge [sflag:s22], s20  }
0x9f: {  	s4 =	ssub.s32 $0x0, s20;
	[sflag:s22] =	ssyncset.done $0x0  }
0xa0: {  	[sflag:s22] =	ssyncadd.s32 s4;
	_ =	sdelay $0x1  }
0xa1: {  	s23 =	simm.s32 $0x1B8B  }
0xa2: {  	_ =	swait.ge [sflag:s23], $0x1  }
0xa3: {  	[sflag:s23] =	ssyncset.done $0x0  }
0xa4: {  	s25 =	simm.s32 $0x1B8E;
	s24 =	sld [smem:$0x3FFE];
	[sflag:s23] =	ssyncadd.s32 $0xFFFFFFFF  }
0xa5: {  	s26 =	simm.s32 $execute0_lowered;
	[smem:$0x3FD2] =	sst s25  }
0xa6: {  	s5 =	sshll.u32 s26, $0x1;
	_ =	strace $0x80000046;
	[dreg:$0x1] =	wrdreg $0xFFFFFFFF  }
0xa7: {  	s28 =	simm.s32 $_size_execute0_lowered;
	s3 =	sadd.s32 s3, s5;
	[dreg:$0x0] =	wrdreg $0x0  }
0xa8: {  	s5 =	sshll.u32 s28, $0x1;
	[dreg:$0x2] =	wrdreg s3  }
0xa9: {  	[dreg:$0x3] =	wrdreg s5  }
0xaa: {  	[dreg:$0x4] =	wrdreg $0xC0  }
0xab: {  	_ =	task [dreg:s7], $0x5FFFF  }
0xac: {  	[dreg:$0x1] =	wrdreg $0xFFFFFFFF  }
0xad: {  	[dreg:$0x0] =	wrdreg $0x60  }
0xae: {  	[dreg:$0x2] =	wrdreg s24  }
0xaf: {  	[dreg:$0x3] =	wrdreg s2  }
0xb0: {  	[dreg:$0x4] =	wrdreg $0x1A4000  }
0xb1: {  	[dreg:$0x5] =	wrdreg $0x9  }
0xb2: {  	_ =	task.clear_ibuf [dreg:s7], $0x6FFFF;
	_ =	strace $0x90000046  }
0xb3: {  	s29 =	simm.s32 $0x9;
	_ =	strace $0x80000048  }
0xb4: {  	_ =	swait.ge [sflag:s29], $0x1  }
0xb5: {  	[sflag:s29] =	ssyncadd.s32 $0xFFFFFFFF  }
0xb6: {  	_ =	strace $0x90000048  }
0xb7: {  	_ =	sfence  }
0xb8: {  	s30 =	sld [smem:$0x0];
	_ =	sdelay $0x2  }
0xb9: {  	s31 =	sshll.u32 s1, $0xD;
	s1 =	sshrl.u32 s1, $0x2  }
0xba: {  	s3 =	sand.u32 $0x4000, s31;
	s1 =	sadd.s32 s1, s30  }
0xbb: {  	s0 =	sor.u32 s3, s0;
	s1 =	sshll.u32 s1, $0x11  }
0xbc: {  	s0 =	sor.u32 s1, s0  }
0xbd: {  	s0 =	sadd.s32 $0x8F2B, s0  }
0xbe: {  	[sflag:s0] =	ssyncadd.remote.s32 $0x1  }
0xbf: {  	_ =	sfence.sel $0xFFFF  }
0xc0: {  	[dreg:$0x0] =	wrdreg $0xFFFFFFFF;
	(pc) =	sbr.abs _section_cstart, $3  }
0xc1: {  	[dreg:$0x1] =	wrdreg $0xFFFFFFFF  }
0xc2: {  	_ =	task.clear_ibuf [dreg:s7], $0x2FFFF;
	_ =	strace $0x9FFFFFFF  }
0xc3: {  	(tm) =	ssettm $0x7FFFFFFF  }
tec
execute0_lowered:
.L_overlay_start_1:
0x0: {  	(tag) =	ssettag $0x1  }
0x1: {  	s0 =	rddreg [dreg:$0x0]  }
0x2: {  	s1 =	srdreg.scid;
	s3 =	stileid.u32  }
0x3: {  	s4 =	rddreg [dreg:$0x1];
	s30 =	simm.s32 $0x3;
	s31 =	simm.s32 $0x3200  }
0x4: {  	s9 =	simm.s32 $0x0;
	s5 =	sand.u32 $0x1, s1;
	s2 =	sshll.u32 s3, $0x1  }
0x5: {  	s1 =	rddreg [dreg:$0x2];
	s8 =	sadd.s32 $0x400, s0;
	s6 =	sor.u32 s5, s2  }
0x6: {  	p0 =	sne.s32 s3, $0x0;
	s2 =	simm.s32 $0x0;
	s7 =	smul.u32 $0x320, s6  }
0x7: {  	s5 =	ssub.s32 $0x2, s5;
	s3 =	sadd.s32 $0xFA00, s1;
	s18 =	smul.u32 $0xC8000, s6  }
0x8: {  	[smem:$0x7FF] =	sst s2;
	s19 =	sshrl.u32 s5, $0x1;
	s6 =	smul.u32 $0x19000, s6  }
0x9: {  	s29 =	sshrl.u32 @!p0 s3, $0x3;
	s3 =	simm.s32 $0xB400;
	_ =	strace $0x80000047  }
0xa: {  	[dreg:$0x4] =	wrdreg s8;
	s7 =	sadd.s32 s7, s0;
	s0 =	sadd.s32 $0x2400, s0  }
0xb: {  	s8 =	simm.s32 $0x2;
	s6 =	sadd.s32 s4, s6;
	[dreg:$0x5] =	wrdreg s0  }
0xc: {  	s21 =	sshrl.u32 s18, $0x3;
	s20 =	sadd.s32 $0x4400, s7;
	[dreg:$0x8] =	wrdreg s6  }
0xd: {  	s0 =	ssub.s32 s5, s19;
	s7 =	sadd.s32 $0xA800, s7;
	[dreg:$0x6] =	wrdreg s20  }
0xe: {  	s4 =	sadd.s32 s4, s21;
	s6 =	simm.s32 $0x10400;
	[dreg:$0x7] =	wrdreg s7  }
0xf: {  	s5 =	sadd.s32 $0x1400, s4;
	s22 =	sadd.s32 $0x2800, s4;
	s23 =	sadd.s32 $0x3C00, s4  }
0x10: {  	s24 =	sadd.s32 $0x5000, s4;
	s25 =	sadd.s32 $0x6400, s4;
	s26 =	sadd.s32 $0x7800, s4  }
0x11: {  	s14 =	sadd.s32 $0x8C00, s4;
	s15 =	sadd.s32 $0xA000, s4;
	[dreg:$0x9] =	wrdreg s5  }
0x12: {  	s16 =	sadd.s32 $0xB400, s4;
	s17 =	sadd.s32 $0xC800, s4;
	[dreg:$0xa] =	wrdreg s22  }
0x13: {  	s18 =	sadd.s32 $0xDC00, s4;
	s19 =	sadd.s32 $0xF000, s4;
	[dreg:$0xb] =	wrdreg s23  }
0x14: {  	v0 =	vlaneseq.u32;
	s20 =	sadd.s32 $0x10400, s4;
	s21 =	sadd.s32 $0x11800, s4;
	[dreg:$0xc] =	wrdreg s24  }
0x15: {  	v1 =	vand.u32 $0x3, v0;
	s28 =	smax.u32 s0, $0x1;
	s0 =	simm.s32 $0x6400;
	[dreg:$0xd] =	wrdreg s25  }
0x16: {  	v0 =	vmul.u32 $0x2, v0;
	v1 =	vmul.u32 $0x2, v1;
	s7 =	simm.s32 $0x15400;
	[dreg:$0xe] =	wrdreg s26;
	s22 =	sadd.s32 $0x12C00, s4  }
0x17: {  	s23 =	sadd.s32 $0x14000, s4;
	s24 =	sadd.s32 $0x15400, s4;
	s25 =	sadd.s32 $0x16800, s4  }
0x18: {  	v2 =	vor.u32 $0x1, v0;
	v1 =	vor.u32 $0xFFFFFFF8, v1;
	s26 =	sadd.s32 $0x17C00, s4;
	s4 =	simm.s32 $0x1;
	s5 =	simm.s32 $0x140  }
.LBB2_1:
0x19: {  	s10 =	sshrl.u32 @!p0 s1, $0x3;
	s11 =	simm.s32 @!p0 $0x1C03;
	s12 =	rddreg [dreg:$0x4]  }
0x1a: {  	[spmem:s10], [sflag:s11] =	dma.local @!p0 [hbm:s12], $0x1F40  }
0x1b: {  	s10 =	simm.s32 @!p0 $0x3  }
0x1c: {  	_ =	swait.ge @!p0 [sflag:s10], $0x1F40  }
0x1d: {  	[sflag:s10] =	ssyncset.done @!p0 $0x0  }
0x1e: {  	s12 =	rddreg [dreg:$0x5];
	[sflag:s10] =	ssyncadd.s32 @!p0 $0xFFFFE0C0  }
0x1f: {  	[spmem:s29], [sflag:s11] =	dma.local @!p0 [hbm:s12], $0x1F40  }
0x20: {  	_ =	swait.ge @!p0 [sflag:s10], $0x1F40  }
0x21: {  	[sflag:s10] =	ssyncset.done @!p0 $0x0  }
0x22: {  	s12 =	rddreg [dreg:$0x6];
	[sflag:s10] =	ssyncadd.s32 @!p0 $0xFFFFE0C0  }
0x23: {  	[tilespmem:s2], [sflag:$0x3] =	stream.linear.gather [hbm4b:s12+s2], $0x1900, $0x38;
	[tilespmem:$0x1C340] =	vst v63  }
0x24: {  	_ =	swait.ge [sflag:s30], $0x1900  }
0x25: {  	[sflag:s30] =	ssyncset.done $0x0  }
0x26: {  	s10 =	simm.s32 $0x1900;
	s13 =	rddreg [dreg:$0x7];
	[sflag:s30] =	ssyncadd.s32 $0xFFFFE700  }
0x27: {  	[tilespmem:s10], [sflag:$0x3] =	stream.linear.gather [hbm4b:s13+s2], $0x1900, $0x38;
	[tilespmem:$0x1C340] =	vst v63  }
0x28: {  	_ =	swait.ge [sflag:s30], $0x1900  }
0x29: {  	[sflag:s30] =	ssyncset.done $0x0  }
0x2a: {  	[sflag:s30] =	ssyncadd.s32 $0xFFFFE700  }
0x2b: {  	v5 =	vor.u32 s2, v0;
	v3 =	vld [tilespmem:s2+$0x0]  }
0x2c: {  	v5 =	vand.u32 v1, v5;
	s11 =	simm.s32 $0x20;
	s12 =	simm.s32 $0x0;
	s13 =	simm.s32 $0x0;
	v4 =	vld [tilespmem:s10+$0x0]  }
.LBB2_2:
0x2d: {  	p1 =	sne.s32 s11, $0x260;
	v6 =	vor.u32 s12, v2;
	s12 =	smov.u32 s11;
	_ =	sdelay $0x2  }
.Ltmp0:
0x2e: {  	(pc) =	sbr.rel @p1 .LBB2_2-.Ltmp0, $4  }
0x2f: {  	v4 =	vadd.s32 $0x3E8, v4;
	[tilespmem:v5+s31+$0x0] =	vst.idx.msk $0xffff, v3  }
0x30: {  	s13 =	sadd.s32 $0x10, s13;
	[tilespmem:v6+s31+$0x0] =	vst.idx.msk $0xffff, v4  }
0x31: {  	s10 =	sadd.s32 $0x10, s10;
	v5 =	vor.u32 s11, v0;
	v3 =	vld [tilespmem:s13+$0x0]  }
0x32: {  	s11 =	sadd.s32 $0x20, s11;
	v5 =	vand.u32 v1, v5;
	v4 =	vld [tilespmem:s10+$0x0]  }
0x33: {  	v6 =	vor.u32 s12, v2;
	_ =	sdelay $0x3  }
0x34: {  	[tilespmem:v5+s31+$0x0] =	vst.idx.msk $0xffff, v3;
	v4 =	vadd.s32 $0x3E8, v4  }
0x35: {  	[tilespmem:v6+s31+$0x0] =	vst.idx.msk $0xffff, v4  }
0x36: {  	s10 =	simm.s32 $0x140;
	[bflag:$0x0] =	sbarrier.arrive $0xFFFF  }
0x37: {  	[tilespmem:s0], [sflag:$0x1] =	stream.indirect.gather [spmem:s1], $0x40, s31, s10, $0xb8;
	[tilespmem:$0x1C340] =	vst v63  }
0x38: {  	s11 =	simm.s32 $0x3340  }
0x39: {  	[tilespmem:s3], [sflag:$0x1] =	stream.indirect.gather [spmem:s1], $0x40, s11, s10, $0xb8;
	[tilespmem:$0x1C340] =	vst v63  }
0x3a: {  	s11 =	simm.s32 $0x280  }
0x3b: {  	s12 =	simm.s32 $0x1A40;
	v3 =	vld [tilespmem:s10+$0x0];
	v5 =	vor.u32 s11, v0  }
0x3c: {  	s13 =	simm.s32 $0x2A0;
	v4 =	vld [tilespmem:s12+$0x0];
	v5 =	vand.u32 v1, v5  }
.LBB2_4:
0x3d: {  	p1 =	sne.s32 s13, $0x4E0;
	v6 =	vor.u32 s11, v2;
	s11 =	smov.u32 s13;
	_ =	sdelay $0x2  }
.Ltmp1:
0x3e: {  	(pc) =	sbr.rel @p1 .LBB2_4-.Ltmp1, $4  }
0x3f: {  	v4 =	vadd.s32 $0x3E8, v4;
	[tilespmem:v5+s31+$0x0] =	vst.idx.msk $0xffff, v3  }
0x40: {  	s10 =	sadd.s32 $0x10, s10;
	[tilespmem:v6+s31+$0x0] =	vst.idx.msk $0xffff, v4  }
0x41: {  	s12 =	sadd.s32 $0x10, s12;
	v5 =	vor.u32 s13, v0;
	v3 =	vld [tilespmem:s10+$0x0]  }
0x42: {  	s13 =	sadd.s32 $0x20, s13;
	v5 =	vand.u32 v1, v5;
	v4 =	vld [tilespmem:s12+$0x0]  }
0x43: {  	v6 =	vor.u32 s11, v2;
	_ =	sdelay $0x3  }
0x44: {  	[tilespmem:v5+s31+$0x0] =	vst.idx.msk $0xffff, v3;
	v4 =	vadd.s32 $0x3E8, v4  }
0x45: {  	[tilespmem:v6+s31+$0x0] =	vst.idx.msk $0xffff, v4  }
0x46: {  	_ =	swait.ge [sflag:s4], $0x5000  }
0x47: {  	[sflag:s4] =	ssyncset.done $0x0  }
0x48: {  	[sflag:s4] =	ssyncadd.s32 $0xFFFFB000  }
0x49: {  	_ =	swait.ge [sflag:s4], $0x5000  }
0x4a: {  	[sflag:s4] =	ssyncset.done $0x0  }
0x4b: {  	s10 =	rddreg [dreg:$0x8];
	[sflag:s4] =	ssyncadd.s32 $0xFFFFB000  }
0x4c: {  	[hbm4b:s10+s2] =	stream.linear.scatter [tilespmem:s0], [sflag:$0x2], $0xA000, $0x38;
	[tilespmem:$0x1C340] =	vst v63  }
0x4d: {  	s12 =	simm.s32 $0x3480  }
0x4e: {  	[tilespmem:s6], [sflag:$0x1] =	stream.indirect.gather [spmem:s1], $0x40, s12, s5, $0xb8;
	[tilespmem:$0x1C340] =	vst v63  }
0x4f: {  	s13 =	simm.s32 $0x35C0;
	s11 =	simm.s32 $0x280;
	s10 =	simm.s32 $0x500  }
0x50: {  	[tilespmem:s7], [sflag:$0x1] =	stream.indirect.gather [spmem:s1], $0x40, s13, s5, $0xb8;
	[tilespmem:$0x1C340] =	vst v63  }
0x51: {  	v5 =	vor.u32 s10, v0;
	s12 =	simm.s32 $0x1B80;
	v3 =	vld [tilespmem:s11+$0x0]  }
0x52: {  	v5 =	vand.u32 v1, v5;
	s13 =	simm.s32 $0x520;
	v4 =	vld [tilespmem:s12+$0x0]  }
.LBB2_6:
0x53: {  	p1 =	sne.s32 s13, $0x760;
	v6 =	vor.u32 s10, v2;
	s10 =	smov.u32 s13;
	_ =	sdelay $0x2  }
.Ltmp2:
0x54: {  	(pc) =	sbr.rel @p1 .LBB2_6-.Ltmp2, $4  }
0x55: {  	v4 =	vadd.s32 $0x3E8, v4;
	[tilespmem:v5+s31+$0x0] =	vst.idx.msk $0xffff, v3  }
0x56: {  	s11 =	sadd.s32 $0x10, s11;
	[tilespmem:v6+s31+$0x0] =	vst.idx.msk $0xffff, v4  }
0x57: {  	s12 =	sadd.s32 $0x10, s12;
	v5 =	vor.u32 s13, v0;
	v3 =	vld [tilespmem:s11+$0x0]  }
0x58: {  	s13 =	sadd.s32 $0x20, s13;
	v5 =	vand.u32 v1, v5;
	v4 =	vld [tilespmem:s12+$0x0]  }
0x59: {  	v6 =	vor.u32 s10, v2;
	_ =	sdelay $0x3  }
0x5a: {  	[tilespmem:v5+s31+$0x0] =	vst.idx.msk $0xffff, v3;
	v4 =	vadd.s32 $0x3E8, v4  }
0x5b: {  	[tilespmem:v6+s31+$0x0] =	vst.idx.msk $0xffff, v4  }
0x5c: {  	_ =	swait.ge [sflag:s4], $0x5000  }
0x5d: {  	[sflag:s4] =	ssyncset.done $0x0  }
0x5e: {  	[sflag:s4] =	ssyncadd.s32 $0xFFFFB000  }
0x5f: {  	_ =	swait.ge [sflag:s4], $0x5000  }
0x60: {  	[sflag:s4] =	ssyncset.done $0x0  }
0x61: {  	s11 =	rddreg [dreg:$0x9];
	[sflag:s4] =	ssyncadd.s32 $0xFFFFB000  }
0x62: {  	[hbm4b:s11+s2] =	stream.linear.scatter [tilespmem:s6], [sflag:$0x2], $0xA000, $0x38;
	[tilespmem:$0x1C340] =	vst v63  }
0x63: {  	_ =	swait.ge [sflag:s8], $0xA000  }
0x64: {  	[sflag:s8] =	ssyncset.done $0x0  }
0x65: {  	s12 =	simm.s32 $0x3700;
	[sflag:s8] =	ssyncadd.s32 $0xFFFF6000  }
0x66: {  	[tilespmem:s0], [sflag:$0x1] =	stream.indirect.gather [spmem:s1], $0x40, s12, s5, $0xb8;
	[tilespmem:$0x1C340] =	vst v63  }
0x67: {  	s13 =	simm.s32 $0x3840;
	s10 =	simm.s32 $0x780;
	s11 =	simm.s32 $0x3C0  }
0x68: {  	[tilespmem:s3], [sflag:$0x1] =	stream.indirect.gather [spmem:s1], $0x40, s13, s5, $0xb8;
	[tilespmem:$0x1C340] =	vst v63  }
0x69: {  	v5 =	vor.u32 s10, v0;
	s12 =	simm.s32 $0x1CC0;
	v3 =	vld [tilespmem:s11+$0x0]  }
0x6a: {  	v5 =	vand.u32 v1, v5;
	s13 =	simm.s32 $0x7A0;
	v4 =	vld [tilespmem:s12+$0x0]  }
.LBB2_8:
0x6b: {  	p1 =	sne.s32 s13, $0x9E0;
	v6 =	vor.u32 s10, v2;
	s10 =	smov.u32 s13;
	_ =	sdelay $0x2  }
.Ltmp3:
0x6c: {  	(pc) =	sbr.rel @p1 .LBB2_8-.Ltmp3, $4  }
0x6d: {  	v4 =	vadd.s32 $0x3E8, v4;
	[tilespmem:v5+s31+$0x0] =	vst.idx.msk $0xffff, v3  }
0x6e: {  	s11 =	sadd.s32 $0x10, s11;
	[tilespmem:v6+s31+$0x0] =	vst.idx.msk $0xffff, v4  }
0x6f: {  	s12 =	sadd.s32 $0x10, s12;
	v5 =	vor.u32 s13, v0;
	v3 =	vld [tilespmem:s11+$0x0]  }
0x70: {  	s13 =	sadd.s32 $0x20, s13;
	v5 =	vand.u32 v1, v5;
	v4 =	vld [tilespmem:s12+$0x0]  }
0x71: {  	v6 =	vor.u32 s10, v2;
	_ =	sdelay $0x3  }
0x72: {  	[tilespmem:v5+s31+$0x0] =	vst.idx.msk $0xffff, v3;
	v4 =	vadd.s32 $0x3E8, v4  }
0x73: {  	[tilespmem:v6+s31+$0x0] =	vst.idx.msk $0xffff, v4  }
0x74: {  	_ =	swait.ge [sflag:s4], $0x5000  }
0x75: {  	[sflag:s4] =	ssyncset.done $0x0  }
0x76: {  	[sflag:s4] =	ssyncadd.s32 $0xFFFFB000  }
0x77: {  	_ =	swait.ge [sflag:s4], $0x5000  }
0x78: {  	[sflag:s4] =	ssyncset.done $0x0  }
0x79: {  	s11 =	rddreg [dreg:$0xa];
	[sflag:s4] =	ssyncadd.s32 $0xFFFFB000  }
0x7a: {  	[hbm4b:s11+s2] =	stream.linear.scatter [tilespmem:s0], [sflag:$0x2], $0xA000, $0x38;
	[tilespmem:$0x1C340] =	vst v63  }
0x7b: {  	_ =	swait.ge [sflag:s8], $0xA000  }
0x7c: {  	[sflag:s8] =	ssyncset.done $0x0  }
0x7d: {  	s12 =	simm.s32 $0x3980;
	[sflag:s8] =	ssyncadd.s32 $0xFFFF6000  }
0x7e: {  	[tilespmem:s6], [sflag:$0x1] =	stream.indirect.gather [spmem:s1], $0x40, s12, s5, $0xb8;
	[tilespmem:$0x1C340] =	vst v63  }
0x7f: {  	s13 =	simm.s32 $0x3AC0;
	s10 =	simm.s32 $0xA00;
	s11 =	simm.s32 $0x500  }
0x80: {  	[tilespmem:s7], [sflag:$0x1] =	stream.indirect.gather [spmem:s1], $0x40, s13, s5, $0xb8;
	[tilespmem:$0x1C340] =	vst v63  }
0x81: {  	v5 =	vor.u32 s10, v0;
	s12 =	simm.s32 $0x1E00;
	v3 =	vld [tilespmem:s11+$0x0]  }
0x82: {  	v5 =	vand.u32 v1, v5;
	s13 =	simm.s32 $0xA20;
	v4 =	vld [tilespmem:s12+$0x0]  }
.LBB2_10:
0x83: {  	p1 =	sne.s32 s13, $0xC60;
	v6 =	vor.u32 s10, v2;
	s10 =	smov.u32 s13;
	_ =	sdelay $0x2  }
.Ltmp4:
0x84: {  	(pc) =	sbr.rel @p1 .LBB2_10-.Ltmp4, $4  }
0x85: {  	v4 =	vadd.s32 $0x3E8, v4;
	[tilespmem:v5+s31+$0x0] =	vst.idx.msk $0xffff, v3  }
0x86: {  	s11 =	sadd.s32 $0x10, s11;
	[tilespmem:v6+s31+$0x0] =	vst.idx.msk $0xffff, v4  }
0x87: {  	s12 =	sadd.s32 $0x10, s12;
	v5 =	vor.u32 s13, v0;
	v3 =	vld [tilespmem:s11+$0x0]  }
0x88: {  	s13 =	sadd.s32 $0x20, s13;
	v5 =	vand.u32 v1, v5;
	v4 =	vld [tilespmem:s12+$0x0]  }
0x89: {  	v6 =	vor.u32 s10, v2;
	_ =	sdelay $0x3  }
0x8a: {  	[tilespmem:v5+s31+$0x0] =	vst.idx.msk $0xffff, v3;
	v4 =	vadd.s32 $0x3E8, v4  }
0x8b: {  	[tilespmem:v6+s31+$0x0] =	vst.idx.msk $0xffff, v4  }
0x8c: {  	_ =	swait.ge [sflag:s4], $0x5000  }
0x8d: {  	[sflag:s4] =	ssyncset.done $0x0  }
0x8e: {  	[sflag:s4] =	ssyncadd.s32 $0xFFFFB000  }
0x8f: {  	_ =	swait.ge [sflag:s4], $0x5000  }
0x90: {  	[sflag:s4] =	ssyncset.done $0x0  }
0x91: {  	s11 =	rddreg [dreg:$0xb];
	[sflag:s4] =	ssyncadd.s32 $0xFFFFB000  }
0x92: {  	[hbm4b:s11+s2] =	stream.linear.scatter [tilespmem:s6], [sflag:$0x2], $0xA000, $0x38;
	[tilespmem:$0x1C340] =	vst v63  }
0x93: {  	_ =	swait.ge [sflag:s8], $0xA000  }
0x94: {  	[sflag:s8] =	ssyncset.done $0x0  }
0x95: {  	s12 =	simm.s32 $0x3C00;
	[sflag:s8] =	ssyncadd.s32 $0xFFFF6000  }
0x96: {  	[tilespmem:s0], [sflag:$0x1] =	stream.indirect.gather [spmem:s1], $0x40, s12, s5, $0xb8;
	[tilespmem:$0x1C340] =	vst v63  }
0x97: {  	s13 =	simm.s32 $0x3D40;
	s10 =	simm.s32 $0xC80;
	s11 =	simm.s32 $0x640  }
0x98: {  	[tilespmem:s3], [sflag:$0x1] =	stream.indirect.gather [spmem:s1], $0x40, s13, s5, $0xb8;
	[tilespmem:$0x1C340] =	vst v63  }
0x99: {  	v5 =	vor.u32 s10, v0;
	s12 =	simm.s32 $0x1F40;
	v3 =	vld [tilespmem:s11+$0x0]  }
0x9a: {  	v5 =	vand.u32 v1, v5;
	s13 =	simm.s32 $0xCA0;
	v4 =	vld [tilespmem:s12+$0x0]  }
.LBB2_12:
0x9b: {  	p1 =	sne.s32 s13, $0xEE0;
	v6 =	vor.u32 s10, v2;
	s10 =	smov.u32 s13;
	_ =	sdelay $0x2  }
.Ltmp5:
0x9c: {  	(pc) =	sbr.rel @p1 .LBB2_12-.Ltmp5, $4  }
0x9d: {  	v4 =	vadd.s32 $0x3E8, v4;
	[tilespmem:v5+s31+$0x0] =	vst.idx.msk $0xffff, v3  }
0x9e: {  	s11 =	sadd.s32 $0x10, s11;
	[tilespmem:v6+s31+$0x0] =	vst.idx.msk $0xffff, v4  }
0x9f: {  	s12 =	sadd.s32 $0x10, s12;
	v5 =	vor.u32 s13, v0;
	v3 =	vld [tilespmem:s11+$0x0]  }
0xa0: {  	s13 =	sadd.s32 $0x20, s13;
	v5 =	vand.u32 v1, v5;
	v4 =	vld [tilespmem:s12+$0x0]  }
0xa1: {  	v6 =	vor.u32 s10, v2;
	_ =	sdelay $0x3  }
0xa2: {  	[tilespmem:v5+s31+$0x0] =	vst.idx.msk $0xffff, v3;
	v4 =	vadd.s32 $0x3E8, v4  }
0xa3: {  	[tilespmem:v6+s31+$0x0] =	vst.idx.msk $0xffff, v4  }
0xa4: {  	_ =	swait.ge [sflag:s4], $0x5000  }
0xa5: {  	[sflag:s4] =	ssyncset.done $0x0  }
0xa6: {  	[sflag:s4] =	ssyncadd.s32 $0xFFFFB000  }
0xa7: {  	_ =	swait.ge [sflag:s4], $0x5000  }
0xa8: {  	[sflag:s4] =	ssyncset.done $0x0  }
0xa9: {  	s11 =	rddreg [dreg:$0xc];
	[sflag:s4] =	ssyncadd.s32 $0xFFFFB000  }
0xaa: {  	[hbm4b:s11+s2] =	stream.linear.scatter [tilespmem:s0], [sflag:$0x2], $0xA000, $0x38;
	[tilespmem:$0x1C340] =	vst v63  }
0xab: {  	_ =	swait.ge [sflag:s8], $0xA000  }
0xac: {  	[sflag:s8] =	ssyncset.done $0x0  }
0xad: {  	s12 =	simm.s32 $0x3E80;
	[sflag:s8] =	ssyncadd.s32 $0xFFFF6000  }
0xae: {  	[tilespmem:s6], [sflag:$0x1] =	stream.indirect.gather [spmem:s1], $0x40, s12, s5, $0xb8;
	[tilespmem:$0x1C340] =	vst v63  }
0xaf: {  	s13 =	simm.s32 $0x3FC0;
	s10 =	simm.s32 $0xF00;
	s11 =	simm.s32 $0x780  }
0xb0: {  	[tilespmem:s7], [sflag:$0x1] =	stream.indirect.gather [spmem:s1], $0x40, s13, s5, $0xb8;
	[tilespmem:$0x1C340] =	vst v63  }
0xb1: {  	v5 =	vor.u32 s10, v0;
	s12 =	simm.s32 $0x2080;
	v3 =	vld [tilespmem:s11+$0x0]  }
0xb2: {  	v5 =	vand.u32 v1, v5;
	s13 =	simm.s32 $0xF20;
	v4 =	vld [tilespmem:s12+$0x0]  }
.LBB2_14:
0xb3: {  	p1 =	sne.s32 s13, $0x1160;
	v6 =	vor.u32 s10, v2;
	s10 =	smov.u32 s13;
	_ =	sdelay $0x2  }
.Ltmp6:
0xb4: {  	(pc) =	sbr.rel @p1 .LBB2_14-.Ltmp6, $4  }
0xb5: {  	v4 =	vadd.s32 $0x3E8, v4;
	[tilespmem:v5+s31+$0x0] =	vst.idx.msk $0xffff, v3  }
0xb6: {  	s11 =	sadd.s32 $0x10, s11;
	[tilespmem:v6+s31+$0x0] =	vst.idx.msk $0xffff, v4  }
0xb7: {  	s12 =	sadd.s32 $0x10, s12;
	v5 =	vor.u32 s13, v0;
	v3 =	vld [tilespmem:s11+$0x0]  }
0xb8: {  	s13 =	sadd.s32 $0x20, s13;
	v5 =	vand.u32 v1, v5;
	v4 =	vld [tilespmem:s12+$0x0]  }
0xb9: {  	v6 =	vor.u32 s10, v2;
	_ =	sdelay $0x3  }
0xba: {  	[tilespmem:v5+s31+$0x0] =	vst.idx.msk $0xffff, v3;
	v4 =	vadd.s32 $0x3E8, v4  }
0xbb: {  	[tilespmem:v6+s31+$0x0] =	vst.idx.msk $0xffff, v4  }
0xbc: {  	_ =	swait.ge [sflag:s4], $0x5000  }
0xbd: {  	[sflag:s4] =	ssyncset.done $0x0  }
0xbe: {  	[sflag:s4] =	ssyncadd.s32 $0xFFFFB000  }
0xbf: {  	_ =	swait.ge [sflag:s4], $0x5000  }
0xc0: {  	[sflag:s4] =	ssyncset.done $0x0  }
0xc1: {  	s11 =	rddreg [dreg:$0xd];
	[sflag:s4] =	ssyncadd.s32 $0xFFFFB000  }
0xc2: {  	[hbm4b:s11+s2] =	stream.linear.scatter [tilespmem:s6], [sflag:$0x2], $0xA000, $0x38;
	[tilespmem:$0x1C340] =	vst v63  }
0xc3: {  	_ =	swait.ge [sflag:s8], $0xA000  }
0xc4: {  	[sflag:s8] =	ssyncset.done $0x0  }
0xc5: {  	s12 =	simm.s32 $0x4100;
	[sflag:s8] =	ssyncadd.s32 $0xFFFF6000  }
0xc6: {  	[tilespmem:s0], [sflag:$0x1] =	stream.indirect.gather [spmem:s1], $0x40, s12, s5, $0xb8;
	[tilespmem:$0x1C340] =	vst v63  }
0xc7: {  	s13 =	simm.s32 $0x4240;
	s10 =	simm.s32 $0x1180;
	s11 =	simm.s32 $0x8C0  }
0xc8: {  	[tilespmem:s3], [sflag:$0x1] =	stream.indirect.gather [spmem:s1], $0x40, s13, s5, $0xb8;
	[tilespmem:$0x1C340] =	vst v63  }
0xc9: {  	v5 =	vor.u32 s10, v0;
	s12 =	simm.s32 $0x21C0;
	v3 =	vld [tilespmem:s11+$0x0]  }
0xca: {  	v5 =	vand.u32 v1, v5;
	s13 =	simm.s32 $0x11A0;
	v4 =	vld [tilespmem:s12+$0x0]  }
.LBB2_16:
0xcb: {  	p1 =	sne.s32 s13, $0x13E0;
	v6 =	vor.u32 s10, v2;
	s10 =	smov.u32 s13;
	_ =	sdelay $0x2  }
.Ltmp7:
0xcc: {  	(pc) =	sbr.rel @p1 .LBB2_16-.Ltmp7, $4  }
0xcd: {  	v4 =	vadd.s32 $0x3E8, v4;
	[tilespmem:v5+s31+$0x0] =	vst.idx.msk $0xffff, v3  }
0xce: {  	s11 =	sadd.s32 $0x10, s11;
	[tilespmem:v6+s31+$0x0] =	vst.idx.msk $0xffff, v4  }
0xcf: {  	s12 =	sadd.s32 $0x10, s12;
	v5 =	vor.u32 s13, v0;
	v3 =	vld [tilespmem:s11+$0x0]  }
0xd0: {  	s13 =	sadd.s32 $0x20, s13;
	v5 =	vand.u32 v1, v5;
	v4 =	vld [tilespmem:s12+$0x0]  }
0xd1: {  	v6 =	vor.u32 s10, v2;
	_ =	sdelay $0x3  }
0xd2: {  	[tilespmem:v5+s31+$0x0] =	vst.idx.msk $0xffff, v3;
	v4 =	vadd.s32 $0x3E8, v4  }
0xd3: {  	[tilespmem:v6+s31+$0x0] =	vst.idx.msk $0xffff, v4  }
0xd4: {  	_ =	swait.ge [sflag:s4], $0x5000  }
0xd5: {  	[sflag:s4] =	ssyncset.done $0x0  }
0xd6: {  	[sflag:s4] =	ssyncadd.s32 $0xFFFFB000  }
0xd7: {  	_ =	swait.ge [sflag:s4], $0x5000  }
0xd8: {  	[sflag:s4] =	ssyncset.done $0x0  }
0xd9: {  	s11 =	rddreg [dreg:$0xe];
	[sflag:s4] =	ssyncadd.s32 $0xFFFFB000  }
0xda: {  	[hbm4b:s11+s2] =	stream.linear.scatter [tilespmem:s0], [sflag:$0x2], $0xA000, $0x38;
	[tilespmem:$0x1C340] =	vst v63  }
0xdb: {  	_ =	swait.ge [sflag:s8], $0xA000  }
0xdc: {  	[sflag:s8] =	ssyncset.done $0x0  }
0xdd: {  	s12 =	simm.s32 $0x4380;
	[sflag:s8] =	ssyncadd.s32 $0xFFFF6000  }
0xde: {  	[tilespmem:s6], [sflag:$0x1] =	stream.indirect.gather [spmem:s1], $0x40, s12, s5, $0xb8;
	[tilespmem:$0x1C340] =	vst v63  }
0xdf: {  	s13 =	simm.s32 $0x44C0;
	s10 =	simm.s32 $0x1400;
	s11 =	simm.s32 $0xA00  }
0xe0: {  	[tilespmem:s7], [sflag:$0x1] =	stream.indirect.gather [spmem:s1], $0x40, s13, s5, $0xb8;
	[tilespmem:$0x1C340] =	vst v63  }
0xe1: {  	v5 =	vor.u32 s10, v0;
	s12 =	simm.s32 $0x2300;
	v3 =	vld [tilespmem:s11+$0x0]  }
0xe2: {  	v5 =	vand.u32 v1, v5;
	s13 =	simm.s32 $0x1420;
	v4 =	vld [tilespmem:s12+$0x0]  }
.LBB2_18:
0xe3: {  	p1 =	sne.s32 s13, $0x1660;
	v6 =	vor.u32 s10, v2;
	s10 =	smov.u32 s13;
	_ =	sdelay $0x2  }
.Ltmp8:
0xe4: {  	(pc) =	sbr.rel @p1 .LBB2_18-.Ltmp8, $4  }
0xe5: {  	v4 =	vadd.s32 $0x3E8, v4;
	[tilespmem:v5+s31+$0x0] =	vst.idx.msk $0xffff, v3  }
0xe6: {  	s11 =	sadd.s32 $0x10, s11;
	[tilespmem:v6+s31+$0x0] =	vst.idx.msk $0xffff, v4  }
0xe7: {  	s12 =	sadd.s32 $0x10, s12;
	v5 =	vor.u32 s13, v0;
	v3 =	vld [tilespmem:s11+$0x0]  }
0xe8: {  	s13 =	sadd.s32 $0x20, s13;
	v5 =	vand.u32 v1, v5;
	v4 =	vld [tilespmem:s12+$0x0]  }
0xe9: {  	v6 =	vor.u32 s10, v2;
	_ =	sdelay $0x3  }
0xea: {  	[tilespmem:v5+s31+$0x0] =	vst.idx.msk $0xffff, v3;
	v4 =	vadd.s32 $0x3E8, v4  }
0xeb: {  	[tilespmem:v6+s31+$0x0] =	vst.idx.msk $0xffff, v4  }
0xec: {  	_ =	swait.ge [sflag:s4], $0x5000  }
0xed: {  	[sflag:s4] =	ssyncset.done $0x0  }
0xee: {  	[sflag:s4] =	ssyncadd.s32 $0xFFFFB000  }
0xef: {  	_ =	swait.ge [sflag:s4], $0x5000  }
0xf0: {  	[sflag:s4] =	ssyncset.done $0x0  }
0xf1: {  	[sflag:s4] =	ssyncadd.s32 $0xFFFFB000  }
0xf2: {  	[hbm4b:s14+s2] =	stream.linear.scatter [tilespmem:s6], [sflag:$0x2], $0xA000, $0x38;
	[tilespmem:$0x1C340] =	vst v63  }
0xf3: {  	_ =	swait.ge [sflag:s8], $0xA000  }
0xf4: {  	[sflag:s8] =	ssyncset.done $0x0  }
0xf5: {  	s12 =	simm.s32 $0x4600;
	[sflag:s8] =	ssyncadd.s32 $0xFFFF6000  }
0xf6: {  	[tilespmem:s0], [sflag:$0x1] =	stream.indirect.gather [spmem:s1], $0x40, s12, s5, $0xb8;
	[tilespmem:$0x1C340] =	vst v63  }
0xf7: {  	s13 =	simm.s32 $0x4740;
	s10 =	simm.s32 $0x1680;
	s11 =	simm.s32 $0xB40  }
0xf8: {  	[tilespmem:s3], [sflag:$0x1] =	stream.indirect.gather [spmem:s1], $0x40, s13, s5, $0xb8;
	[tilespmem:$0x1C340] =	vst v63  }
0xf9: {  	v5 =	vor.u32 s10, v0;
	s12 =	simm.s32 $0x2440;
	v3 =	vld [tilespmem:s11+$0x0]  }
0xfa: {  	v5 =	vand.u32 v1, v5;
	s13 =	simm.s32 $0x16A0;
	v4 =	vld [tilespmem:s12+$0x0]  }
.LBB2_20:
0xfb: {  	p1 =	sne.s32 s13, $0x18E0;
	v6 =	vor.u32 s10, v2;
	s10 =	smov.u32 s13;
	_ =	sdelay $0x2  }
.Ltmp9:
0xfc: {  	(pc) =	sbr.rel @p1 .LBB2_20-.Ltmp9, $4  }
0xfd: {  	v4 =	vadd.s32 $0x3E8, v4;
	[tilespmem:v5+s31+$0x0] =	vst.idx.msk $0xffff, v3  }
0xfe: {  	s11 =	sadd.s32 $0x10, s11;
	[tilespmem:v6+s31+$0x0] =	vst.idx.msk $0xffff, v4  }
0xff: {  	s12 =	sadd.s32 $0x10, s12;
	v5 =	vor.u32 s13, v0;
	v3 =	vld [tilespmem:s11+$0x0]  }
0x100: {  	s13 =	sadd.s32 $0x20, s13;
	v5 =	vand.u32 v1, v5;
	v4 =	vld [tilespmem:s12+$0x0]  }
0x101: {  	v6 =	vor.u32 s10, v2;
	_ =	sdelay $0x3  }
0x102: {  	[tilespmem:v5+s31+$0x0] =	vst.idx.msk $0xffff, v3;
	v4 =	vadd.s32 $0x3E8, v4  }
0x103: {  	[tilespmem:v6+s31+$0x0] =	vst.idx.msk $0xffff, v4  }
0x104: {  	_ =	swait.ge [sflag:s4], $0x5000  }
0x105: {  	[sflag:s4] =	ssyncset.done $0x0  }
0x106: {  	[sflag:s4] =	ssyncadd.s32 $0xFFFFB000  }
0x107: {  	_ =	swait.ge [sflag:s4], $0x5000  }
0x108: {  	[sflag:s4] =	ssyncset.done $0x0  }
0x109: {  	[sflag:s4] =	ssyncadd.s32 $0xFFFFB000  }
0x10a: {  	[hbm4b:s15+s2] =	stream.linear.scatter [tilespmem:s0], [sflag:$0x2], $0xA000, $0x38;
	[tilespmem:$0x1C340] =	vst v63  }
0x10b: {  	_ =	swait.ge [sflag:s8], $0xA000  }
0x10c: {  	[sflag:s8] =	ssyncset.done $0x0  }
0x10d: {  	s12 =	simm.s32 $0x4880;
	[sflag:s8] =	ssyncadd.s32 $0xFFFF6000  }
0x10e: {  	[tilespmem:s6], [sflag:$0x1] =	stream.indirect.gather [spmem:s1], $0x40, s12, s5, $0xb8;
	[tilespmem:$0x1C340] =	vst v63  }
0x10f: {  	s13 =	simm.s32 $0x49C0;
	s10 =	simm.s32 $0x1900;
	s11 =	simm.s32 $0xC80  }
0x110: {  	[tilespmem:s7], [sflag:$0x1] =	stream.indirect.gather [spmem:s1], $0x40, s13, s5, $0xb8;
	[tilespmem:$0x1C340] =	vst v63  }
0x111: {  	v5 =	vor.u32 s10, v0;
	s12 =	simm.s32 $0x2580;
	v3 =	vld [tilespmem:s11+$0x0]  }
0x112: {  	v5 =	vand.u32 v1, v5;
	s13 =	simm.s32 $0x1920;
	v4 =	vld [tilespmem:s12+$0x0]  }
.LBB2_22:
0x113: {  	p1 =	sne.s32 s13, $0x1B60;
	v6 =	vor.u32 s10, v2;
	s10 =	smov.u32 s13;
	_ =	sdelay $0x2  }
.Ltmp10:
0x114: {  	(pc) =	sbr.rel @p1 .LBB2_22-.Ltmp10, $4  }
0x115: {  	v4 =	vadd.s32 $0x3E8, v4;
	[tilespmem:v5+s31+$0x0] =	vst.idx.msk $0xffff, v3  }
0x116: {  	s11 =	sadd.s32 $0x10, s11;
	[tilespmem:v6+s31+$0x0] =	vst.idx.msk $0xffff, v4  }
0x117: {  	s12 =	sadd.s32 $0x10, s12;
	v5 =	vor.u32 s13, v0;
	v3 =	vld [tilespmem:s11+$0x0]  }
0x118: {  	s13 =	sadd.s32 $0x20, s13;
	v5 =	vand.u32 v1, v5;
	v4 =	vld [tilespmem:s12+$0x0]  }
0x119: {  	v6 =	vor.u32 s10, v2;
	_ =	sdelay $0x3  }
0x11a: {  	[tilespmem:v5+s31+$0x0] =	vst.idx.msk $0xffff, v3;
	v4 =	vadd.s32 $0x3E8, v4  }
0x11b: {  	[tilespmem:v6+s31+$0x0] =	vst.idx.msk $0xffff, v4  }
0x11c: {  	_ =	swait.ge [sflag:s4], $0x5000  }
0x11d: {  	[sflag:s4] =	ssyncset.done $0x0  }
0x11e: {  	[sflag:s4] =	ssyncadd.s32 $0xFFFFB000  }
0x11f: {  	_ =	swait.ge [sflag:s4], $0x5000  }
0x120: {  	[sflag:s4] =	ssyncset.done $0x0  }
0x121: {  	[sflag:s4] =	ssyncadd.s32 $0xFFFFB000  }
0x122: {  	[hbm4b:s16+s2] =	stream.linear.scatter [tilespmem:s6], [sflag:$0x2], $0xA000, $0x38;
	[tilespmem:$0x1C340] =	vst v63  }
0x123: {  	_ =	swait.ge [sflag:s8], $0xA000  }
0x124: {  	[sflag:s8] =	ssyncset.done $0x0  }
0x125: {  	s12 =	simm.s32 $0x4B00;
	[sflag:s8] =	ssyncadd.s32 $0xFFFF6000  }
0x126: {  	[tilespmem:s0], [sflag:$0x1] =	stream.indirect.gather [spmem:s1], $0x40, s12, s5, $0xb8;
	[tilespmem:$0x1C340] =	vst v63  }
0x127: {  	s13 =	simm.s32 $0x4C40;
	s10 =	simm.s32 $0x1B80;
	s11 =	simm.s32 $0xDC0  }
0x128: {  	[tilespmem:s3], [sflag:$0x1] =	stream.indirect.gather [spmem:s1], $0x40, s13, s5, $0xb8;
	[tilespmem:$0x1C340] =	vst v63  }
0x129: {  	v5 =	vor.u32 s10, v0;
	s12 =	simm.s32 $0x26C0;
	v3 =	vld [tilespmem:s11+$0x0]  }
0x12a: {  	v5 =	vand.u32 v1, v5;
	s13 =	simm.s32 $0x1BA0;
	v4 =	vld [tilespmem:s12+$0x0]  }
.LBB2_24:
0x12b: {  	p1 =	sne.s32 s13, $0x1DE0;
	v6 =	vor.u32 s10, v2;
	s10 =	smov.u32 s13;
	_ =	sdelay $0x2  }
.Ltmp11:
0x12c: {  	(pc) =	sbr.rel @p1 .LBB2_24-.Ltmp11, $4  }
0x12d: {  	v4 =	vadd.s32 $0x3E8, v4;
	[tilespmem:v5+s31+$0x0] =	vst.idx.msk $0xffff, v3  }
0x12e: {  	s11 =	sadd.s32 $0x10, s11;
	[tilespmem:v6+s31+$0x0] =	vst.idx.msk $0xffff, v4  }
0x12f: {  	s12 =	sadd.s32 $0x10, s12;
	v5 =	vor.u32 s13, v0;
	v3 =	vld [tilespmem:s11+$0x0]  }
0x130: {  	s13 =	sadd.s32 $0x20, s13;
	v5 =	vand.u32 v1, v5;
	v4 =	vld [tilespmem:s12+$0x0]  }
0x131: {  	v6 =	vor.u32 s10, v2;
	_ =	sdelay $0x3  }
0x132: {  	[tilespmem:v5+s31+$0x0] =	vst.idx.msk $0xffff, v3;
	v4 =	vadd.s32 $0x3E8, v4  }
0x133: {  	[tilespmem:v6+s31+$0x0] =	vst.idx.msk $0xffff, v4  }
0x134: {  	_ =	swait.ge [sflag:s4], $0x5000  }
0x135: {  	[sflag:s4] =	ssyncset.done $0x0  }
0x136: {  	[sflag:s4] =	ssyncadd.s32 $0xFFFFB000  }
0x137: {  	_ =	swait.ge [sflag:s4], $0x5000  }
0x138: {  	[sflag:s4] =	ssyncset.done $0x0  }
0x139: {  	[sflag:s4] =	ssyncadd.s32 $0xFFFFB000  }
0x13a: {  	[hbm4b:s17+s2] =	stream.linear.scatter [tilespmem:s0], [sflag:$0x2], $0xA000, $0x38;
	[tilespmem:$0x1C340] =	vst v63  }
0x13b: {  	_ =	swait.ge [sflag:s8], $0xA000  }
0x13c: {  	[sflag:s8] =	ssyncset.done $0x0  }
0x13d: {  	s12 =	simm.s32 $0x4D80;
	[sflag:s8] =	ssyncadd.s32 $0xFFFF6000  }
0x13e: {  	[tilespmem:s6], [sflag:$0x1] =	stream.indirect.gather [spmem:s1], $0x40, s12, s5, $0xb8;
	[tilespmem:$0x1C340] =	vst v63  }
0x13f: {  	s13 =	simm.s32 $0x4EC0;
	s10 =	simm.s32 $0x1E00;
	s11 =	simm.s32 $0xF00  }
0x140: {  	[tilespmem:s7], [sflag:$0x1] =	stream.indirect.gather [spmem:s1], $0x40, s13, s5, $0xb8;
	[tilespmem:$0x1C340] =	vst v63  }
0x141: {  	v5 =	vor.u32 s10, v0;
	s12 =	simm.s32 $0x2800;
	v3 =	vld [tilespmem:s11+$0x0]  }
0x142: {  	v5 =	vand.u32 v1, v5;
	s13 =	simm.s32 $0x1E20;
	v4 =	vld [tilespmem:s12+$0x0]  }
.LBB2_26:
0x143: {  	p1 =	sne.s32 s13, $0x2060;
	v6 =	vor.u32 s10, v2;
	s10 =	smov.u32 s13;
	_ =	sdelay $0x2  }
.Ltmp12:
0x144: {  	(pc) =	sbr.rel @p1 .LBB2_26-.Ltmp12, $4  }
0x145: {  	v4 =	vadd.s32 $0x3E8, v4;
	[tilespmem:v5+s31+$0x0] =	vst.idx.msk $0xffff, v3  }
0x146: {  	s11 =	sadd.s32 $0x10, s11;
	[tilespmem:v6+s31+$0x0] =	vst.idx.msk $0xffff, v4  }
0x147: {  	s12 =	sadd.s32 $0x10, s12;
	v5 =	vor.u32 s13, v0;
	v3 =	vld [tilespmem:s11+$0x0]  }
0x148: {  	s13 =	sadd.s32 $0x20, s13;
	v5 =	vand.u32 v1, v5;
	v4 =	vld [tilespmem:s12+$0x0]  }
0x149: {  	v6 =	vor.u32 s10, v2;
	_ =	sdelay $0x3  }
0x14a: {  	[tilespmem:v5+s31+$0x0] =	vst.idx.msk $0xffff, v3;
	v4 =	vadd.s32 $0x3E8, v4  }
0x14b: {  	[tilespmem:v6+s31+$0x0] =	vst.idx.msk $0xffff, v4  }
0x14c: {  	_ =	swait.ge [sflag:s4], $0x5000  }
0x14d: {  	[sflag:s4] =	ssyncset.done $0x0  }
0x14e: {  	[sflag:s4] =	ssyncadd.s32 $0xFFFFB000  }
0x14f: {  	_ =	swait.ge [sflag:s4], $0x5000  }
0x150: {  	[sflag:s4] =	ssyncset.done $0x0  }
0x151: {  	[sflag:s4] =	ssyncadd.s32 $0xFFFFB000  }
0x152: {  	[hbm4b:s18+s2] =	stream.linear.scatter [tilespmem:s6], [sflag:$0x2], $0xA000, $0x38;
	[tilespmem:$0x1C340] =	vst v63  }
0x153: {  	_ =	swait.ge [sflag:s8], $0xA000  }
0x154: {  	[sflag:s8] =	ssyncset.done $0x0  }
0x155: {  	s12 =	simm.s32 $0x5000;
	[sflag:s8] =	ssyncadd.s32 $0xFFFF6000  }
0x156: {  	[tilespmem:s0], [sflag:$0x1] =	stream.indirect.gather [spmem:s1], $0x40, s12, s5, $0xb8;
	[tilespmem:$0x1C340] =	vst v63  }
0x157: {  	s13 =	simm.s32 $0x5140;
	s10 =	simm.s32 $0x2080;
	s11 =	simm.s32 $0x1040  }
0x158: {  	[tilespmem:s3], [sflag:$0x1] =	stream.indirect.gather [spmem:s1], $0x40, s13, s5, $0xb8;
	[tilespmem:$0x1C340] =	vst v63  }
0x159: {  	v5 =	vor.u32 s10, v0;
	s12 =	simm.s32 $0x2940;
	v3 =	vld [tilespmem:s11+$0x0]  }
0x15a: {  	v5 =	vand.u32 v1, v5;
	s13 =	simm.s32 $0x20A0;
	v4 =	vld [tilespmem:s12+$0x0]  }
.LBB2_28:
0x15b: {  	p1 =	sne.s32 s13, $0x22E0;
	v6 =	vor.u32 s10, v2;
	s10 =	smov.u32 s13;
	_ =	sdelay $0x2  }
.Ltmp13:
0x15c: {  	(pc) =	sbr.rel @p1 .LBB2_28-.Ltmp13, $4  }
0x15d: {  	v4 =	vadd.s32 $0x3E8, v4;
	[tilespmem:v5+s31+$0x0] =	vst.idx.msk $0xffff, v3  }
0x15e: {  	s11 =	sadd.s32 $0x10, s11;
	[tilespmem:v6+s31+$0x0] =	vst.idx.msk $0xffff, v4  }
0x15f: {  	s12 =	sadd.s32 $0x10, s12;
	v5 =	vor.u32 s13, v0;
	v3 =	vld [tilespmem:s11+$0x0]  }
0x160: {  	s13 =	sadd.s32 $0x20, s13;
	v5 =	vand.u32 v1, v5;
	v4 =	vld [tilespmem:s12+$0x0]  }
0x161: {  	v6 =	vor.u32 s10, v2;
	_ =	sdelay $0x3  }
0x162: {  	[tilespmem:v5+s31+$0x0] =	vst.idx.msk $0xffff, v3;
	v4 =	vadd.s32 $0x3E8, v4  }
0x163: {  	[tilespmem:v6+s31+$0x0] =	vst.idx.msk $0xffff, v4  }
0x164: {  	_ =	swait.ge [sflag:s4], $0x5000  }
0x165: {  	[sflag:s4] =	ssyncset.done $0x0  }
0x166: {  	[sflag:s4] =	ssyncadd.s32 $0xFFFFB000  }
0x167: {  	_ =	swait.ge [sflag:s4], $0x5000  }
0x168: {  	[sflag:s4] =	ssyncset.done $0x0  }
0x169: {  	[sflag:s4] =	ssyncadd.s32 $0xFFFFB000  }
0x16a: {  	[hbm4b:s19+s2] =	stream.linear.scatter [tilespmem:s0], [sflag:$0x2], $0xA000, $0x38;
	[tilespmem:$0x1C340] =	vst v63  }
0x16b: {  	_ =	swait.ge [sflag:s8], $0xA000  }
0x16c: {  	[sflag:s8] =	ssyncset.done $0x0  }
0x16d: {  	s12 =	simm.s32 $0x5280;
	[sflag:s8] =	ssyncadd.s32 $0xFFFF6000  }
0x16e: {  	[tilespmem:s6], [sflag:$0x1] =	stream.indirect.gather [spmem:s1], $0x40, s12, s5, $0xb8;
	[tilespmem:$0x1C340] =	vst v63  }
0x16f: {  	s13 =	simm.s32 $0x53C0;
	s10 =	simm.s32 $0x2300;
	s11 =	simm.s32 $0x1180  }
0x170: {  	[tilespmem:s7], [sflag:$0x1] =	stream.indirect.gather [spmem:s1], $0x40, s13, s5, $0xb8;
	[tilespmem:$0x1C340] =	vst v63  }
0x171: {  	v5 =	vor.u32 s10, v0;
	s12 =	simm.s32 $0x2A80;
	v3 =	vld [tilespmem:s11+$0x0]  }
0x172: {  	v5 =	vand.u32 v1, v5;
	s13 =	simm.s32 $0x2320;
	v4 =	vld [tilespmem:s12+$0x0]  }
.LBB2_30:
0x173: {  	p1 =	sne.s32 s13, $0x2560;
	v6 =	vor.u32 s10, v2;
	s10 =	smov.u32 s13;
	_ =	sdelay $0x2  }
.Ltmp14:
0x174: {  	(pc) =	sbr.rel @p1 .LBB2_30-.Ltmp14, $4  }
0x175: {  	v4 =	vadd.s32 $0x3E8, v4;
	[tilespmem:v5+s31+$0x0] =	vst.idx.msk $0xffff, v3  }
0x176: {  	s11 =	sadd.s32 $0x10, s11;
	[tilespmem:v6+s31+$0x0] =	vst.idx.msk $0xffff, v4  }
0x177: {  	s12 =	sadd.s32 $0x10, s12;
	v5 =	vor.u32 s13, v0;
	v3 =	vld [tilespmem:s11+$0x0]  }
0x178: {  	s13 =	sadd.s32 $0x20, s13;
	v5 =	vand.u32 v1, v5;
	v4 =	vld [tilespmem:s12+$0x0]  }
0x179: {  	v6 =	vor.u32 s10, v2;
	_ =	sdelay $0x3  }
0x17a: {  	[tilespmem:v5+s31+$0x0] =	vst.idx.msk $0xffff, v3;
	v4 =	vadd.s32 $0x3E8, v4  }
0x17b: {  	[tilespmem:v6+s31+$0x0] =	vst.idx.msk $0xffff, v4  }
0x17c: {  	_ =	swait.ge [sflag:s4], $0x5000  }
0x17d: {  	[sflag:s4] =	ssyncset.done $0x0  }
0x17e: {  	[sflag:s4] =	ssyncadd.s32 $0xFFFFB000  }
0x17f: {  	_ =	swait.ge [sflag:s4], $0x5000  }
0x180: {  	[sflag:s4] =	ssyncset.done $0x0  }
0x181: {  	[sflag:s4] =	ssyncadd.s32 $0xFFFFB000  }
0x182: {  	[hbm4b:s20+s2] =	stream.linear.scatter [tilespmem:s6], [sflag:$0x2], $0xA000, $0x38;
	[tilespmem:$0x1C340] =	vst v63  }
0x183: {  	_ =	swait.ge [sflag:s8], $0xA000  }
0x184: {  	[sflag:s8] =	ssyncset.done $0x0  }
0x185: {  	s12 =	simm.s32 $0x5500;
	[sflag:s8] =	ssyncadd.s32 $0xFFFF6000  }
0x186: {  	[tilespmem:s0], [sflag:$0x1] =	stream.indirect.gather [spmem:s1], $0x40, s12, s5, $0xb8;
	[tilespmem:$0x1C340] =	vst v63  }
0x187: {  	s13 =	simm.s32 $0x5640;
	s10 =	simm.s32 $0x2580;
	s11 =	simm.s32 $0x12C0  }
0x188: {  	[tilespmem:s3], [sflag:$0x1] =	stream.indirect.gather [spmem:s1], $0x40, s13, s5, $0xb8;
	[tilespmem:$0x1C340] =	vst v63  }
0x189: {  	v5 =	vor.u32 s10, v0;
	s12 =	simm.s32 $0x2BC0;
	v3 =	vld [tilespmem:s11+$0x0]  }
0x18a: {  	v5 =	vand.u32 v1, v5;
	s13 =	simm.s32 $0x25A0;
	v4 =	vld [tilespmem:s12+$0x0]  }
.LBB2_32:
0x18b: {  	p1 =	sne.s32 s13, $0x27E0;
	v6 =	vor.u32 s10, v2;
	s10 =	smov.u32 s13;
	_ =	sdelay $0x2  }
.Ltmp15:
0x18c: {  	(pc) =	sbr.rel @p1 .LBB2_32-.Ltmp15, $4  }
0x18d: {  	v4 =	vadd.s32 $0x3E8, v4;
	[tilespmem:v5+s31+$0x0] =	vst.idx.msk $0xffff, v3  }
0x18e: {  	s11 =	sadd.s32 $0x10, s11;
	[tilespmem:v6+s31+$0x0] =	vst.idx.msk $0xffff, v4  }
0x18f: {  	s12 =	sadd.s32 $0x10, s12;
	v5 =	vor.u32 s13, v0;
	v3 =	vld [tilespmem:s11+$0x0]  }
0x190: {  	s13 =	sadd.s32 $0x20, s13;
	v5 =	vand.u32 v1, v5;
	v4 =	vld [tilespmem:s12+$0x0]  }
0x191: {  	v6 =	vor.u32 s10, v2;
	_ =	sdelay $0x3  }
0x192: {  	[tilespmem:v5+s31+$0x0] =	vst.idx.msk $0xffff, v3;
	v4 =	vadd.s32 $0x3E8, v4  }
0x193: {  	[tilespmem:v6+s31+$0x0] =	vst.idx.msk $0xffff, v4  }
0x194: {  	_ =	swait.ge [sflag:s4], $0x5000  }
0x195: {  	[sflag:s4] =	ssyncset.done $0x0  }
0x196: {  	[sflag:s4] =	ssyncadd.s32 $0xFFFFB000  }
0x197: {  	_ =	swait.ge [sflag:s4], $0x5000  }
0x198: {  	[sflag:s4] =	ssyncset.done $0x0  }
0x199: {  	[sflag:s4] =	ssyncadd.s32 $0xFFFFB000  }
0x19a: {  	[hbm4b:s21+s2] =	stream.linear.scatter [tilespmem:s0], [sflag:$0x2], $0xA000, $0x38;
	[tilespmem:$0x1C340] =	vst v63  }
0x19b: {  	_ =	swait.ge [sflag:s8], $0xA000  }
0x19c: {  	[sflag:s8] =	ssyncset.done $0x0  }
0x19d: {  	s12 =	simm.s32 $0x5780;
	[sflag:s8] =	ssyncadd.s32 $0xFFFF6000  }
0x19e: {  	[tilespmem:s6], [sflag:$0x1] =	stream.indirect.gather [spmem:s1], $0x40, s12, s5, $0xb8;
	[tilespmem:$0x1C340] =	vst v63  }
0x19f: {  	s13 =	simm.s32 $0x58C0;
	s10 =	simm.s32 $0x2800;
	s11 =	simm.s32 $0x1400  }
0x1a0: {  	[tilespmem:s7], [sflag:$0x1] =	stream.indirect.gather [spmem:s1], $0x40, s13, s5, $0xb8;
	[tilespmem:$0x1C340] =	vst v63  }
0x1a1: {  	v5 =	vor.u32 s10, v0;
	s12 =	simm.s32 $0x2D00;
	v3 =	vld [tilespmem:s11+$0x0]  }
0x1a2: {  	v5 =	vand.u32 v1, v5;
	s13 =	simm.s32 $0x2820;
	v4 =	vld [tilespmem:s12+$0x0]  }
.LBB2_34:
0x1a3: {  	p1 =	sne.s32 s13, $0x2A60;
	v6 =	vor.u32 s10, v2;
	s10 =	smov.u32 s13;
	_ =	sdelay $0x2  }
.Ltmp16:
0x1a4: {  	(pc) =	sbr.rel @p1 .LBB2_34-.Ltmp16, $4  }
0x1a5: {  	v4 =	vadd.s32 $0x3E8, v4;
	[tilespmem:v5+s31+$0x0] =	vst.idx.msk $0xffff, v3  }
0x1a6: {  	s11 =	sadd.s32 $0x10, s11;
	[tilespmem:v6+s31+$0x0] =	vst.idx.msk $0xffff, v4  }
0x1a7: {  	s12 =	sadd.s32 $0x10, s12;
	v5 =	vor.u32 s13, v0;
	v3 =	vld [tilespmem:s11+$0x0]  }
0x1a8: {  	s13 =	sadd.s32 $0x20, s13;
	v5 =	vand.u32 v1, v5;
	v4 =	vld [tilespmem:s12+$0x0]  }
0x1a9: {  	v6 =	vor.u32 s10, v2;
	_ =	sdelay $0x3  }
0x1aa: {  	[tilespmem:v5+s31+$0x0] =	vst.idx.msk $0xffff, v3;
	v4 =	vadd.s32 $0x3E8, v4  }
0x1ab: {  	[tilespmem:v6+s31+$0x0] =	vst.idx.msk $0xffff, v4  }
0x1ac: {  	_ =	swait.ge [sflag:s4], $0x5000  }
0x1ad: {  	[sflag:s4] =	ssyncset.done $0x0  }
0x1ae: {  	[sflag:s4] =	ssyncadd.s32 $0xFFFFB000  }
0x1af: {  	_ =	swait.ge [sflag:s4], $0x5000  }
0x1b0: {  	[sflag:s4] =	ssyncset.done $0x0  }
0x1b1: {  	[sflag:s4] =	ssyncadd.s32 $0xFFFFB000  }
0x1b2: {  	[hbm4b:s22+s2] =	stream.linear.scatter [tilespmem:s6], [sflag:$0x2], $0xA000, $0x38;
	[tilespmem:$0x1C340] =	vst v63  }
0x1b3: {  	_ =	swait.ge [sflag:s8], $0xA000  }
0x1b4: {  	[sflag:s8] =	ssyncset.done $0x0  }
0x1b5: {  	s12 =	simm.s32 $0x5A00;
	[sflag:s8] =	ssyncadd.s32 $0xFFFF6000  }
0x1b6: {  	[tilespmem:s0], [sflag:$0x1] =	stream.indirect.gather [spmem:s1], $0x40, s12, s5, $0xb8;
	[tilespmem:$0x1C340] =	vst v63  }
0x1b7: {  	s13 =	simm.s32 $0x5B40;
	s10 =	simm.s32 $0x2A80;
	s11 =	simm.s32 $0x1540  }
0x1b8: {  	[tilespmem:s3], [sflag:$0x1] =	stream.indirect.gather [spmem:s1], $0x40, s13, s5, $0xb8;
	[tilespmem:$0x1C340] =	vst v63  }
0x1b9: {  	v5 =	vor.u32 s10, v0;
	s12 =	simm.s32 $0x2E40;
	v3 =	vld [tilespmem:s11+$0x0]  }
0x1ba: {  	v5 =	vand.u32 v1, v5;
	s13 =	simm.s32 $0x2AA0;
	v4 =	vld [tilespmem:s12+$0x0]  }
.LBB2_36:
0x1bb: {  	p1 =	sne.s32 s13, $0x2CE0;
	v6 =	vor.u32 s10, v2;
	s10 =	smov.u32 s13;
	_ =	sdelay $0x2  }
.Ltmp17:
0x1bc: {  	(pc) =	sbr.rel @p1 .LBB2_36-.Ltmp17, $4  }
0x1bd: {  	v4 =	vadd.s32 $0x3E8, v4;
	[tilespmem:v5+s31+$0x0] =	vst.idx.msk $0xffff, v3  }
0x1be: {  	s11 =	sadd.s32 $0x10, s11;
	[tilespmem:v6+s31+$0x0] =	vst.idx.msk $0xffff, v4  }
0x1bf: {  	s12 =	sadd.s32 $0x10, s12;
	v5 =	vor.u32 s13, v0;
	v3 =	vld [tilespmem:s11+$0x0]  }
0x1c0: {  	s13 =	sadd.s32 $0x20, s13;
	v5 =	vand.u32 v1, v5;
	v4 =	vld [tilespmem:s12+$0x0]  }
0x1c1: {  	v6 =	vor.u32 s10, v2;
	_ =	sdelay $0x3  }
0x1c2: {  	[tilespmem:v5+s31+$0x0] =	vst.idx.msk $0xffff, v3;
	v4 =	vadd.s32 $0x3E8, v4  }
0x1c3: {  	[tilespmem:v6+s31+$0x0] =	vst.idx.msk $0xffff, v4  }
0x1c4: {  	_ =	swait.ge [sflag:s4], $0x5000  }
0x1c5: {  	[sflag:s4] =	ssyncset.done $0x0  }
0x1c6: {  	[sflag:s4] =	ssyncadd.s32 $0xFFFFB000  }
0x1c7: {  	_ =	swait.ge [sflag:s4], $0x5000  }
0x1c8: {  	[sflag:s4] =	ssyncset.done $0x0  }
0x1c9: {  	[sflag:s4] =	ssyncadd.s32 $0xFFFFB000  }
0x1ca: {  	[hbm4b:s23+s2] =	stream.linear.scatter [tilespmem:s0], [sflag:$0x2], $0xA000, $0x38;
	[tilespmem:$0x1C340] =	vst v63  }
0x1cb: {  	_ =	swait.ge [sflag:s8], $0xA000  }
0x1cc: {  	[sflag:s8] =	ssyncset.done $0x0  }
0x1cd: {  	s12 =	simm.s32 $0x5C80;
	[sflag:s8] =	ssyncadd.s32 $0xFFFF6000  }
0x1ce: {  	[tilespmem:s6], [sflag:$0x1] =	stream.indirect.gather [spmem:s1], $0x40, s12, s5, $0xb8;
	[tilespmem:$0x1C340] =	vst v63  }
0x1cf: {  	s13 =	simm.s32 $0x5DC0;
	s10 =	simm.s32 $0x2D00;
	s11 =	simm.s32 $0x1680  }
0x1d0: {  	[tilespmem:s7], [sflag:$0x1] =	stream.indirect.gather [spmem:s1], $0x40, s13, s5, $0xb8;
	[tilespmem:$0x1C340] =	vst v63  }
0x1d1: {  	v5 =	vor.u32 s10, v0;
	s12 =	simm.s32 $0x2F80;
	v3 =	vld [tilespmem:s11+$0x0]  }
0x1d2: {  	v5 =	vand.u32 v1, v5;
	s13 =	simm.s32 $0x2D20;
	v4 =	vld [tilespmem:s12+$0x0]  }
.LBB2_38:
0x1d3: {  	p1 =	sne.s32 s13, $0x2F60;
	v6 =	vor.u32 s10, v2;
	s10 =	smov.u32 s13;
	_ =	sdelay $0x2  }
.Ltmp18:
0x1d4: {  	(pc) =	sbr.rel @p1 .LBB2_38-.Ltmp18, $4  }
0x1d5: {  	v4 =	vadd.s32 $0x3E8, v4;
	[tilespmem:v5+s31+$0x0] =	vst.idx.msk $0xffff, v3  }
0x1d6: {  	s11 =	sadd.s32 $0x10, s11;
	[tilespmem:v6+s31+$0x0] =	vst.idx.msk $0xffff, v4  }
0x1d7: {  	s12 =	sadd.s32 $0x10, s12;
	v5 =	vor.u32 s13, v0;
	v3 =	vld [tilespmem:s11+$0x0]  }
0x1d8: {  	s13 =	sadd.s32 $0x20, s13;
	v5 =	vand.u32 v1, v5;
	v4 =	vld [tilespmem:s12+$0x0]  }
0x1d9: {  	v6 =	vor.u32 s10, v2;
	_ =	sdelay $0x3  }
0x1da: {  	[tilespmem:v5+s31+$0x0] =	vst.idx.msk $0xffff, v3;
	v4 =	vadd.s32 $0x3E8, v4  }
0x1db: {  	[tilespmem:v6+s31+$0x0] =	vst.idx.msk $0xffff, v4  }
0x1dc: {  	_ =	swait.ge [sflag:s4], $0x5000  }
0x1dd: {  	[sflag:s4] =	ssyncset.done $0x0  }
0x1de: {  	[sflag:s4] =	ssyncadd.s32 $0xFFFFB000  }
0x1df: {  	_ =	swait.ge [sflag:s4], $0x5000  }
0x1e0: {  	[sflag:s4] =	ssyncset.done $0x0  }
0x1e1: {  	[sflag:s4] =	ssyncadd.s32 $0xFFFFB000  }
0x1e2: {  	[hbm4b:s24+s2] =	stream.linear.scatter [tilespmem:s6], [sflag:$0x2], $0xA000, $0x38;
	[tilespmem:$0x1C340] =	vst v63  }
0x1e3: {  	_ =	swait.ge [sflag:s8], $0xA000  }
0x1e4: {  	[sflag:s8] =	ssyncset.done $0x0  }
0x1e5: {  	s12 =	simm.s32 $0x5F00;
	[sflag:s8] =	ssyncadd.s32 $0xFFFF6000  }
0x1e6: {  	[tilespmem:s0], [sflag:$0x1] =	stream.indirect.gather [spmem:s1], $0x40, s12, s5, $0xb8;
	[tilespmem:$0x1C340] =	vst v63  }
0x1e7: {  	s13 =	simm.s32 $0x6040;
	s10 =	simm.s32 $0x2F80;
	s11 =	simm.s32 $0x17C0  }
0x1e8: {  	[tilespmem:s3], [sflag:$0x1] =	stream.indirect.gather [spmem:s1], $0x40, s13, s5, $0xb8;
	[tilespmem:$0x1C340] =	vst v63  }
0x1e9: {  	v5 =	vor.u32 s10, v0;
	s12 =	simm.s32 $0x30C0;
	v3 =	vld [tilespmem:s11+$0x0]  }
0x1ea: {  	v5 =	vand.u32 v1, v5;
	s13 =	simm.s32 $0x2FA0;
	v4 =	vld [tilespmem:s12+$0x0]  }
.LBB2_40:
0x1eb: {  	p1 =	sne.s32 s13, $0x31E0;
	v6 =	vor.u32 s10, v2;
	s10 =	smov.u32 s13;
	_ =	sdelay $0x2  }
.Ltmp19:
0x1ec: {  	(pc) =	sbr.rel @p1 .LBB2_40-.Ltmp19, $4  }
0x1ed: {  	v4 =	vadd.s32 $0x3E8, v4;
	[tilespmem:v5+s31+$0x0] =	vst.idx.msk $0xffff, v3  }
0x1ee: {  	s11 =	sadd.s32 $0x10, s11;
	[tilespmem:v6+s31+$0x0] =	vst.idx.msk $0xffff, v4  }
0x1ef: {  	s12 =	sadd.s32 $0x10, s12;
	v5 =	vor.u32 s13, v0;
	v3 =	vld [tilespmem:s11+$0x0]  }
0x1f0: {  	s13 =	sadd.s32 $0x20, s13;
	v5 =	vand.u32 v1, v5;
	v4 =	vld [tilespmem:s12+$0x0]  }
0x1f1: {  	v6 =	vor.u32 s10, v2;
	_ =	sdelay $0x3  }
0x1f2: {  	[tilespmem:v5+s31+$0x0] =	vst.idx.msk $0xffff, v3;
	v4 =	vadd.s32 $0x3E8, v4  }
0x1f3: {  	[tilespmem:v6+s31+$0x0] =	vst.idx.msk $0xffff, v4  }
0x1f4: {  	_ =	swait.ge [sflag:s4], $0x5000  }
0x1f5: {  	[sflag:s4] =	ssyncset.done $0x0  }
0x1f6: {  	[sflag:s4] =	ssyncadd.s32 $0xFFFFB000  }
0x1f7: {  	_ =	swait.ge [sflag:s4], $0x5000  }
0x1f8: {  	[sflag:s4] =	ssyncset.done $0x0  }
0x1f9: {  	[sflag:s4] =	ssyncadd.s32 $0xFFFFB000  }
0x1fa: {  	[hbm4b:s25+s2] =	stream.linear.scatter [tilespmem:s0], [sflag:$0x2], $0xA000, $0x38;
	[tilespmem:$0x1C340] =	vst v63  }
0x1fb: {  	_ =	swait.ge [sflag:s8], $0xA000  }
0x1fc: {  	[sflag:s8] =	ssyncset.done $0x0  }
0x1fd: {  	s12 =	simm.s32 $0x6180;
	[sflag:s8] =	ssyncadd.s32 $0xFFFF6000  }
0x1fe: {  	[tilespmem:s6], [sflag:$0x1] =	stream.indirect.gather [spmem:s1], $0x40, s12, s5, $0xb8;
	[tilespmem:$0x1C340] =	vst v63  }
0x1ff: {  	s13 =	simm.s32 $0x62C0  }
0x200: {  	[tilespmem:s7], [sflag:$0x1] =	stream.indirect.gather [spmem:s1], $0x40, s13, s5, $0xb8;
	[tilespmem:$0x1C340] =	vst v63  }
0x201: {  	_ =	swait.ge [sflag:s4], $0x5000  }
0x202: {  	[sflag:s4] =	ssyncset.done $0x0  }
0x203: {  	[sflag:s4] =	ssyncadd.s32 $0xFFFFB000  }
0x204: {  	_ =	swait.ge [sflag:s4], $0x5000  }
0x205: {  	[sflag:s4] =	ssyncset.done $0x0  }
0x206: {  	s9 =	sadd.s32 $0x1, s9;
	[sflag:s4] =	ssyncadd.s32 $0xFFFFB000  }
0x207: {  	[hbm4b:s26+s2] =	stream.linear.scatter [tilespmem:s6], [sflag:$0x2], $0xA000, $0x38;
	[tilespmem:$0x1C340] =	vst v63  }
0x208: {  	p1 =	sne.s32 s9, s28;
	_ =	swait.ge [sflag:s8], $0xA000  }
.Ltmp20:
0x209: {  	[sflag:s8] =	ssyncset.done $0x0;
	(pc) =	sbr.rel @p1 .LBB2_1-.Ltmp20, $4  }
0x20a: {  	[sflag:s8] =	ssyncadd.s32 $0xFFFF6000  }
0x20b: {  	_ =	swait.ge [sflag:s8], $0xA000  }
0x20c: {  	[sflag:s8] =	ssyncset.done $0x0  }
0x20d: {  	[sflag:s8] =	ssyncadd.s32 $0xFFFF6000  }
0x20e: {  	_ =	sfence.sel $0x180000  }
0x20f: {  	[bflag:$0x0] =	sbarrier.arrive $0xFFFF  }
0x210: {  	_ =	strace $0x90000047  }
0x211: {  	[bflag:$0x2] =	sbarrier.arrive $0xFFFF  }
0x212: {  	s0 =	rddreg [dreg:$0x3]  }
0x213: {  	s0 =	sadd.s32 @!p0 $0x100000, s0  }
0x214: {  	[sflag:s0] =	ssyncadd.tile.s32 @!p0 $0x1;
	_ =	shalt  }
.Lfunc_end2:
_tile_overlayer_lowered:
.L_overlay_start_2:
0x215: {  	(tag) =	ssettag $0x2  }
0x216: {  	s0 =	rddreg [dreg:$0x0];
	s2 =	stileid.u32  }
0x217: {  	s1 =	rddreg [dreg:$0x1];
	p0 =	sne.s32 s2, $0x0  }
0x218: {  	s3 =	rddreg [dreg:$0x2];
	[bflag:$0x3] =	sbarrier.arrive $0xFFFF;
	s2 =	simm.s32 @!p0 $0x1C03  }
0x219: {  	[timem:s3], [sflag:s2] =	dma.local @!p0 [hbm:s0], s1  }
0x21a: {  	s0 =	simm.s32 @!p0 $0x3  }
0x21b: {  	_ =	swait.ge @!p0 [sflag:s0], s1  }
0x21c: {  	s1 =	ssub.s32 @!p0 $0x0, s1;
	[sflag:s0] =	ssyncset.done @!p0 $0x0  }
0x21d: {  	[sflag:s0] =	ssyncadd.s32 @!p0 s1  }
0x21e: {  	[bflag:$0x3] =	sbarrier.arrive $0xFFFF  }
0x21f: {  	_ =	shalt  }

</sc_bundles>
